<compile_context>
chip_gen: v7x
topology: tpu7x:2x2x1
jax: 0.10.2.dev20260603
libtpu: 0.0.44.dev20260713+nightly
codegen_flags: <defaults>
</compile_context>

<pallas_src>
import functools

import jax
import jax.numpy as jnp
from jax import lax
from jax.experimental import pallas as pl
from jax.experimental.pallas import tpu as pltpu
from jax.experimental.pallas import tpu_sc as plsc

_N = 10000
_K = 16
_D = 128
_DP = _D // 2
_H = 256
_E = _N * _K


_P = 5
_EP = _E // _P
_CH = 128
_NCHUNK = _EP // _CH
_NC = 2
_NS = 16
_NW = _NC * _NS


def _sc_gather_kernel(x_hbm, recv_hbm, send_hbm, rec_out, snd_out,
                      ridx, rrows, sidx, srows, rsem, ssem):
    wid = lax.axis_index("s") * _NC + lax.axis_index("c")
    nt = (_NCHUNK - wid + _NW - 1) // _NW

    def body(t, carry):
        base = (wid + t * _NW) * _CH
        pltpu.sync_copy(recv_hbm.at[pl.ds(base, _CH)], ridx)
        pltpu.sync_copy(send_hbm.at[pl.ds(base, _CH)], sidx)
        r1 = pltpu.async_copy(x_hbm.at[ridx], rrows, rsem)
        r2 = pltpu.async_copy(x_hbm.at[sidx], srows, ssem)
        r1.wait()
        r2.wait()
        pltpu.sync_copy(rrows, rec_out.at[pl.ds(base, _CH)])
        pltpu.sync_copy(srows, snd_out.at[pl.ds(base, _CH)])
        return carry

    lax.fori_loop(0, nt, body, 0)


@functools.cache
def _sc_gather():
    return pl.kernel(
        _sc_gather_kernel,
        mesh=plsc.VectorSubcoreMesh(core_axis_name="c", subcore_axis_name="s"),
        out_type=(
            jax.ShapeDtypeStruct((_EP, _D), jnp.float32),
            jax.ShapeDtypeStruct((_EP, _D), jnp.float32),
        ),
        scratch_types=[
            pltpu.VMEM((_CH,), jnp.int32),
            pltpu.VMEM((_CH, _D), jnp.float32),
            pltpu.VMEM((_CH,), jnp.int32),
            pltpu.VMEM((_CH, _D), jnp.float32),
            pltpu.SemaphoreType.DMA,
            pltpu.SemaphoreType.DMA,
        ],
    )



_NB = 500
_BE = _NB * _K
_GRID = _N // _NB
_SPP = _GRID // _P
_NNB = 1000


def _ln(h, g, bt):
    mu = jnp.mean(h, axis=-1, keepdims=True)
    var = jnp.mean((h - mu) * (h - mu), axis=-1, keepdims=True)
    return g * ((h - mu) * lax.rsqrt(var + 1e-5)) + bt


def _tc_kernel(rec, snd, ea,
               w1r, w1s, w1e, b1, w2, b2, w3, b3, g, bt,
               m_out, s_out):
    f32 = jnp.float32
    bf = jnp.bfloat16
    h = jnp.dot(rec[...].astype(bf), w1r[...], preferred_element_type=f32)
    h = h + jnp.dot(snd[...].astype(bf), w1s[...], preferred_element_type=f32)
    h = h + jnp.dot(ea[...].astype(bf), w1e[...], preferred_element_type=f32)
    h = jax.nn.relu(h + b1[...])
    h = jax.nn.relu(jnp.dot(h.astype(bf), w2[...], preferred_element_type=f32)
                    + b2[...])
    m = jnp.dot(h.astype(bf), w3[...], preferred_element_type=f32) + b3[...]
    mln = _ln(m, g[...], bt[...])
    m_out[...] = mln
    grp = (lax.broadcasted_iota(jnp.int32, (_D, 8), 0) // 16
           == lax.broadcasted_iota(jnp.int32, (_D, 8), 1))
    s_out[...] = jnp.dot(mln, grp.astype(f32), preferred_element_type=f32)


def _node_kernel(xin, nw1, nb1, nw2, nb2, nw3, nb3, ng, nbt, x_out):
    f32 = jnp.float32
    bf = jnp.bfloat16
    h = jax.nn.relu(
        jnp.dot(xin[...].astype(bf), nw1[...], preferred_element_type=f32)
        + nb1[...])
    h = jax.nn.relu(jnp.dot(h.astype(bf), nw2[...], preferred_element_type=f32)
                    + nb2[...])
    y = jnp.dot(h.astype(bf), nw3[...], preferred_element_type=f32) + nb3[...]
    x_out[...] = _ln(y, ng[...], nbt[...])


def _const(shape):
    return pl.BlockSpec(shape, lambda i: tuple(0 for _ in shape))


def _tc_edge_part(part, rec_p, snd_p, ea, ws, m_prev, s_prev,
                  interpret=False):
    (w1r, w1s, w1e, b1, w2, b2, w3, b3, g, bt,
     nw1, nb1, nw2, nb2, nw3, nb3, ng, nbt) = ws
    off = part * _SPP
    part_spec = pl.BlockSpec((_BE, _D), lambda i: (i, 0))
    full_spec = pl.BlockSpec((_BE, _D), lambda i: (i + off, 0))
    in_specs = [
        part_spec, part_spec, full_spec,
        _const((_D, _H)), _const((_D, _H)), _const((_D, _H)),
        _const((1, _H)),
        _const((_H, _H)), _const((1, _H)),
        _const((_H, _D)), _const((1, _D)),
        _const((1, _D)), _const((1, _D)),
    ]
    args = [rec_p, snd_p, ea, w1r, w1s, w1e, b1, w2, b2, w3, b3, g, bt]
    aliases = {}
    if m_prev is not None:
        in_specs += [pl.BlockSpec(memory_space=pl.ANY),
                     pl.BlockSpec(memory_space=pl.ANY)]
        args += [m_prev, s_prev]
        aliases = {13: 0, 14: 1}

    def body(*refs):
        _tc_kernel(*refs[:13], refs[-2], refs[-1])

    m, s = pl.pallas_call(
        body,
        grid=(_SPP,),
        in_specs=in_specs,
        out_specs=[
            pl.BlockSpec((_BE, _D), lambda i: (i + off, 0)),
            pl.BlockSpec((_BE, 8), lambda i: (i + off, 0)),
        ],
        out_shape=[
            jax.ShapeDtypeStruct((_E, _D), jnp.float32),
            jax.ShapeDtypeStruct((_E, 8), jnp.float32),
        ],
        input_output_aliases=aliases,
        compiler_params=pltpu.CompilerParams(
            vmem_limit_bytes=100 * 1024 * 1024),
        interpret=interpret,
    )(*args)
    return m, s


def _node_call(s, ws, interpret=False):
    (w1r, w1s, w1e, b1, w2, b2, w3, b3, g, bt,
     nw1, nb1, nw2, nb2, nw3, nb3, ng, nbt) = ws
    xin = s.reshape(_N, _D)
    x_out = pl.pallas_call(
        _node_kernel,
        grid=(_N // _NNB,),
        in_specs=[
            pl.BlockSpec((_NNB, _D), lambda i: (i, 0)),
            _const((_D, _H)), _const((1, _H)),
            _const((_H, _H)), _const((1, _H)),
            _const((_H, _D)), _const((1, _D)),
            _const((1, _D)), _const((1, _D)),
        ],
        out_specs=pl.BlockSpec((_NNB, _D), lambda i: (i, 0)),
        out_shape=jax.ShapeDtypeStruct((_N, _D), jnp.float32),
        interpret=interpret,
    )(xin, nw1, nb1, nw2, nb2, nw3, nb3, ng, nbt)
    return x_out


def _prep_weights(eW1, eb1, eW2, eb2, eW3, eb3, eg, ebt,
                  nW1, nb1, nW2, nb2, nW3, nb3, ng, nbt):
    bf = jnp.bfloat16
    return (eW1[:_D].astype(bf), eW1[_D:2 * _D].astype(bf),
            eW1[2 * _D:].astype(bf),
            eb1.reshape(1, _H), eW2.astype(bf), eb2.reshape(1, _H),
            eW3.astype(bf), eb3.reshape(1, _D),
            eg.reshape(1, _D), ebt.reshape(1, _D),
            nW1.astype(bf), nb1.reshape(1, _H),
            nW2.astype(bf), nb2.reshape(1, _H),
            nW3.astype(bf), nb3.reshape(1, _D),
            ng.reshape(1, _D), nbt.reshape(1, _D))


def kernel(x, edge_attr, senders, receivers, n_atoms,
           eW1, eb1, eW2, eb2, eW3, eb3, eg, ebt,
           nW1, nb1, nW2, nb2, nW3, nb3, ng, nbt):
    ws = _prep_weights(eW1, eb1, eW2, eb2, eW3, eb3, eg, ebt,
                       nW1, nb1, nW2, nb2, nW3, nb3, ng, nbt)
    gath = _sc_gather()
    m = s = None
    for p in range(_P):
        rec_p, snd_p = gath(x,
                            lax.slice(receivers, (p * _EP,), ((p + 1) * _EP,)),
                            lax.slice(senders, (p * _EP,), ((p + 1) * _EP,)))
        m, s = _tc_edge_part(p, rec_p, snd_p, edge_attr, ws, m, s)
    x_out = _node_call(s, ws)
    return (x_out, m)

# --- scband reference (transcript-rebuilt; emitter-appended) ---
"""Pipeline reference for scband-mpnn-50414326120521 (READ-ONLY COPY).

The authoritative reference and input builder live on the scoring server;
editing this copy changes nothing except your own understanding.
"""

import jax, jax.numpy as jnp
import numpy as np

N_ATOMS = 10000
K = 16
D = 128
H = 256
E = N_ATOMS * K

def _mlp_ln(h, W1, b1, W2, b2, W3, b3, g, bt):
    h = jax.nn.relu(h @ W1 + b1)
    h = jax.nn.relu(h @ W2 + b2)
    h = h @ W3 + b3
    mu = jnp.mean(h, axis=-1, keepdims=True)
    var = jnp.var(h, axis=-1, keepdims=True)
    return g * (h - mu) / jnp.sqrt(var + 1e-5) + bt

def _init_mlp(key, din, dh, dout):
    ks = jax.random.split(key, 3)
    W1 = jax.random.normal(ks[0], (din, dh), jnp.float32) / np.sqrt(din)
    b1 = jnp.zeros((dh,), jnp.float32)
    W2 = jax.random.normal(ks[1], (dh, dh), jnp.float32) / np.sqrt(dh)
    b2 = jnp.zeros((dh,), jnp.float32)
    W3 = jax.random.normal(ks[2], (dh, dout), jnp.float32) / np.sqrt(dh)
    b3 = jnp.zeros((dout,), jnp.float32)
    g = jnp.ones((dout,), jnp.float32)
    bt = jnp.zeros((dout,), jnp.float32)
    return W1, b1, W2, b2, W3, b3, g, bt

def setup_inputs(seed: int = 0):
    key = jax.random.key(seed)
    k1, k2, k3, k4, k5, k6 = jax.random.split(key, 6)
    x = jax.random.normal(k1, (N_ATOMS, D), jnp.float32)
    edge_attr = jax.random.normal(k2, (E, D), jnp.float32)
    senders = jax.random.randint(k3, (E,), 0, N_ATOMS, jnp.int32)
    receivers = jax.random.randint(k4, (E,), 0, N_ATOMS, jnp.int32)
    eW1, eb1, eW2, eb2, eW3, eb3, eg, ebt = _init_mlp(k5, 3 * D, H, D)
    nW1, nb1, nW2, nb2, nW3, nb3, ng, nbt = _init_mlp(k6, D, H, D)
    return {"x": x, "edge_attr": edge_attr, "senders": senders, "receivers": receivers,
            "n_atoms": N_ATOMS,
            "eW1": eW1, "eb1": eb1, "eW2": eW2, "eb2": eb2, "eW3": eW3, "eb3": eb3, "eg": eg, "ebt": ebt,
            "nW1": nW1, "nb1": nb1, "nW2": nW2, "nb2": nb2, "nW3": nW3, "nb3": nb3, "ng": ng, "nbt": nbt}

def reference(x, edge_attr, senders, receivers, n_atoms,
              eW1, eb1, eW2, eb2, eW3, eb3, eg, ebt,
              nW1, nb1, nW2, nb2, nW3, nb3, ng, nbt):
    # edge update: gather endpoint features (SparseCore gather), concat, MLP+LN
    feat = jnp.concatenate([jnp.take(x, receivers, axis=0), jnp.take(x, senders, axis=0), edge_attr], axis=-1)
    m = _mlp_ln(feat, eW1, eb1, eW2, eb2, eW3, eb3, eg, ebt)
    # faithful to torch: m.view(n_atoms, 128, k).sum(-1)
    xin = m.reshape(x.shape[0], D, K).sum(-1) + (jnp.asarray(n_atoms) * 0).astype(jnp.float32)
    x_out = _mlp_ln(xin, nW1, nb1, nW2, nb2, nW3, nb3, ng, nbt)
    # P.x = x_out, P.edge_attr = m
    return (x_out, m)

if __name__ == "__main__":
    import jax
    _d = setup_inputs()
    print(jax.jit(kernel)(*tuple(_d.values())))

</pallas_src>

<mosaic_0001>
#map = affine_map<(d0, d1) -> (0, 0)>
#map1 = affine_map<(d0, d1) -> (0)>
module attributes {stable_mosaic.version = 14 : i64} {
  func.func @_sc_gather_kernel(%arg0: i32, %arg1: i32, %arg2: memref<10000x128xf32, #tpu.memory_space<hbm>>, %arg3: memref<32000xi32, #tpu.memory_space<hbm>>, %arg4: memref<32000xi32, #tpu.memory_space<hbm>>, %arg5: memref<32000x128xf32, #tpu.memory_space<hbm>>, %arg6: memref<32000x128xf32, #tpu.memory_space<hbm>>, %arg7: memref<128xi32, #tpu.memory_space<vmem>>, %arg8: memref<128x128xf32, #tpu.memory_space<vmem>>, %arg9: memref<128xi32, #tpu.memory_space<vmem>>, %arg10: memref<128x128xf32, #tpu.memory_space<vmem>>, %arg11: memref<!tpu.dma_semaphore, #tpu.memory_space<semaphore_mem>>, %arg12: memref<!tpu.dma_semaphore, #tpu.memory_space<semaphore_mem>>) attributes {dimension_semantics = [#tpu.dimension_semantics<core_parallel>, #tpu.dimension_semantics<subcore_parallel>], iteration_bounds = array<i64: 2, 16>, scalar_prefetch = 0 : i64, scratch_operands = 6 : i64, tpu.core_type = #tpu.core_type<sc_vector_subcore>, window_params = [{transform_indices = #map}, {transform_indices = #map1}, {transform_indices = #map1}, {transform_indices = #map}, {transform_indices = #map}]} {
    %mul3A = arith.constant 2 : i32
    %mul3A_0 = arith.muli %arg1, %mul3A : i32
    %add3A = arith.addi %mul3A_0, %arg0 : i32
    %sub3A = arith.constant 250 : i32
    %sub3A_1 = arith.subi %sub3A, %add3A : i32
    %add3A_2 = arith.constant 32 : i32
    %add3A_3 = arith.addi %sub3A_1, %add3A_2 : i32
    %sub3A_4 = arith.constant 1 : i32
    %sub3A_5 = arith.subi %add3A_3, %sub3A_4 : i32
    %jit3A = arith.constant 32 : i32
    %div3A = arith.divsi %sub3A_5, %jit3A : i32
    %sign3A = arith.constant 0 : i32
    %sign3A_6 = arith.cmpi sgt, %sub3A_5, %sign3A : i32
    %sign3A_7 = arith.extui %sign3A_6 : i1 to i32
    %sign3A_8 = arith.constant 0 : i32
    %sign3A_9 = arith.cmpi slt, %sub3A_5, %sign3A_8 : i32
    %sign3A_10 = arith.extui %sign3A_9 : i1 to i32
    %sign3A_11 = arith.subi %sign3A_7, %sign3A_10 : i32
    %sign3A_12 = arith.constant 0 : i32
    %sign3A_13 = arith.cmpi sgt, %jit3A, %sign3A_12 : i32
    %sign3A_14 = arith.extui %sign3A_13 : i1 to i32
    %sign3A_15 = arith.constant 0 : i32
    %sign3A_16 = arith.cmpi slt, %jit3A, %sign3A_15 : i32
    %sign3A_17 = arith.extui %sign3A_16 : i1 to i32
    %sign3A_18 = arith.subi %sign3A_14, %sign3A_17 : i32
    %ne3A = arith.cmpi ne, %sign3A_11, %sign3A_18 : i32
    %rem3A = arith.remsi %sub3A_5, %jit3A : i32
    %ne3A_19 = arith.constant 0 : i32
    %ne3A_20 = arith.cmpi ne, %rem3A, %ne3A_19 : i32
    %and3A = arith.andi %ne3A, %ne3A_20 : i1
    %sub3A_21 = arith.constant 1 : i32
    %sub3A_22 = arith.subi %div3A, %sub3A_21 : i32
    %select_n3A = arith.select %and3A, %sub3A_22, %div3A : i32
    %while3A = arith.constant 0 : i32
    %while3A_23 = arith.constant 0 : i32
    %while3A_24 = arith.subi %select_n3A, %while3A_23 : i32
    %while3A_25 = arith.addi %while3A_23, %while3A_24 : i32
    %while3A_26 = arith.constant 1 : i32
    %while3A_27 = arith.divsi %while3A_24, %while3A_26 : i32
    %while3A_28 = arith.muli %while3A_27, %while3A_26 : i32
    %while3A_29 = arith.addi %while3A_23, %while3A_28 : i32
    %while3A_30 = arith.constant 1 : i32
    scf.for %while3A_32 = %while3A_23 to %while3A_29 step %while3A_30  : i32 {
      %mul3A_33 = arith.constant 32 : i32
      %mul3A_34 = arith.muli %while3A_32, %mul3A_33 : i32
      %add3A_35 = arith.addi %add3A, %mul3A_34 : i32
      %mul3A_36 = arith.constant 128 : i32
      %mul3A_37 = arith.muli %add3A_35, %mul3A_36 : i32
      "tpu.region"() ({
        %run_scoped3A = tpu.sem_alloc : memref<!tpu.dma_semaphore, #tpu.memory_space<semaphore_mem>>
        %dma_start3A_48 = tpu.memref_slice %arg3[%mul3A_37] : memref<32000xi32, #tpu.memory_space<hbm>> -> memref<128xi32, #tpu.memory_space<hbm>>
        %dma_start3A_49 = tpu.memref_slice %arg3[%mul3A_37] : memref<32000xi32, #tpu.memory_space<hbm>> -> memref<128xi32, #tpu.memory_space<hbm>>
        tpu.enqueue_dma source(%dma_start3A_49 : memref<128xi32, #tpu.memory_space<hbm>>) target(%arg7 : memref<128xi32, #tpu.memory_space<vmem>>) target_semaphore(%run_scoped3A : memref<!tpu.dma_semaphore, #tpu.memory_space<semaphore_mem>>)
        %dma_wait3A_50 = tpu.memref_slice %arg3[%mul3A_37] : memref<32000xi32, #tpu.memory_space<hbm>> -> memref<128xi32, #tpu.memory_space<hbm>>
        %dma_wait3A_51 = tpu.memref_slice %arg3[%mul3A_37] : memref<32000xi32, #tpu.memory_space<hbm>> -> memref<128xi32, #tpu.memory_space<hbm>>
        tpu.wait_dma2 semaphore(%run_scoped3A : memref<!tpu.dma_semaphore, #tpu.memory_space<semaphore_mem>>) src(%dma_wait3A_51 : memref<128xi32, #tpu.memory_space<hbm>>) dst(%arg7 : memref<128xi32, #tpu.memory_space<vmem>>)
        tpu.yield
      }) : () -> ()
      "tpu.region"() ({
        %run_scoped3A = tpu.sem_alloc : memref<!tpu.dma_semaphore, #tpu.memory_space<semaphore_mem>>
        %dma_start3A_48 = tpu.memref_slice %arg4[%mul3A_37] : memref<32000xi32, #tpu.memory_space<hbm>> -> memref<128xi32, #tpu.memory_space<hbm>>
        %dma_start3A_49 = tpu.memref_slice %arg4[%mul3A_37] : memref<32000xi32, #tpu.memory_space<hbm>> -> memref<128xi32, #tpu.memory_space<hbm>>
        tpu.enqueue_dma source(%dma_start3A_49 : memref<128xi32, #tpu.memory_space<hbm>>) target(%arg9 : memref<128xi32, #tpu.memory_space<vmem>>) target_semaphore(%run_scoped3A : memref<!tpu.dma_semaphore, #tpu.memory_space<semaphore_mem>>)
        %dma_wait3A_50 = tpu.memref_slice %arg4[%mul3A_37] : memref<32000xi32, #tpu.memory_space<hbm>> -> memref<128xi32, #tpu.memory_space<hbm>>
        %dma_wait3A_51 = tpu.memref_slice %arg4[%mul3A_37] : memref<32000xi32, #tpu.memory_space<hbm>> -> memref<128xi32, #tpu.memory_space<hbm>>
        tpu.wait_dma2 semaphore(%run_scoped3A : memref<!tpu.dma_semaphore, #tpu.memory_space<semaphore_mem>>) src(%dma_wait3A_51 : memref<128xi32, #tpu.memory_space<hbm>>) dst(%arg9 : memref<128xi32, #tpu.memory_space<vmem>>)
        tpu.yield
      }) : () -> ()
      %dma_start3A = arith.constant 0 : i32
      %dma_start3A_38 = arith.constant 0 : i32
      %dma_start3A_39 = tpu.memref_slice %arg2[%dma_start3A, %dma_start3A_38] : memref<10000x128xf32, #tpu.memory_space<hbm>> -> memref<10000x128xf32, #tpu.memory_space<hbm>>
      tpu.enqueue_indirect_dma source(%dma_start3A_39 : memref<10000x128xf32, #tpu.memory_space<hbm>>) target(%arg8 : memref<128x128xf32, #tpu.memory_space<vmem>>) offsets(%arg7 : memref<128xi32, #tpu.memory_space<vmem>>) semaphore(%arg11 : memref<!tpu.dma_semaphore, #tpu.memory_space<semaphore_mem>>)
      %dma_start3A_40 = arith.constant 0 : i32
      %dma_start3A_41 = arith.constant 0 : i32
      %dma_start3A_42 = tpu.memref_slice %arg2[%dma_start3A_40, %dma_start3A_41] : memref<10000x128xf32, #tpu.memory_space<hbm>> -> memref<10000x128xf32, #tpu.memory_space<hbm>>
      tpu.enqueue_indirect_dma source(%dma_start3A_42 : memref<10000x128xf32, #tpu.memory_space<hbm>>) target(%arg10 : memref<128x128xf32, #tpu.memory_space<vmem>>) offsets(%arg9 : memref<128xi32, #tpu.memory_space<vmem>>) semaphore(%arg12 : memref<!tpu.dma_semaphore, #tpu.memory_space<semaphore_mem>>)
      %dma_wait3A = arith.constant 0 : i32
      %dma_wait3A_43 = arith.constant 0 : i32
      %dma_wait3A_44 = tpu.memref_slice %arg2[%dma_wait3A, %dma_wait3A_43] : memref<10000x128xf32, #tpu.memory_space<hbm>> -> memref<10000x128xf32, #tpu.memory_space<hbm>>
      tpu.wait_indirect_dma semaphore(%arg11 : memref<!tpu.dma_semaphore, #tpu.memory_space<semaphore_mem>>) src(%dma_wait3A_44 : memref<10000x128xf32, #tpu.memory_space<hbm>>) dst(%arg8 : memref<128x128xf32, #tpu.memory_space<vmem>>)
      %dma_wait3A_45 = arith.constant 0 : i32
      %dma_wait3A_46 = arith.constant 0 : i32
      %dma_wait3A_47 = tpu.memref_slice %arg2[%dma_wait3A_45, %dma_wait3A_46] : memref<10000x128xf32, #tpu.memory_space<hbm>> -> memref<10000x128xf32, #tpu.memory_space<hbm>>
      tpu.wait_indirect_dma semaphore(%arg12 : memref<!tpu.dma_semaphore, #tpu.memory_space<semaphore_mem>>) src(%dma_wait3A_47 : memref<10000x128xf32, #tpu.memory_space<hbm>>) dst(%arg10 : memref<128x128xf32, #tpu.memory_space<vmem>>)
      "tpu.region"() ({
        %run_scoped3A = tpu.sem_alloc : memref<!tpu.dma_semaphore, #tpu.memory_space<semaphore_mem>>
        %dma_start3A_48 = arith.constant 0 : i32
        %dma_start3A_49 = tpu.memref_slice %arg5[%mul3A_37, %dma_start3A_48] : memref<32000x128xf32, #tpu.memory_space<hbm>> -> memref<128x128xf32, #tpu.memory_space<hbm>>
        %dma_start3A_50 = arith.constant 0 : i32
        %dma_start3A_51 = tpu.memref_slice %arg5[%mul3A_37, %dma_start3A_50] : memref<32000x128xf32, #tpu.memory_space<hbm>> -> memref<128x128xf32, #tpu.memory_space<hbm>>
        tpu.enqueue_dma source(%arg8 : memref<128x128xf32, #tpu.memory_space<vmem>>) target(%dma_start3A_51 : memref<128x128xf32, #tpu.memory_space<hbm>>) target_semaphore(%run_scoped3A : memref<!tpu.dma_semaphore, #tpu.memory_space<semaphore_mem>>)
        %dma_wait3A_52 = arith.constant 0 : i32
        %dma_wait3A_53 = tpu.memref_slice %arg5[%mul3A_37, %dma_wait3A_52] : memref<32000x128xf32, #tpu.memory_space<hbm>> -> memref<128x128xf32, #tpu.memory_space<hbm>>
        %dma_wait3A_54 = arith.constant 0 : i32
        %dma_wait3A_55 = tpu.memref_slice %arg5[%mul3A_37, %dma_wait3A_54] : memref<32000x128xf32, #tpu.memory_space<hbm>> -> memref<128x128xf32, #tpu.memory_space<hbm>>
        tpu.wait_dma2 semaphore(%run_scoped3A : memref<!tpu.dma_semaphore, #tpu.memory_space<semaphore_mem>>) src(%arg8 : memref<128x128xf32, #tpu.memory_space<vmem>>) dst(%dma_wait3A_55 : memref<128x128xf32, #tpu.memory_space<hbm>>)
        tpu.yield
      }) : () -> ()
      "tpu.region"() ({
        %run_scoped3A = tpu.sem_alloc : memref<!tpu.dma_semaphore, #tpu.memory_space<semaphore_mem>>
        %dma_start3A_48 = arith.constant 0 : i32
        %dma_start3A_49 = tpu.memref_slice %arg6[%mul3A_37, %dma_start3A_48] : memref<32000x128xf32, #tpu.memory_space<hbm>> -> memref<128x128xf32, #tpu.memory_space<hbm>>
        %dma_start3A_50 = arith.constant 0 : i32
        %dma_start3A_51 = tpu.memref_slice %arg6[%mul3A_37, %dma_start3A_50] : memref<32000x128xf32, #tpu.memory_space<hbm>> -> memref<128x128xf32, #tpu.memory_space<hbm>>
        tpu.enqueue_dma source(%arg10 : memref<128x128xf32, #tpu.memory_space<vmem>>) target(%dma_start3A_51 : memref<128x128xf32, #tpu.memory_space<hbm>>) target_semaphore(%run_scoped3A : memref<!tpu.dma_semaphore, #tpu.memory_space<semaphore_mem>>)
        %dma_wait3A_52 = arith.constant 0 : i32
        %dma_wait3A_53 = tpu.memref_slice %arg6[%mul3A_37, %dma_wait3A_52] : memref<32000x128xf32, #tpu.memory_space<hbm>> -> memref<128x128xf32, #tpu.memory_space<hbm>>
        %dma_wait3A_54 = arith.constant 0 : i32
        %dma_wait3A_55 = tpu.memref_slice %arg6[%mul3A_37, %dma_wait3A_54] : memref<32000x128xf32, #tpu.memory_space<hbm>> -> memref<128x128xf32, #tpu.memory_space<hbm>>
        tpu.wait_dma2 semaphore(%run_scoped3A : memref<!tpu.dma_semaphore, #tpu.memory_space<semaphore_mem>>) src(%arg10 : memref<128x128xf32, #tpu.memory_space<vmem>>) dst(%dma_wait3A_55 : memref<128x128xf32, #tpu.memory_space<hbm>>)
        tpu.yield
      }) : () -> ()
    }
    %while3A_31 = arith.constant 1 : i32
    scf.for %while3A_32 = %while3A_29 to %while3A_25 step %while3A_31  : i32 {
      %mul3A_33 = arith.constant 32 : i32
      %mul3A_34 = arith.muli %while3A_32, %mul3A_33 : i32
      %add3A_35 = arith.addi %add3A, %mul3A_34 : i32
      %mul3A_36 = arith.constant 128 : i32
      %mul3A_37 = arith.muli %add3A_35, %mul3A_36 : i32
      "tpu.region"() ({
        %run_scoped3A = tpu.sem_alloc : memref<!tpu.dma_semaphore, #tpu.memory_space<semaphore_mem>>
        %dma_start3A_48 = tpu.memref_slice %arg3[%mul3A_37] : memref<32000xi32, #tpu.memory_space<hbm>> -> memref<128xi32, #tpu.memory_space<hbm>>
        %dma_start3A_49 = tpu.memref_slice %arg3[%mul3A_37] : memref<32000xi32, #tpu.memory_space<hbm>> -> memref<128xi32, #tpu.memory_space<hbm>>
        tpu.enqueue_dma source(%dma_start3A_49 : memref<128xi32, #tpu.memory_space<hbm>>) target(%arg7 : memref<128xi32, #tpu.memory_space<vmem>>) target_semaphore(%run_scoped3A : memref<!tpu.dma_semaphore, #tpu.memory_space<semaphore_mem>>)
        %dma_wait3A_50 = tpu.memref_slice %arg3[%mul3A_37] : memref<32000xi32, #tpu.memory_space<hbm>> -> memref<128xi32, #tpu.memory_space<hbm>>
        %dma_wait3A_51 = tpu.memref_slice %arg3[%mul3A_37] : memref<32000xi32, #tpu.memory_space<hbm>> -> memref<128xi32, #tpu.memory_space<hbm>>
        tpu.wait_dma2 semaphore(%run_scoped3A : memref<!tpu.dma_semaphore, #tpu.memory_space<semaphore_mem>>) src(%dma_wait3A_51 : memref<128xi32, #tpu.memory_space<hbm>>) dst(%arg7 : memref<128xi32, #tpu.memory_space<vmem>>)
        tpu.yield
      }) : () -> ()
      "tpu.region"() ({
        %run_scoped3A = tpu.sem_alloc : memref<!tpu.dma_semaphore, #tpu.memory_space<semaphore_mem>>
        %dma_start3A_48 = tpu.memref_slice %arg4[%mul3A_37] : memref<32000xi32, #tpu.memory_space<hbm>> -> memref<128xi32, #tpu.memory_space<hbm>>
        %dma_start3A_49 = tpu.memref_slice %arg4[%mul3A_37] : memref<32000xi32, #tpu.memory_space<hbm>> -> memref<128xi32, #tpu.memory_space<hbm>>
        tpu.enqueue_dma source(%dma_start3A_49 : memref<128xi32, #tpu.memory_space<hbm>>) target(%arg9 : memref<128xi32, #tpu.memory_space<vmem>>) target_semaphore(%run_scoped3A : memref<!tpu.dma_semaphore, #tpu.memory_space<semaphore_mem>>)
        %dma_wait3A_50 = tpu.memref_slice %arg4[%mul3A_37] : memref<32000xi32, #tpu.memory_space<hbm>> -> memref<128xi32, #tpu.memory_space<hbm>>
        %dma_wait3A_51 = tpu.memref_slice %arg4[%mul3A_37] : memref<32000xi32, #tpu.memory_space<hbm>> -> memref<128xi32, #tpu.memory_space<hbm>>
        tpu.wait_dma2 semaphore(%run_scoped3A : memref<!tpu.dma_semaphore, #tpu.memory_space<semaphore_mem>>) src(%dma_wait3A_51 : memref<128xi32, #tpu.memory_space<hbm>>) dst(%arg9 : memref<128xi32, #tpu.memory_space<vmem>>)
        tpu.yield
      }) : () -> ()
      %dma_start3A = arith.constant 0 : i32
      %dma_start3A_38 = arith.constant 0 : i32
      %dma_start3A_39 = tpu.memref_slice %arg2[%dma_start3A, %dma_start3A_38] : memref<10000x128xf32, #tpu.memory_space<hbm>> -> memref<10000x128xf32, #tpu.memory_space<hbm>>
      tpu.enqueue_indirect_dma source(%dma_start3A_39 : memref<10000x128xf32, #tpu.memory_space<hbm>>) target(%arg8 : memref<128x128xf32, #tpu.memory_space<vmem>>) offsets(%arg7 : memref<128xi32, #tpu.memory_space<vmem>>) semaphore(%arg11 : memref<!tpu.dma_semaphore, #tpu.memory_space<semaphore_mem>>)
      %dma_start3A_40 = arith.constant 0 : i32
      %dma_start3A_41 = arith.constant 0 : i32
      %dma_start3A_42 = tpu.memref_slice %arg2[%dma_start3A_40, %dma_start3A_41] : memref<10000x128xf32, #tpu.memory_space<hbm>> -> memref<10000x128xf32, #tpu.memory_space<hbm>>
      tpu.enqueue_indirect_dma source(%dma_start3A_42 : memref<10000x128xf32, #tpu.memory_space<hbm>>) target(%arg10 : memref<128x128xf32, #tpu.memory_space<vmem>>) offsets(%arg9 : memref<128xi32, #tpu.memory_space<vmem>>) semaphore(%arg12 : memref<!tpu.dma_semaphore, #tpu.memory_space<semaphore_mem>>)
      %dma_wait3A = arith.constant 0 : i32
      %dma_wait3A_43 = arith.constant 0 : i32
      %dma_wait3A_44 = tpu.memref_slice %arg2[%dma_wait3A, %dma_wait3A_43] : memref<10000x128xf32, #tpu.memory_space<hbm>> -> memref<10000x128xf32, #tpu.memory_space<hbm>>
      tpu.wait_indirect_dma semaphore(%arg11 : memref<!tpu.dma_semaphore, #tpu.memory_space<semaphore_mem>>) src(%dma_wait3A_44 : memref<10000x128xf32, #tpu.memory_space<hbm>>) dst(%arg8 : memref<128x128xf32, #tpu.memory_space<vmem>>)
      %dma_wait3A_45 = arith.constant 0 : i32
      %dma_wait3A_46 = arith.constant 0 : i32
      %dma_wait3A_47 = tpu.memref_slice %arg2[%dma_wait3A_45, %dma_wait3A_46] : memref<10000x128xf32, #tpu.memory_space<hbm>> -> memref<10000x128xf32, #tpu.memory_space<hbm>>
      tpu.wait_indirect_dma semaphore(%arg12 : memref<!tpu.dma_semaphore, #tpu.memory_space<semaphore_mem>>) src(%dma_wait3A_47 : memref<10000x128xf32, #tpu.memory_space<hbm>>) dst(%arg10 : memref<128x128xf32, #tpu.memory_space<vmem>>)
      "tpu.region"() ({
        %run_scoped3A = tpu.sem_alloc : memref<!tpu.dma_semaphore, #tpu.memory_space<semaphore_mem>>
        %dma_start3A_48 = arith.constant 0 : i32
        %dma_start3A_49 = tpu.memref_slice %arg5[%mul3A_37, %dma_start3A_48] : memref<32000x128xf32, #tpu.memory_space<hbm>> -> memref<128x128xf32, #tpu.memory_space<hbm>>
        %dma_start3A_50 = arith.constant 0 : i32
        %dma_start3A_51 = tpu.memref_slice %arg5[%mul3A_37, %dma_start3A_50] : memref<32000x128xf32, #tpu.memory_space<hbm>> -> memref<128x128xf32, #tpu.memory_space<hbm>>
        tpu.enqueue_dma source(%arg8 : memref<128x128xf32, #tpu.memory_space<vmem>>) target(%dma_start3A_51 : memref<128x128xf32, #tpu.memory_space<hbm>>) target_semaphore(%run_scoped3A : memref<!tpu.dma_semaphore, #tpu.memory_space<semaphore_mem>>)
        %dma_wait3A_52 = arith.constant 0 : i32
        %dma_wait3A_53 = tpu.memref_slice %arg5[%mul3A_37, %dma_wait3A_52] : memref<32000x128xf32, #tpu.memory_space<hbm>> -> memref<128x128xf32, #tpu.memory_space<hbm>>
        %dma_wait3A_54 = arith.constant 0 : i32
        %dma_wait3A_55 = tpu.memref_slice %arg5[%mul3A_37, %dma_wait3A_54] : memref<32000x128xf32, #tpu.memory_space<hbm>> -> memref<128x128xf32, #tpu.memory_space<hbm>>
        tpu.wait_dma2 semaphore(%run_scoped3A : memref<!tpu.dma_semaphore, #tpu.memory_space<semaphore_mem>>) src(%arg8 : memref<128x128xf32, #tpu.memory_space<vmem>>) dst(%dma_wait3A_55 : memref<128x128xf32, #tpu.memory_space<hbm>>)
        tpu.yield
      }) : () -> ()
      "tpu.region"() ({
        %run_scoped3A = tpu.sem_alloc : memref<!tpu.dma_semaphore, #tpu.memory_space<semaphore_mem>>
        %dma_start3A_48 = arith.constant 0 : i32
        %dma_start3A_49 = tpu.memref_slice %arg6[%mul3A_37, %dma_start3A_48] : memref<32000x128xf32, #tpu.memory_space<hbm>> -> memref<128x128xf32, #tpu.memory_space<hbm>>
        %dma_start3A_50 = arith.constant 0 : i32
        %dma_start3A_51 = tpu.memref_slice %arg6[%mul3A_37, %dma_start3A_50] : memref<32000x128xf32, #tpu.memory_space<hbm>> -> memref<128x128xf32, #tpu.memory_space<hbm>>
        tpu.enqueue_dma source(%arg10 : memref<128x128xf32, #tpu.memory_space<vmem>>) target(%dma_start3A_51 : memref<128x128xf32, #tpu.memory_space<hbm>>) target_semaphore(%run_scoped3A : memref<!tpu.dma_semaphore, #tpu.memory_space<semaphore_mem>>)
        %dma_wait3A_52 = arith.constant 0 : i32
        %dma_wait3A_53 = tpu.memref_slice %arg6[%mul3A_37, %dma_wait3A_52] : memref<32000x128xf32, #tpu.memory_space<hbm>> -> memref<128x128xf32, #tpu.memory_space<hbm>>
        %dma_wait3A_54 = arith.constant 0 : i32
        %dma_wait3A_55 = tpu.memref_slice %arg6[%mul3A_37, %dma_wait3A_54] : memref<32000x128xf32, #tpu.memory_space<hbm>> -> memref<128x128xf32, #tpu.memory_space<hbm>>
        tpu.wait_dma2 semaphore(%run_scoped3A : memref<!tpu.dma_semaphore, #tpu.memory_space<semaphore_mem>>) src(%arg10 : memref<128x128xf32, #tpu.memory_space<vmem>>) dst(%dma_wait3A_55 : memref<128x128xf32, #tpu.memory_space<hbm>>)
        tpu.yield
      }) : () -> ()
    }
    return
  }
}

#map = affine_map<(d0, d1) -> (0, 0)>
#map1 = affine_map<(d0, d1) -> (0)>
module attributes {stable_mosaic.version = 14 : i64} {
  func.func @_sc_gather_kernel(%arg0: i32, %arg1: i32, %arg2: memref<10000x128xf32, #tpu.memory_space<hbm>>, %arg3: memref<32000xi32, #tpu.memory_space<hbm>>, %arg4: memref<32000xi32, #tpu.memory_space<hbm>>, %arg5: memref<32000x128xf32, #tpu.memory_space<hbm>>, %arg6: memref<32000x128xf32, #tpu.memory_space<hbm>>, %arg7: memref<128xi32, #tpu.memory_space<vmem>>, %arg8: memref<128x128xf32, #tpu.memory_space<vmem>>, %arg9: memref<128xi32, #tpu.memory_space<vmem>>, %arg10: memref<128x128xf32, #tpu.memory_space<vmem>>, %arg11: memref<!tpu.dma_semaphore, #tpu.memory_space<semaphore_mem>>, %arg12: memref<!tpu.dma_semaphore, #tpu.memory_space<semaphore_mem>>) attributes {dimension_semantics = [#tpu.dimension_semantics<core_parallel>, #tpu.dimension_semantics<subcore_parallel>], iteration_bounds = array<i64: 2, 16>, scalar_prefetch = 0 : i64, scratch_operands = 6 : i64, tpu.core_type = #tpu.core_type<sc_vector_subcore>, window_params = [{transform_indices = #map}, {transform_indices = #map1}, {transform_indices = #map1}, {transform_indices = #map}, {transform_indices = #map}]} {
    %mul3A = arith.constant 2 : i32
    %mul3A_0 = arith.muli %arg1, %mul3A : i32
    %add3A = arith.addi %mul3A_0, %arg0 : i32
    %sub3A = arith.constant 250 : i32
    %sub3A_1 = arith.subi %sub3A, %add3A : i32
    %add3A_2 = arith.constant 32 : i32
    %add3A_3 = arith.addi %sub3A_1, %add3A_2 : i32
    %sub3A_4 = arith.constant 1 : i32
    %sub3A_5 = arith.subi %add3A_3, %sub3A_4 : i32
    %jit3A = arith.constant 32 : i32
    %div3A = arith.divsi %sub3A_5, %jit3A : i32
    %sign3A = arith.constant 0 : i32
    %sign3A_6 = arith.cmpi sgt, %sub3A_5, %sign3A : i32
    %sign3A_7 = arith.extui %sign3A_6 : i1 to i32
    %sign3A_8 = arith.constant 0 : i32
    %sign3A_9 = arith.cmpi slt, %sub3A_5, %sign3A_8 : i32
    %sign3A_10 = arith.extui %sign3A_9 : i1 to i32
    %sign3A_11 = arith.subi %sign3A_7, %sign3A_10 : i32
    %sign3A_12 = arith.constant 0 : i32
    %sign3A_13 = arith.cmpi sgt, %jit3A, %sign3A_12 : i32
    %sign3A_14 = arith.extui %sign3A_13 : i1 to i32
    %sign3A_15 = arith.constant 0 : i32
    %sign3A_16 = arith.cmpi slt, %jit3A, %sign3A_15 : i32
    %sign3A_17 = arith.extui %sign3A_16 : i1 to i32
    %sign3A_18 = arith.subi %sign3A_14, %sign3A_17 : i32
    %ne3A = arith.cmpi ne, %sign3A_11, %sign3A_18 : i32
    %rem3A = arith.remsi %sub3A_5, %jit3A : i32
    %ne3A_19 = arith.constant 0 : i32
    %ne3A_20 = arith.cmpi ne, %rem3A, %ne3A_19 : i32
    %and3A = arith.andi %ne3A, %ne3A_20 : i1
    %sub3A_21 = arith.constant 1 : i32
    %sub3A_22 = arith.subi %div3A, %sub3A_21 : i32
    %select_n3A = arith.select %and3A, %sub3A_22, %div3A : i32
    %while3A = arith.constant 0 : i32
    %while3A_23 = arith.constant 0 : i32
    %while3A_24 = arith.subi %select_n3A, %while3A_23 : i32
    %while3A_25 = arith.addi %while3A_23, %while3A_24 : i32
    %while3A_26 = arith.constant 1 : i32
    %while3A_27 = arith.divsi %while3A_24, %while3A_26 : i32
    %while3A_28 = arith.muli %while3A_27, %while3A_26 : i32
    %while3A_29 = arith.addi %while3A_23, %while3A_28 : i32
    %while3A_30 = arith.constant 1 : i32
    scf.for %while3A_32 = %while3A_23 to %while3A_29 step %while3A_30  : i32 {
      %mul3A_33 = arith.constant 32 : i32
      %mul3A_34 = arith.muli %while3A_32, %mul3A_33 : i32
      %add3A_35 = arith.addi %add3A, %mul3A_34 : i32
      %mul3A_36 = arith.constant 128 : i32
      %mul3A_37 = arith.muli %add3A_35, %mul3A_36 : i32
      "tpu.region"() ({
        %run_scoped3A = tpu.sem_alloc : memref<!tpu.dma_semaphore, #tpu.memory_space<semaphore_mem>>
        %dma_start3A_48 = tpu.memref_slice %arg3[%mul3A_37] : memref<32000xi32, #tpu.memory_space<hbm>> -> memref<128xi32, #tpu.memory_space<hbm>>
        %dma_start3A_49 = tpu.memref_slice %arg3[%mul3A_37] : memref<32000xi32, #tpu.memory_space<hbm>> -> memref<128xi32, #tpu.memory_space<hbm>>
        tpu.enqueue_dma source(%dma_start3A_49 : memref<128xi32, #tpu.memory_space<hbm>>) target(%arg7 : memref<128xi32, #tpu.memory_space<vmem>>) target_semaphore(%run_scoped3A : memref<!tpu.dma_semaphore, #tpu.memory_space<semaphore_mem>>)
        %dma_wait3A_50 = tpu.memref_slice %arg3[%mul3A_37] : memref<32000xi32, #tpu.memory_space<hbm>> -> memref<128xi32, #tpu.memory_space<hbm>>
        %dma_wait3A_51 = tpu.memref_slice %arg3[%mul3A_37] : memref<32000xi32, #tpu.memory_space<hbm>> -> memref<128xi32, #tpu.memory_space<hbm>>
        tpu.wait_dma2 semaphore(%run_scoped3A : memref<!tpu.dma_semaphore, #tpu.memory_space<semaphore_mem>>) src(%dma_wait3A_51 : memref<128xi32, #tpu.memory_space<hbm>>) dst(%arg7 : memref<128xi32, #tpu.memory_space<vmem>>)
        tpu.yield
      }) : () -> ()
      "tpu.region"() ({
        %run_scoped3A = tpu.sem_alloc : memref<!tpu.dma_semaphore, #tpu.memory_space<semaphore_mem>>
        %dma_start3A_48 = tpu.memref_slice %arg4[%mul3A_37] : memref<32000xi32, #tpu.memory_space<hbm>> -> memref<128xi32, #tpu.memory_space<hbm>>
        %dma_start3A_49 = tpu.memref_slice %arg4[%mul3A_37] : memref<32000xi32, #tpu.memory_space<hbm>> -> memref<128xi32, #tpu.memory_space<hbm>>
        tpu.enqueue_dma source(%dma_start3A_49 : memref<128xi32, #tpu.memory_space<hbm>>) target(%arg9 : memref<128xi32, #tpu.memory_space<vmem>>) target_semaphore(%run_scoped3A : memref<!tpu.dma_semaphore, #tpu.memory_space<semaphore_mem>>)
        %dma_wait3A_50 = tpu.memref_slice %arg4[%mul3A_37] : memref<32000xi32, #tpu.memory_space<hbm>> -> memref<128xi32, #tpu.memory_space<hbm>>
        %dma_wait3A_51 = tpu.memref_slice %arg4[%mul3A_37] : memref<32000xi32, #tpu.memory_space<hbm>> -> memref<128xi32, #tpu.memory_space<hbm>>
        tpu.wait_dma2 semaphore(%run_scoped3A : memref<!tpu.dma_semaphore, #tpu.memory_space<semaphore_mem>>) src(%dma_wait3A_51 : memref<128xi32, #tpu.memory_space<hbm>>) dst(%arg9 : memref<128xi32, #tpu.memory_space<vmem>>)
        tpu.yield
      }) : () -> ()
      %dma_start3A = arith.constant 0 : i32
      %dma_start3A_38 = arith.constant 0 : i32
      %dma_start3A_39 = tpu.memref_slice %arg2[%dma_start3A, %dma_start3A_38] : memref<10000x128xf32, #tpu.memory_space<hbm>> -> memref<10000x128xf32, #tpu.memory_space<hbm>>
      tpu.enqueue_indirect_dma source(%dma_start3A_39 : memref<10000x128xf32, #tpu.memory_space<hbm>>) target(%arg8 : memref<128x128xf32, #tpu.memory_space<vmem>>) offsets(%arg7 : memref<128xi32, #tpu.memory_space<vmem>>) semaphore(%arg11 : memref<!tpu.dma_semaphore, #tpu.memory_space<semaphore_mem>>)
      %dma_start3A_40 = arith.constant 0 : i32
      %dma_start3A_41 = arith.constant 0 : i32
      %dma_start3A_42 = tpu.memref_slice %arg2[%dma_start3A_40, %dma_start3A_41] : memref<10000x128xf32, #tpu.memory_space<hbm>> -> memref<10000x128xf32, #tpu.memory_space<hbm>>
      tpu.enqueue_indirect_dma source(%dma_start3A_42 : memref<10000x128xf32, #tpu.memory_space<hbm>>) target(%arg10 : memref<128x128xf32, #tpu.memory_space<vmem>>) offsets(%arg9 : memref<128xi32, #tpu.memory_space<vmem>>) semaphore(%arg12 : memref<!tpu.dma_semaphore, #tpu.memory_space<semaphore_mem>>)
      %dma_wait3A = arith.constant 0 : i32
      %dma_wait3A_43 = arith.constant 0 : i32
      %dma_wait3A_44 = tpu.memref_slice %arg2[%dma_wait3A, %dma_wait3A_43] : memref<10000x128xf32, #tpu.memory_space<hbm>> -> memref<10000x128xf32, #tpu.memory_space<hbm>>
      tpu.wait_indirect_dma semaphore(%arg11 : memref<!tpu.dma_semaphore, #tpu.memory_space<semaphore_mem>>) src(%dma_wait3A_44 : memref<10000x128xf32, #tpu.memory_space<hbm>>) dst(%arg8 : memref<128x128xf32, #tpu.memory_space<vmem>>)
      %dma_wait3A_45 = arith.constant 0 : i32
      %dma_wait3A_46 = arith.constant 0 : i32
      %dma_wait3A_47 = tpu.memref_slice %arg2[%dma_wait3A_45, %dma_wait3A_46] : memref<10000x128xf32, #tpu.memory_space<hbm>> -> memref<10000x128xf32, #tpu.memory_space<hbm>>
      tpu.wait_indirect_dma semaphore(%arg12 : memref<!tpu.dma_semaphore, #tpu.memory_space<semaphore_mem>>) src(%dma_wait3A_47 : memref<10000x128xf32, #tpu.memory_space<hbm>>) dst(%arg10 : memref<128x128xf32, #tpu.memory_space<vmem>>)
      "tpu.region"() ({
        %run_scoped3A = tpu.sem_alloc : memref<!tpu.dma_semaphore, #tpu.memory_space<semaphore_mem>>
        %dma_start3A_48 = arith.constant 0 : i32
        %dma_start3A_49 = tpu.memref_slice %arg5[%mul3A_37, %dma_start3A_48] : memref<32000x128xf32, #tpu.memory_space<hbm>> -> memref<128x128xf32, #tpu.memory_space<hbm>>
        %dma_start3A_50 = arith.constant 0 : i32
        %dma_start3A_51 = tpu.memref_slice %arg5[%mul3A_37, %dma_start3A_50] : memref<32000x128xf32, #tpu.memory_space<hbm>> -> memref<128x128xf32, #tpu.memory_space<hbm>>
        tpu.enqueue_dma source(%arg8 : memref<128x128xf32, #tpu.memory_space<vmem>>) target(%dma_start3A_51 : memref<128x128xf32, #tpu.memory_space<hbm>>) target_semaphore(%run_scoped3A : memref<!tpu.dma_semaphore, #tpu.memory_space<semaphore_mem>>)
        %dma_wait3A_52 = arith.constant 0 : i32
        %dma_wait3A_53 = tpu.memref_slice %arg5[%mul3A_37, %dma_wait3A_52] : memref<32000x128xf32, #tpu.memory_space<hbm>> -> memref<128x128xf32, #tpu.memory_space<hbm>>
        %dma_wait3A_54 = arith.constant 0 : i32
        %dma_wait3A_55 = tpu.memref_slice %arg5[%mul3A_37, %dma_wait3A_54] : memref<32000x128xf32, #tpu.memory_space<hbm>> -> memref<128x128xf32, #tpu.memory_space<hbm>>
        tpu.wait_dma2 semaphore(%run_scoped3A : memref<!tpu.dma_semaphore, #tpu.memory_space<semaphore_mem>>) src(%arg8 : memref<128x128xf32, #tpu.memory_space<vmem>>) dst(%dma_wait3A_55 : memref<128x128xf32, #tpu.memory_space<hbm>>)
        tpu.yield
      }) : () -> ()
      "tpu.region"() ({
        %run_scoped3A = tpu.sem_alloc : memref<!tpu.dma_semaphore, #tpu.memory_space<semaphore_mem>>
        %dma_start3A_48 = arith.constant 0 : i32
        %dma_start3A_49 = tpu.memref_slice %arg6[%mul3A_37, %dma_start3A_48] : memref<32000x128xf32, #tpu.memory_space<hbm>> -> memref<128x128xf32, #tpu.memory_space<hbm>>
        %dma_start3A_50 = arith.constant 0 : i32
        %dma_start3A_51 = tpu.memref_slice %arg6[%mul3A_37, %dma_start3A_50] : memref<32000x128xf32, #tpu.memory_space<hbm>> -> memref<128x128xf32, #tpu.memory_space<hbm>>
        tpu.enqueue_dma source(%arg10 : memref<128x128xf32, #tpu.memory_space<vmem>>) target(%dma_start3A_51 : memref<128x128xf32, #tpu.memory_space<hbm>>) target_semaphore(%run_scoped3A : memref<!tpu.dma_semaphore, #tpu.memory_space<semaphore_mem>>)
        %dma_wait3A_52 = arith.constant 0 : i32
        %dma_wait3A_53 = tpu.memref_slice %arg6[%mul3A_37, %dma_wait3A_52] : memref<32000x128xf32, #tpu.memory_space<hbm>> -> memref<128x128xf32, #tpu.memory_space<hbm>>
        %dma_wait3A_54 = arith.constant 0 : i32
        %dma_wait3A_55 = tpu.memref_slice %arg6[%mul3A_37, %dma_wait3A_54] : memref<32000x128xf32, #tpu.memory_space<hbm>> -> memref<128x128xf32, #tpu.memory_space<hbm>>
        tpu.wait_dma2 semaphore(%run_scoped3A : memref<!tpu.dma_semaphore, #tpu.memory_space<semaphore_mem>>) src(%arg10 : memref<128x128xf32, #tpu.memory_space<vmem>>) dst(%dma_wait3A_55 : memref<128x128xf32, #tpu.memory_space<hbm>>)
        tpu.yield
      }) : () -> ()
    }
    %while3A_31 = arith.constant 1 : i32
    scf.for %while3A_32 = %while3A_29 to %while3A_25 step %while3A_31  : i32 {
      %mul3A_33 = arith.constant 32 : i32
      %mul3A_34 = arith.muli %while3A_32, %mul3A_33 : i32
      %add3A_35 = arith.addi %add3A, %mul3A_34 : i32
      %mul3A_36 = arith.constant 128 : i32
      %mul3A_37 = arith.muli %add3A_35, %mul3A_36 : i32
      "tpu.region"() ({
        %run_scoped3A = tpu.sem_alloc : memref<!tpu.dma_semaphore, #tpu.memory_space<semaphore_mem>>
        %dma_start3A_48 = tpu.memref_slice %arg3[%mul3A_37] : memref<32000xi32, #tpu.memory_space<hbm>> -> memref<128xi32, #tpu.memory_space<hbm>>
        %dma_start3A_49 = tpu.memref_slice %arg3[%mul3A_37] : memref<32000xi32, #tpu.memory_space<hbm>> -> memref<128xi32, #tpu.memory_space<hbm>>
        tpu.enqueue_dma source(%dma_start3A_49 : memref<128xi32, #tpu.memory_space<hbm>>) target(%arg7 : memref<128xi32, #tpu.memory_space<vmem>>) target_semaphore(%run_scoped3A : memref<!tpu.dma_semaphore, #tpu.memory_space<semaphore_mem>>)
        %dma_wait3A_50 = tpu.memref_slice %arg3[%mul3A_37] : memref<32000xi32, #tpu.memory_space<hbm>> -> memref<128xi32, #tpu.memory_space<hbm>>
        %dma_wait3A_51 = tpu.memref_slice %arg3[%mul3A_37] : memref<32000xi32, #tpu.memory_space<hbm>> -> memref<128xi32, #tpu.memory_space<hbm>>
        tpu.wait_dma2 semaphore(%run_scoped3A : memref<!tpu.dma_semaphore, #tpu.memory_space<semaphore_mem>>) src(%dma_wait3A_51 : memref<128xi32, #tpu.memory_space<hbm>>) dst(%arg7 : memref<128xi32, #tpu.memory_space<vmem>>)
        tpu.yield
      }) : () -> ()
      "tpu.region"() ({
        %run_scoped3A = tpu.sem_alloc : memref<!tpu.dma_semaphore, #tpu.memory_space<semaphore_mem>>
        %dma_start3A_48 = tpu.memref_slice %arg4[%mul3A_37] : memref<32000xi32, #tpu.memory_space<hbm>> -> memref<128xi32, #tpu.memory_space<hbm>>
        %dma_start3A_49 = tpu.memref_slice %arg4[%mul3A_37] : memref<32000xi32, #tpu.memory_space<hbm>> -> memref<128xi32, #tpu.memory_space<hbm>>
        tpu.enqueue_dma source(%dma_start3A_49 : memref<128xi32, #tpu.memory_space<hbm>>) target(%arg9 : memref<128xi32, #tpu.memory_space<vmem>>) target_semaphore(%run_scoped3A : memref<!tpu.dma_semaphore, #tpu.memory_space<semaphore_mem>>)
        %dma_wait3A_50 = tpu.memref_slice %arg4[%mul3A_37] : memref<32000xi32, #tpu.memory_space<hbm>> -> memref<128xi32, #tpu.memory_space<hbm>>
        %dma_wait3A_51 = tpu.memref_slice %arg4[%mul3A_37] : memref<32000xi32, #tpu.memory_space<hbm>> -> memref<128xi32, #tpu.memory_space<hbm>>
        tpu.wait_dma2 semaphore(%run_scoped3A : memref<!tpu.dma_semaphore, #tpu.memory_space<semaphore_mem>>) src(%dma_wait3A_51 : memref<128xi32, #tpu.memory_space<hbm>>) dst(%arg9 : memref<128xi32, #tpu.memory_space<vmem>>)
        tpu.yield
      }) : () -> ()
      %dma_start3A = arith.constant 0 : i32
      %dma_start3A_38 = arith.constant 0 : i32
      %dma_start3A_39 = tpu.memref_slice %arg2[%dma_start3A, %dma_start3A_38] : memref<10000x128xf32, #tpu.memory_space<hbm>> -> memref<10000x128xf32, #tpu.memory_space<hbm>>
      tpu.enqueue_indirect_dma source(%dma_start3A_39 : memref<10000x128xf32, #tpu.memory_space<hbm>>) target(%arg8 : memref<128x128xf32, #tpu.memory_space<vmem>>) offsets(%arg7 : memref<128xi32, #tpu.memory_space<vmem>>) semaphore(%arg11 : memref<!tpu.dma_semaphore, #tpu.memory_space<semaphore_mem>>)
      %dma_start3A_40 = arith.constant 0 : i32
      %dma_start3A_41 = arith.constant 0 : i32
      %dma_start3A_42 = tpu.memref_slice %arg2[%dma_start3A_40, %dma_start3A_41] : memref<10000x128xf32, #tpu.memory_space<hbm>> -> memref<10000x128xf32, #tpu.memory_space<hbm>>
      tpu.enqueue_indirect_dma source(%dma_start3A_42 : memref<10000x128xf32, #tpu.memory_space<hbm>>) target(%arg10 : memref<128x128xf32, #tpu.memory_space<vmem>>) offsets(%arg9 : memref<128xi32, #tpu.memory_space<vmem>>) semaphore(%arg12 : memref<!tpu.dma_semaphore, #tpu.memory_space<semaphore_mem>>)
      %dma_wait3A = arith.constant 0 : i32
      %dma_wait3A_43 = arith.constant 0 : i32
      %dma_wait3A_44 = tpu.memref_slice %arg2[%dma_wait3A, %dma_wait3A_43] : memref<10000x128xf32, #tpu.memory_space<hbm>> -> memref<10000x128xf32, #tpu.memory_space<hbm>>
      tpu.wait_indirect_dma semaphore(%arg11 : memref<!tpu.dma_semaphore, #tpu.memory_space<semaphore_mem>>) src(%dma_wait3A_44 : memref<10000x128xf32, #tpu.memory_space<hbm>>) dst(%arg8 : memref<128x128xf32, #tpu.memory_space<vmem>>)
      %dma_wait3A_45 = arith.constant 0 : i32
      %dma_wait3A_46 = arith.constant 0 : i32
      %dma_wait3A_47 = tpu.memref_slice %arg2[%dma_wait3A_45, %dma_wait3A_46] : memref<10000x128xf32, #tpu.memory_space<hbm>> -> memref<10000x128xf32, #tpu.memory_space<hbm>>
      tpu.wait_indirect_dma semaphore(%arg12 : memref<!tpu.dma_semaphore, #tpu.memory_space<semaphore_mem>>) src(%dma_wait3A_47 : memref<10000x128xf32, #tpu.memory_space<hbm>>) dst(%arg10 : memref<128x128xf32, #tpu.memory_space<vmem>>)
      "tpu.region"() ({
        %run_scoped3A = tpu.sem_alloc : memref<!tpu.dma_semaphore, #tpu.memory_space<semaphore_mem>>
        %dma_start3A_48 = arith.constant 0 : i32
        %dma_start3A_49 = tpu.memref_slice %arg5[%mul3A_37, %dma_start3A_48] : memref<32000x128xf32, #tpu.memory_space<hbm>> -> memref<128x128xf32, #tpu.memory_space<hbm>>
        %dma_start3A_50 = arith.constant 0 : i32
        %dma_start3A_51 = tpu.memref_slice %arg5[%mul3A_37, %dma_start3A_50] : memref<32000x128xf32, #tpu.memory_space<hbm>> -> memref<128x128xf32, #tpu.memory_space<hbm>>
        tpu.enqueue_dma source(%arg8 : memref<128x128xf32, #tpu.memory_space<vmem>>) target(%dma_start3A_51 : memref<128x128xf32, #tpu.memory_space<hbm>>) target_semaphore(%run_scoped3A : memref<!tpu.dma_semaphore, #tpu.memory_space<semaphore_mem>>)
        %dma_wait3A_52 = arith.constant 0 : i32
        %dma_wait3A_53 = tpu.memref_slice %arg5[%mul3A_37, %dma_wait3A_52] : memref<32000x128xf32, #tpu.memory_space<hbm>> -> memref<128x128xf32, #tpu.memory_space<hbm>>
        %dma_wait3A_54 = arith.constant 0 : i32
        %dma_wait3A_55 = tpu.memref_slice %arg5[%mul3A_37, %dma_wait3A_54] : memref<32000x128xf32, #tpu.memory_space<hbm>> -> memref<128x128xf32, #tpu.memory_space<hbm>>
        tpu.wait_dma2 semaphore(%run_scoped3A : memref<!tpu.dma_semaphore, #tpu.memory_space<semaphore_mem>>) src(%arg8 : memref<128x128xf32, #tpu.memory_space<vmem>>) dst(%dma_wait3A_55 : memref<128x128xf32, #tpu.memory_space<hbm>>)
        tpu.yield
      }) : () -> ()
      "tpu.region"() ({
        %run_scoped3A = tpu.sem_alloc : memref<!tpu.dma_semaphore, #tpu.memory_space<semaphore_mem>>
        %dma_start3A_48 = arith.constant 0 : i32
        %dma_start3A_49 = tpu.memref_slice %arg6[%mul3A_37, %dma_start3A_48] : memref<32000x128xf32, #tpu.memory_space<hbm>> -> memref<128x128xf32, #tpu.memory_space<hbm>>
        %dma_start3A_50 = arith.constant 0 : i32
        %dma_start3A_51 = tpu.memref_slice %arg6[%mul3A_37, %dma_start3A_50] : memref<32000x128xf32, #tpu.memory_space<hbm>> -> memref<128x128xf32, #tpu.memory_space<hbm>>
        tpu.enqueue_dma source(%arg10 : memref<128x128xf32, #tpu.memory_space<vmem>>) target(%dma_start3A_51 : memref<128x128xf32, #tpu.memory_space<hbm>>) target_semaphore(%run_scoped3A : memref<!tpu.dma_semaphore, #tpu.memory_space<semaphore_mem>>)
        %dma_wait3A_52 = arith.constant 0 : i32
        %dma_wait3A_53 = tpu.memref_slice %arg6[%mul3A_37, %dma_wait3A_52] : memref<32000x128xf32, #tpu.memory_space<hbm>> -> memref<128x128xf32, #tpu.memory_space<hbm>>
        %dma_wait3A_54 = arith.constant 0 : i32
        %dma_wait3A_55 = tpu.memref_slice %arg6[%mul3A_37, %dma_wait3A_54] : memref<32000x128xf32, #tpu.memory_space<hbm>> -> memref<128x128xf32, #tpu.memory_space<hbm>>
        tpu.wait_dma2 semaphore(%run_scoped3A : memref<!tpu.dma_semaphore, #tpu.memory_space<semaphore_mem>>) src(%arg10 : memref<128x128xf32, #tpu.memory_space<vmem>>) dst(%dma_wait3A_55 : memref<128x128xf32, #tpu.memory_space<hbm>>)
        tpu.yield
      }) : () -> ()
    }
    return
  }
}

#map = affine_map<(d0, d1) -> (0, 0)>
#map1 = affine_map<(d0, d1) -> (0)>
module attributes {stable_mosaic.version = 14 : i64} {
  func.func @_sc_gather_kernel(%arg0: i32, %arg1: i32, %arg2: memref<10000x128xf32, #tpu.memory_space<hbm>>, %arg3: memref<32000xi32, #tpu.memory_space<hbm>>, %arg4: memref<32000xi32, #tpu.memory_space<hbm>>, %arg5: memref<32000x128xf32, #tpu.memory_space<hbm>>, %arg6: memref<32000x128xf32, #tpu.memory_space<hbm>>, %arg7: memref<128xi32, #tpu.memory_space<vmem>>, %arg8: memref<128x128xf32, #tpu.memory_space<vmem>>, %arg9: memref<128xi32, #tpu.memory_space<vmem>>, %arg10: memref<128x128xf32, #tpu.memory_space<vmem>>, %arg11: memref<!tpu.dma_semaphore, #tpu.memory_space<semaphore_mem>>, %arg12: memref<!tpu.dma_semaphore, #tpu.memory_space<semaphore_mem>>) attributes {dimension_semantics = [#tpu.dimension_semantics<core_parallel>, #tpu.dimension_semantics<subcore_parallel>], iteration_bounds = array<i64: 2, 16>, scalar_prefetch = 0 : i64, scratch_operands = 6 : i64, tpu.core_type = #tpu.core_type<sc_vector_subcore>, window_params = [{transform_indices = #map}, {transform_indices = #map1}, {transform_indices = #map1}, {transform_indices = #map}, {transform_indices = #map}]} {
    %mul3A = arith.constant 2 : i32
    %mul3A_0 = arith.muli %arg1, %mul3A : i32
    %add3A = arith.addi %mul3A_0, %arg0 : i32
    %sub3A = arith.constant 250 : i32
    %sub3A_1 = arith.subi %sub3A, %add3A : i32
    %add3A_2 = arith.constant 32 : i32
    %add3A_3 = arith.addi %sub3A_1, %add3A_2 : i32
    %sub3A_4 = arith.constant 1 : i32
    %sub3A_5 = arith.subi %add3A_3, %sub3A_4 : i32
    %jit3A = arith.constant 32 : i32
    %div3A = arith.divsi %sub3A_5, %jit3A : i32
    %sign3A = arith.constant 0 : i32
    %sign3A_6 = arith.cmpi sgt, %sub3A_5, %sign3A : i32
    %sign3A_7 = arith.extui %sign3A_6 : i1 to i32
    %sign3A_8 = arith.constant 0 : i32
    %sign3A_9 = arith.cmpi slt, %sub3A_5, %sign3A_8 : i32
    %sign3A_10 = arith.extui %sign3A_9 : i1 to i32
    %sign3A_11 = arith.subi %sign3A_7, %sign3A_10 : i32
    %sign3A_12 = arith.constant 0 : i32
    %sign3A_13 = arith.cmpi sgt, %jit3A, %sign3A_12 : i32
    %sign3A_14 = arith.extui %sign3A_13 : i1 to i32
    %sign3A_15 = arith.constant 0 : i32
    %sign3A_16 = arith.cmpi slt, %jit3A, %sign3A_15 : i32
    %sign3A_17 = arith.extui %sign3A_16 : i1 to i32
    %sign3A_18 = arith.subi %sign3A_14, %sign3A_17 : i32
    %ne3A = arith.cmpi ne, %sign3A_11, %sign3A_18 : i32
    %rem3A = arith.remsi %sub3A_5, %jit3A : i32
    %ne3A_19 = arith.constant 0 : i32
    %ne3A_20 = arith.cmpi ne, %rem3A, %ne3A_19 : i32
    %and3A = arith.andi %ne3A, %ne3A_20 : i1
    %sub3A_21 = arith.constant 1 : i32
    %sub3A_22 = arith.subi %div3A, %sub3A_21 : i32
    %select_n3A = arith.select %and3A, %sub3A_22, %div3A : i32
    %while3A = arith.constant 0 : i32
    %while3A_23 = arith.constant 0 : i32
    %while3A_24 = arith.subi %select_n3A, %while3A_23 : i32
    %while3A_25 = arith.addi %while3A_23, %while3A_24 : i32
    %while3A_26 = arith.constant 1 : i32
    %while3A_27 = arith.divsi %while3A_24, %while3A_26 : i32
    %while3A_28 = arith.muli %while3A_27, %while3A_26 : i32
    %while3A_29 = arith.addi %while3A_23, %while3A_28 : i32
    %while3A_30 = arith.constant 1 : i32
    scf.for %while3A_32 = %while3A_23 to %while3A_29 step %while3A_30  : i32 {
      %mul3A_33 = arith.constant 32 : i32
      %mul3A_34 = arith.muli %while3A_32, %mul3A_33 : i32
      %add3A_35 = arith.addi %add3A, %mul3A_34 : i32
      %mul3A_36 = arith.constant 128 : i32
      %mul3A_37 = arith.muli %add3A_35, %mul3A_36 : i32
      "tpu.region"() ({
        %run_scoped3A = tpu.sem_alloc : memref<!tpu.dma_semaphore, #tpu.memory_space<semaphore_mem>>
        %dma_start3A_48 = tpu.memref_slice %arg3[%mul3A_37] : memref<32000xi32, #tpu.memory_space<hbm>> -> memref<128xi32, #tpu.memory_space<hbm>>
        %dma_start3A_49 = tpu.memref_slice %arg3[%mul3A_37] : memref<32000xi32, #tpu.memory_space<hbm>> -> memref<128xi32, #tpu.memory_space<hbm>>
        tpu.enqueue_dma source(%dma_start3A_49 : memref<128xi32, #tpu.memory_space<hbm>>) target(%arg7 : memref<128xi32, #tpu.memory_space<vmem>>) target_semaphore(%run_scoped3A : memref<!tpu.dma_semaphore, #tpu.memory_space<semaphore_mem>>)
        %dma_wait3A_50 = tpu.memref_slice %arg3[%mul3A_37] : memref<32000xi32, #tpu.memory_space<hbm>> -> memref<128xi32, #tpu.memory_space<hbm>>
        %dma_wait3A_51 = tpu.memref_slice %arg3[%mul3A_37] : memref<32000xi32, #tpu.memory_space<hbm>> -> memref<128xi32, #tpu.memory_space<hbm>>
        tpu.wait_dma2 semaphore(%run_scoped3A : memref<!tpu.dma_semaphore, #tpu.memory_space<semaphore_mem>>) src(%dma_wait3A_51 : memref<128xi32, #tpu.memory_space<hbm>>) dst(%arg7 : memref<128xi32, #tpu.memory_space<vmem>>)
        tpu.yield
      }) : () -> ()
      "tpu.region"() ({
        %run_scoped3A = tpu.sem_alloc : memref<!tpu.dma_semaphore, #tpu.memory_space<semaphore_mem>>
        %dma_start3A_48 = tpu.memref_slice %arg4[%mul3A_37] : memref<32000xi32, #tpu.memory_space<hbm>> -> memref<128xi32, #tpu.memory_space<hbm>>
        %dma_start3A_49 = tpu.memref_slice %arg4[%mul3A_37] : memref<32000xi32, #tpu.memory_space<hbm>> -> memref<128xi32, #tpu.memory_space<hbm>>
        tpu.enqueue_dma source(%dma_start3A_49 : memref<128xi32, #tpu.memory_space<hbm>>) target(%arg9 : memref<128xi32, #tpu.memory_space<vmem>>) target_semaphore(%run_scoped3A : memref<!tpu.dma_semaphore, #tpu.memory_space<semaphore_mem>>)
        %dma_wait3A_50 = tpu.memref_slice %arg4[%mul3A_37] : memref<32000xi32, #tpu.memory_space<hbm>> -> memref<128xi32, #tpu.memory_space<hbm>>
        %dma_wait3A_51 = tpu.memref_slice %arg4[%mul3A_37] : memref<32000xi32, #tpu.memory_space<hbm>> -> memref<128xi32, #tpu.memory_space<hbm>>
        tpu.wait_dma2 semaphore(%run_scoped3A : memref<!tpu.dma_semaphore, #tpu.memory_space<semaphore_mem>>) src(%dma_wait3A_51 : memref<128xi32, #tpu.memory_space<hbm>>) dst(%arg9 : memref<128xi32, #tpu.memory_space<vmem>>)
        tpu.yield
      }) : () -> ()
      %dma_start3A = arith.constant 0 : i32
      %dma_start3A_38 = arith.constant 0 : i32
      %dma_start3A_39 = tpu.memref_slice %arg2[%dma_start3A, %dma_start3A_38] : memref<10000x128xf32, #tpu.memory_space<hbm>> -> memref<10000x128xf32, #tpu.memory_space<hbm>>
      tpu.enqueue_indirect_dma source(%dma_start3A_39 : memref<10000x128xf32, #tpu.memory_space<hbm>>) target(%arg8 : memref<128x128xf32, #tpu.memory_space<vmem>>) offsets(%arg7 : memref<128xi32, #tpu.memory_space<vmem>>) semaphore(%arg11 : memref<!tpu.dma_semaphore, #tpu.memory_space<semaphore_mem>>)
      %dma_start3A_40 = arith.constant 0 : i32
      %dma_start3A_41 = arith.constant 0 : i32
      %dma_start3A_42 = tpu.memref_slice %arg2[%dma_start3A_40, %dma_start3A_41] : memref<10000x128xf32, #tpu.memory_space<hbm>> -> memref<10000x128xf32, #tpu.memory_space<hbm>>
      tpu.enqueue_indirect_dma source(%dma_start3A_42 : memref<10000x128xf32, #tpu.memory_space<hbm>>) target(%arg10 : memref<128x128xf32, #tpu.memory_space<vmem>>) offsets(%arg9 : memref<128xi32, #tpu.memory_space<vmem>>) semaphore(%arg12 : memref<!tpu.dma_semaphore, #tpu.memory_space<semaphore_mem>>)
      %dma_wait3A = arith.constant 0 : i32
      %dma_wait3A_43 = arith.constant 0 : i32
      %dma_wait3A_44 = tpu.memref_slice %arg2[%dma_wait3A, %dma_wait3A_43] : memref<10000x128xf32, #tpu.memory_space<hbm>> -> memref<10000x128xf32, #tpu.memory_space<hbm>>
      tpu.wait_indirect_dma semaphore(%arg11 : memref<!tpu.dma_semaphore, #tpu.memory_space<semaphore_mem>>) src(%dma_wait3A_44 : memref<10000x128xf32, #tpu.memory_space<hbm>>) dst(%arg8 : memref<128x128xf32, #tpu.memory_space<vmem>>)
      %dma_wait3A_45 = arith.constant 0 : i32
      %dma_wait3A_46 = arith.constant 0 : i32
      %dma_wait3A_47 = tpu.memref_slice %arg2[%dma_wait3A_45, %dma_wait3A_46] : memref<10000x128xf32, #tpu.memory_space<hbm>> -> memref<10000x128xf32, #tpu.memory_space<hbm>>
      tpu.wait_indirect_dma semaphore(%arg12 : memref<!tpu.dma_semaphore, #tpu.memory_space<semaphore_mem>>) src(%dma_wait3A_47 : memref<10000x128xf32, #tpu.memory_space<hbm>>) dst(%arg10 : memref<128x128xf32, #tpu.memory_space<vmem>>)
      "tpu.region"() ({
        %run_scoped3A = tpu.sem_alloc : memref<!tpu.dma_semaphore, #tpu.memory_space<semaphore_mem>>
        %dma_start3A_48 = arith.constant 0 : i32
        %dma_start3A_49 = tpu.memref_slice %arg5[%mul3A_37, %dma_start3A_48] : memref<32000x128xf32, #tpu.memory_space<hbm>> -> memref<128x128xf32, #tpu.memory_space<hbm>>
        %dma_start3A_50 = arith.constant 0 : i32
        %dma_start3A_51 = tpu.memref_slice %arg5[%mul3A_37, %dma_start3A_50] : memref<32000x128xf32, #tpu.memory_space<hbm>> -> memref<128x128xf32, #tpu.memory_space<hbm>>
        tpu.enqueue_dma source(%arg8 : memref<128x128xf32, #tpu.memory_space<vmem>>) target(%dma_start3A_51 : memref<128x128xf32, #tpu.memory_space<hbm>>) target_semaphore(%run_scoped3A : memref<!tpu.dma_semaphore, #tpu.memory_space<semaphore_mem>>)
        %dma_wait3A_52 = arith.constant 0 : i32
        %dma_wait3A_53 = tpu.memref_slice %arg5[%mul3A_37, %dma_wait3A_52] : memref<32000x128xf32, #tpu.memory_space<hbm>> -> memref<128x128xf32, #tpu.memory_space<hbm>>
        %dma_wait3A_54 = arith.constant 0 : i32
        %dma_wait3A_55 = tpu.memref_slice %arg5[%mul3A_37, %dma_wait3A_54] : memref<32000x128xf32, #tpu.memory_space<hbm>> -> memref<128x128xf32, #tpu.memory_space<hbm>>
        tpu.wait_dma2 semaphore(%run_scoped3A : memref<!tpu.dma_semaphore, #tpu.memory_space<semaphore_mem>>) src(%arg8 : memref<128x128xf32, #tpu.memory_space<vmem>>) dst(%dma_wait3A_55 : memref<128x128xf32, #tpu.memory_space<hbm>>)
        tpu.yield
      }) : () -> ()
      "tpu.region"() ({
        %run_scoped3A = tpu.sem_alloc : memref<!tpu.dma_semaphore, #tpu.memory_space<semaphore_mem>>
        %dma_start3A_48 = arith.constant 0 : i32
        %dma_start3A_49 = tpu.memref_slice %arg6[%mul3A_37, %dma_start3A_48] : memref<32000x128xf32, #tpu.memory_space<hbm>> -> memref<128x128xf32, #tpu.memory_space<hbm>>
        %dma_start3A_50 = arith.constant 0 : i32
        %dma_start3A_51 = tpu.memref_slice %arg6[%mul3A_37, %dma_start3A_50] : memref<32000x128xf32, #tpu.memory_space<hbm>> -> memref<128x128xf32, #tpu.memory_space<hbm>>
        tpu.enqueue_dma source(%arg10 : memref<128x128xf32, #tpu.memory_space<vmem>>) target(%dma_start3A_51 : memref<128x128xf32, #tpu.memory_space<hbm>>) target_semaphore(%run_scoped3A : memref<!tpu.dma_semaphore, #tpu.memory_space<semaphore_mem>>)
        %dma_wait3A_52 = arith.constant 0 : i32
        %dma_wait3A_53 = tpu.memref_slice %arg6[%mul3A_37, %dma_wait3A_52] : memref<32000x128xf32, #tpu.memory_space<hbm>> -> memref<128x128xf32, #tpu.memory_space<hbm>>
        %dma_wait3A_54 = arith.constant 0 : i32
        %dma_wait3A_55 = tpu.memref_slice %arg6[%mul3A_37, %dma_wait3A_54] : memref<32000x128xf32, #tpu.memory_space<hbm>> -> memref<128x128xf32, #tpu.memory_space<hbm>>
        tpu.wait_dma2 semaphore(%run_scoped3A : memref<!tpu.dma_semaphore, #tpu.memory_space<semaphore_mem>>) src(%arg10 : memref<128x128xf32, #tpu.memory_space<vmem>>) dst(%dma_wait3A_55 : memref<128x128xf32, #tpu.memory_space<hbm>>)
        tpu.yield
      }) : () -> ()
    }
    %while3A_31 = arith.constant 1 : i32
    scf.for %while3A_32 = %while3A_29 to %while3A_25 step %while3A_31  : i32 {
      %mul3A_33 = arith.constant 32 : i32
      %mul3A_34 = arith.muli %while3A_32, %mul3A_33 : i32
      %add3A_35 = arith.addi %add3A, %mul3A_34 : i32
      %mul3A_36 = arith.constant 128 : i32
      %mul3A_37 = arith.muli %add3A_35, %mul3A_36 : i32
      "tpu.region"() ({
        %run_scoped3A = tpu.sem_alloc : memref<!tpu.dma_semaphore, #tpu.memory_space<semaphore_mem>>
        %dma_start3A_48 = tpu.memref_slice %arg3[%mul3A_37] : memref<32000xi32, #tpu.memory_space<hbm>> -> memref<128xi32, #tpu.memory_space<hbm>>
        %dma_start3A_49 = tpu.memref_slice %arg3[%mul3A_37] : memref<32000xi32, #tpu.memory_space<hbm>> -> memref<128xi32, #tpu.memory_space<hbm>>
        tpu.enqueue_dma source(%dma_start3A_49 : memref<128xi32, #tpu.memory_space<hbm>>) target(%arg7 : memref<128xi32, #tpu.memory_space<vmem>>) target_semaphore(%run_scoped3A : memref<!tpu.dma_semaphore, #tpu.memory_space<semaphore_mem>>)
        %dma_wait3A_50 = tpu.memref_slice %arg3[%mul3A_37] : memref<32000xi32, #tpu.memory_space<hbm>> -> memref<128xi32, #tpu.memory_space<hbm>>
        %dma_wait3A_51 = tpu.memref_slice %arg3[%mul3A_37] : memref<32000xi32, #tpu.memory_space<hbm>> -> memref<128xi32, #tpu.memory_space<hbm>>
        tpu.wait_dma2 semaphore(%run_scoped3A : memref<!tpu.dma_semaphore, #tpu.memory_space<semaphore_mem>>) src(%dma_wait3A_51 : memref<128xi32, #tpu.memory_space<hbm>>) dst(%arg7 : memref<128xi32, #tpu.memory_space<vmem>>)
        tpu.yield
      }) : () -> ()
      "tpu.region"() ({
        %run_scoped3A = tpu.sem_alloc : memref<!tpu.dma_semaphore, #tpu.memory_space<semaphore_mem>>
        %dma_start3A_48 = tpu.memref_slice %arg4[%mul3A_37] : memref<32000xi32, #tpu.memory_space<hbm>> -> memref<128xi32, #tpu.memory_space<hbm>>
        %dma_start3A_49 = tpu.memref_slice %arg4[%mul3A_37] : memref<32000xi32, #tpu.memory_space<hbm>> -> memref<128xi32, #tpu.memory_space<hbm>>
        tpu.enqueue_dma source(%dma_start3A_49 : memref<128xi32, #tpu.memory_space<hbm>>) target(%arg9 : memref<128xi32, #tpu.memory_space<vmem>>) target_semaphore(%run_scoped3A : memref<!tpu.dma_semaphore, #tpu.memory_space<semaphore_mem>>)
        %dma_wait3A_50 = tpu.memref_slice %arg4[%mul3A_37] : memref<32000xi32, #tpu.memory_space<hbm>> -> memref<128xi32, #tpu.memory_space<hbm>>
        %dma_wait3A_51 = tpu.memref_slice %arg4[%mul3A_37] : memref<32000xi32, #tpu.memory_space<hbm>> -> memref<128xi32, #tpu.memory_space<hbm>>
        tpu.wait_dma2 semaphore(%run_scoped3A : memref<!tpu.dma_semaphore, #tpu.memory_space<semaphore_mem>>) src(%dma_wait3A_51 : memref<128xi32, #tpu.memory_space<hbm>>) dst(%arg9 : memref<128xi32, #tpu.memory_space<vmem>>)
        tpu.yield
      }) : () -> ()
      %dma_start3A = arith.constant 0 : i32
      %dma_start3A_38 = arith.constant 0 : i32
      %dma_start3A_39 = tpu.memref_slice %arg2[%dma_start3A, %dma_start3A_38] : memref<10000x128xf32, #tpu.memory_space<hbm>> -> memref<10000x128xf32, #tpu.memory_space<hbm>>
      tpu.enqueue_indirect_dma source(%dma_start3A_39 : memref<10000x128xf32, #tpu.memory_space<hbm>>) target(%arg8 : memref<128x128xf32, #tpu.memory_space<vmem>>) offsets(%arg7 : memref<128xi32, #tpu.memory_space<vmem>>) semaphore(%arg11 : memref<!tpu.dma_semaphore, #tpu.memory_space<semaphore_mem>>)
      %dma_start3A_40 = arith.constant 0 : i32
      %dma_start3A_41 = arith.constant 0 : i32
      %dma_start3A_42 = tpu.memref_slice %arg2[%dma_start3A_40, %dma_start3A_41] : memref<10000x128xf32, #tpu.memory_space<hbm>> -> memref<10000x128xf32, #tpu.memory_space<hbm>>
      tpu.enqueue_indirect_dma source(%dma_start3A_42 : memref<10000x128xf32, #tpu.memory_space<hbm>>) target(%arg10 : memref<128x128xf32, #tpu.memory_space<vmem>>) offsets(%arg9 : memref<128xi32, #tpu.memory_space<vmem>>) semaphore(%arg12 : memref<!tpu.dma_semaphore, #tpu.memory_space<semaphore_mem>>)
      %dma_wait3A = arith.constant 0 : i32
      %dma_wait3A_43 = arith.constant 0 : i32
      %dma_wait3A_44 = tpu.memref_slice %arg2[%dma_wait3A, %dma_wait3A_43] : memref<10000x128xf32, #tpu.memory_space<hbm>> -> memref<10000x128xf32, #tpu.memory_space<hbm>>
      tpu.wait_indirect_dma semaphore(%arg11 : memref<!tpu.dma_semaphore, #tpu.memory_space<semaphore_mem>>) src(%dma_wait3A_44 : memref<10000x128xf32, #tpu.memory_space<hbm>>) dst(%arg8 : memref<128x128xf32, #tpu.memory_space<vmem>>)
      %dma_wait3A_45 = arith.constant 0 : i32
      %dma_wait3A_46 = arith.constant 0 : i32
      %dma_wait3A_47 = tpu.memref_slice %arg2[%dma_wait3A_45, %dma_wait3A_46] : memref<10000x128xf32, #tpu.memory_space<hbm>> -> memref<10000x128xf32, #tpu.memory_space<hbm>>
      tpu.wait_indirect_dma semaphore(%arg12 : memref<!tpu.dma_semaphore, #tpu.memory_space<semaphore_mem>>) src(%dma_wait3A_47 : memref<10000x128xf32, #tpu.memory_space<hbm>>) dst(%arg10 : memref<128x128xf32, #tpu.memory_space<vmem>>)
      "tpu.region"() ({
        %run_scoped3A = tpu.sem_alloc : memref<!tpu.dma_semaphore, #tpu.memory_space<semaphore_mem>>
        %dma_start3A_48 = arith.constant 0 : i32
        %dma_start3A_49 = tpu.memref_slice %arg5[%mul3A_37, %dma_start3A_48] : memref<32000x128xf32, #tpu.memory_space<hbm>> -> memref<128x128xf32, #tpu.memory_space<hbm>>
        %dma_start3A_50 = arith.constant 0 : i32
        %dma_start3A_51 = tpu.memref_slice %arg5[%mul3A_37, %dma_start3A_50] : memref<32000x128xf32, #tpu.memory_space<hbm>> -> memref<128x128xf32, #tpu.memory_space<hbm>>
        tpu.enqueue_dma source(%arg8 : memref<128x128xf32, #tpu.memory_space<vmem>>) target(%dma_start3A_51 : memref<128x128xf32, #tpu.memory_space<hbm>>) target_semaphore(%run_scoped3A : memref<!tpu.dma_semaphore, #tpu.memory_space<semaphore_mem>>)
        %dma_wait3A_52 = arith.constant 0 : i32
        %dma_wait3A_53 = tpu.memref_slice %arg5[%mul3A_37, %dma_wait3A_52] : memref<32000x128xf32, #tpu.memory_space<hbm>> -> memref<128x128xf32, #tpu.memory_space<hbm>>
        %dma_wait3A_54 = arith.constant 0 : i32
        %dma_wait3A_55 = tpu.memref_slice %arg5[%mul3A_37, %dma_wait3A_54] : memref<32000x128xf32, #tpu.memory_space<hbm>> -> memref<128x128xf32, #tpu.memory_space<hbm>>
        tpu.wait_dma2 semaphore(%run_scoped3A : memref<!tpu.dma_semaphore, #tpu.memory_space<semaphore_mem>>) src(%arg8 : memref<128x128xf32, #tpu.memory_space<vmem>>) dst(%dma_wait3A_55 : memref<128x128xf32, #tpu.memory_space<hbm>>)
        tpu.yield
      }) : () -> ()
      "tpu.region"() ({
        %run_scoped3A = tpu.sem_alloc : memref<!tpu.dma_semaphore, #tpu.memory_space<semaphore_mem>>
        %dma_start3A_48 = arith.constant 0 : i32
        %dma_start3A_49 = tpu.memref_slice %arg6[%mul3A_37, %dma_start3A_48] : memref<32000x128xf32, #tpu.memory_space<hbm>> -> memref<128x128xf32, #tpu.memory_space<hbm>>
        %dma_start3A_50 = arith.constant 0 : i32
        %dma_start3A_51 = tpu.memref_slice %arg6[%mul3A_37, %dma_start3A_50] : memref<32000x128xf32, #tpu.memory_space<hbm>> -> memref<128x128xf32, #tpu.memory_space<hbm>>
        tpu.enqueue_dma source(%arg10 : memref<128x128xf32, #tpu.memory_space<vmem>>) target(%dma_start3A_51 : memref<128x128xf32, #tpu.memory_space<hbm>>) target_semaphore(%run_scoped3A : memref<!tpu.dma_semaphore, #tpu.memory_space<semaphore_mem>>)
        %dma_wait3A_52 = arith.constant 0 : i32
        %dma_wait3A_53 = tpu.memref_slice %arg6[%mul3A_37, %dma_wait3A_52] : memref<32000x128xf32, #tpu.memory_space<hbm>> -> memref<128x128xf32, #tpu.memory_space<hbm>>
        %dma_wait3A_54 = arith.constant 0 : i32
        %dma_wait3A_55 = tpu.memref_slice %arg6[%mul3A_37, %dma_wait3A_54] : memref<32000x128xf32, #tpu.memory_space<hbm>> -> memref<128x128xf32, #tpu.memory_space<hbm>>
        tpu.wait_dma2 semaphore(%run_scoped3A : memref<!tpu.dma_semaphore, #tpu.memory_space<semaphore_mem>>) src(%arg10 : memref<128x128xf32, #tpu.memory_space<vmem>>) dst(%dma_wait3A_55 : memref<128x128xf32, #tpu.memory_space<hbm>>)
        tpu.yield
      }) : () -> ()
    }
    return
  }
}

#map = affine_map<(d0, d1) -> (0, 0)>
#map1 = affine_map<(d0, d1) -> (0)>
module attributes {stable_mosaic.version = 14 : i64} {
  func.func @_sc_gather_kernel(%arg0: i32, %arg1: i32, %arg2: memref<10000x128xf32, #tpu.memory_space<hbm>>, %arg3: memref<32000xi32, #tpu.memory_space<hbm>>, %arg4: memref<32000xi32, #tpu.memory_space<hbm>>, %arg5: memref<32000x128xf32, #tpu.memory_space<hbm>>, %arg6: memref<32000x128xf32, #tpu.memory_space<hbm>>, %arg7: memref<128xi32, #tpu.memory_space<vmem>>, %arg8: memref<128x128xf32, #tpu.memory_space<vmem>>, %arg9: memref<128xi32, #tpu.memory_space<vmem>>, %arg10: memref<128x128xf32, #tpu.memory_space<vmem>>, %arg11: memref<!tpu.dma_semaphore, #tpu.memory_space<semaphore_mem>>, %arg12: memref<!tpu.dma_semaphore, #tpu.memory_space<semaphore_mem>>) attributes {dimension_semantics = [#tpu.dimension_semantics<core_parallel>, #tpu.dimension_semantics<subcore_parallel>], iteration_bounds = array<i64: 2, 16>, scalar_prefetch = 0 : i64, scratch_operands = 6 : i64, tpu.core_type = #tpu.core_type<sc_vector_subcore>, window_params = [{transform_indices = #map}, {transform_indices = #map1}, {transform_indices = #map1}, {transform_indices = #map}, {transform_indices = #map}]} {
    %mul3A = arith.constant 2 : i32
    %mul3A_0 = arith.muli %arg1, %mul3A : i32
    %add3A = arith.addi %mul3A_0, %arg0 : i32
    %sub3A = arith.constant 250 : i32
    %sub3A_1 = arith.subi %sub3A, %add3A : i32
    %add3A_2 = arith.constant 32 : i32
    %add3A_3 = arith.addi %sub3A_1, %add3A_2 : i32
    %sub3A_4 = arith.constant 1 : i32
    %sub3A_5 = arith.subi %add3A_3, %sub3A_4 : i32
    %jit3A = arith.constant 32 : i32
    %div3A = arith.divsi %sub3A_5, %jit3A : i32
    %sign3A = arith.constant 0 : i32
    %sign3A_6 = arith.cmpi sgt, %sub3A_5, %sign3A : i32
    %sign3A_7 = arith.extui %sign3A_6 : i1 to i32
    %sign3A_8 = arith.constant 0 : i32
    %sign3A_9 = arith.cmpi slt, %sub3A_5, %sign3A_8 : i32
    %sign3A_10 = arith.extui %sign3A_9 : i1 to i32
    %sign3A_11 = arith.subi %sign3A_7, %sign3A_10 : i32
    %sign3A_12 = arith.constant 0 : i32
    %sign3A_13 = arith.cmpi sgt, %jit3A, %sign3A_12 : i32
    %sign3A_14 = arith.extui %sign3A_13 : i1 to i32
    %sign3A_15 = arith.constant 0 : i32
    %sign3A_16 = arith.cmpi slt, %jit3A, %sign3A_15 : i32
    %sign3A_17 = arith.extui %sign3A_16 : i1 to i32
    %sign3A_18 = arith.subi %sign3A_14, %sign3A_17 : i32
    %ne3A = arith.cmpi ne, %sign3A_11, %sign3A_18 : i32
    %rem3A = arith.remsi %sub3A_5, %jit3A : i32
    %ne3A_19 = arith.constant 0 : i32
    %ne3A_20 = arith.cmpi ne, %rem3A, %ne3A_19 : i32
    %and3A = arith.andi %ne3A, %ne3A_20 : i1
    %sub3A_21 = arith.constant 1 : i32
    %sub3A_22 = arith.subi %div3A, %sub3A_21 : i32
    %select_n3A = arith.select %and3A, %sub3A_22, %div3A : i32
    %while3A = arith.constant 0 : i32
    %while3A_23 = arith.constant 0 : i32
    %while3A_24 = arith.subi %select_n3A, %while3A_23 : i32
    %while3A_25 = arith.addi %while3A_23, %while3A_24 : i32
    %while3A_26 = arith.constant 1 : i32
    %while3A_27 = arith.divsi %while3A_24, %while3A_26 : i32
    %while3A_28 = arith.muli %while3A_27, %while3A_26 : i32
    %while3A_29 = arith.addi %while3A_23, %while3A_28 : i32
    %while3A_30 = arith.constant 1 : i32
    scf.for %while3A_32 = %while3A_23 to %while3A_29 step %while3A_30  : i32 {
      %mul3A_33 = arith.constant 32 : i32
      %mul3A_34 = arith.muli %while3A_32, %mul3A_33 : i32
      %add3A_35 = arith.addi %add3A, %mul3A_34 : i32
      %mul3A_36 = arith.constant 128 : i32
      %mul3A_37 = arith.muli %add3A_35, %mul3A_36 : i32
      "tpu.region"() ({
        %run_scoped3A = tpu.sem_alloc : memref<!tpu.dma_semaphore, #tpu.memory_space<semaphore_mem>>
        %dma_start3A_48 = tpu.memref_slice %arg3[%mul3A_37] : memref<32000xi32, #tpu.memory_space<hbm>> -> memref<128xi32, #tpu.memory_space<hbm>>
        %dma_start3A_49 = tpu.memref_slice %arg3[%mul3A_37] : memref<32000xi32, #tpu.memory_space<hbm>> -> memref<128xi32, #tpu.memory_space<hbm>>
        tpu.enqueue_dma source(%dma_start3A_49 : memref<128xi32, #tpu.memory_space<hbm>>) target(%arg7 : memref<128xi32, #tpu.memory_space<vmem>>) target_semaphore(%run_scoped3A : memref<!tpu.dma_semaphore, #tpu.memory_space<semaphore_mem>>)
        %dma_wait3A_50 = tpu.memref_slice %arg3[%mul3A_37] : memref<32000xi32, #tpu.memory_space<hbm>> -> memref<128xi32, #tpu.memory_space<hbm>>
        %dma_wait3A_51 = tpu.memref_slice %arg3[%mul3A_37] : memref<32000xi32, #tpu.memory_space<hbm>> -> memref<128xi32, #tpu.memory_space<hbm>>
        tpu.wait_dma2 semaphore(%run_scoped3A : memref<!tpu.dma_semaphore, #tpu.memory_space<semaphore_mem>>) src(%dma_wait3A_51 : memref<128xi32, #tpu.memory_space<hbm>>) dst(%arg7 : memref<128xi32, #tpu.memory_space<vmem>>)
        tpu.yield
      }) : () -> ()
      "tpu.region"() ({
        %run_scoped3A = tpu.sem_alloc : memref<!tpu.dma_semaphore, #tpu.memory_space<semaphore_mem>>
        %dma_start3A_48 = tpu.memref_slice %arg4[%mul3A_37] : memref<32000xi32, #tpu.memory_space<hbm>> -> memref<128xi32, #tpu.memory_space<hbm>>
        %dma_start3A_49 = tpu.memref_slice %arg4[%mul3A_37] : memref<32000xi32, #tpu.memory_space<hbm>> -> memref<128xi32, #tpu.memory_space<hbm>>
        tpu.enqueue_dma source(%dma_start3A_49 : memref<128xi32, #tpu.memory_space<hbm>>) target(%arg9 : memref<128xi32, #tpu.memory_space<vmem>>) target_semaphore(%run_scoped3A : memref<!tpu.dma_semaphore, #tpu.memory_space<semaphore_mem>>)
        %dma_wait3A_50 = tpu.memref_slice %arg4[%mul3A_37] : memref<32000xi32, #tpu.memory_space<hbm>> -> memref<128xi32, #tpu.memory_space<hbm>>
        %dma_wait3A_51 = tpu.memref_slice %arg4[%mul3A_37] : memref<32000xi32, #tpu.memory_space<hbm>> -> memref<128xi32, #tpu.memory_space<hbm>>
        tpu.wait_dma2 semaphore(%run_scoped3A : memref<!tpu.dma_semaphore, #tpu.memory_space<semaphore_mem>>) src(%dma_wait3A_51 : memref<128xi32, #tpu.memory_space<hbm>>) dst(%arg9 : memref<128xi32, #tpu.memory_space<vmem>>)
        tpu.yield
      }) : () -> ()
      %dma_start3A = arith.constant 0 : i32
      %dma_start3A_38 = arith.constant 0 : i32
      %dma_start3A_39 = tpu.memref_slice %arg2[%dma_start3A, %dma_start3A_38] : memref<10000x128xf32, #tpu.memory_space<hbm>> -> memref<10000x128xf32, #tpu.memory_space<hbm>>
      tpu.enqueue_indirect_dma source(%dma_start3A_39 : memref<10000x128xf32, #tpu.memory_space<hbm>>) target(%arg8 : memref<128x128xf32, #tpu.memory_space<vmem>>) offsets(%arg7 : memref<128xi32, #tpu.memory_space<vmem>>) semaphore(%arg11 : memref<!tpu.dma_semaphore, #tpu.memory_space<semaphore_mem>>)
      %dma_start3A_40 = arith.constant 0 : i32
      %dma_start3A_41 = arith.constant 0 : i32
      %dma_start3A_42 = tpu.memref_slice %arg2[%dma_start3A_40, %dma_start3A_41] : memref<10000x128xf32, #tpu.memory_space<hbm>> -> memref<10000x128xf32, #tpu.memory_space<hbm>>
      tpu.enqueue_indirect_dma source(%dma_start3A_42 : memref<10000x128xf32, #tpu.memory_space<hbm>>) target(%arg10 : memref<128x128xf32, #tpu.memory_space<vmem>>) offsets(%arg9 : memref<128xi32, #tpu.memory_space<vmem>>) semaphore(%arg12 : memref<!tpu.dma_semaphore, #tpu.memory_space<semaphore_mem>>)
      %dma_wait3A = arith.constant 0 : i32
      %dma_wait3A_43 = arith.constant 0 : i32
      %dma_wait3A_44 = tpu.memref_slice %arg2[%dma_wait3A, %dma_wait3A_43] : memref<10000x128xf32, #tpu.memory_space<hbm>> -> memref<10000x128xf32, #tpu.memory_space<hbm>>
      tpu.wait_indirect_dma semaphore(%arg11 : memref<!tpu.dma_semaphore, #tpu.memory_space<semaphore_mem>>) src(%dma_wait3A_44 : memref<10000x128xf32, #tpu.memory_space<hbm>>) dst(%arg8 : memref<128x128xf32, #tpu.memory_space<vmem>>)
      %dma_wait3A_45 = arith.constant 0 : i32
      %dma_wait3A_46 = arith.constant 0 : i32
      %dma_wait3A_47 = tpu.memref_slice %arg2[%dma_wait3A_45, %dma_wait3A_46] : memref<10000x128xf32, #tpu.memory_space<hbm>> -> memref<10000x128xf32, #tpu.memory_space<hbm>>
      tpu.wait_indirect_dma semaphore(%arg12 : memref<!tpu.dma_semaphore, #tpu.memory_space<semaphore_mem>>) src(%dma_wait3A_47 : memref<10000x128xf32, #tpu.memory_space<hbm>>) dst(%arg10 : memref<128x128xf32, #tpu.memory_space<vmem>>)
      "tpu.region"() ({
        %run_scoped3A = tpu.sem_alloc : memref<!tpu.dma_semaphore, #tpu.memory_space<semaphore_mem>>
        %dma_start3A_48 = arith.constant 0 : i32
        %dma_start3A_49 = tpu.memref_slice %arg5[%mul3A_37, %dma_start3A_48] : memref<32000x128xf32, #tpu.memory_space<hbm>> -> memref<128x128xf32, #tpu.memory_space<hbm>>
        %dma_start3A_50 = arith.constant 0 : i32
        %dma_start3A_51 = tpu.memref_slice %arg5[%mul3A_37, %dma_start3A_50] : memref<32000x128xf32, #tpu.memory_space<hbm>> -> memref<128x128xf32, #tpu.memory_space<hbm>>
        tpu.enqueue_dma source(%arg8 : memref<128x128xf32, #tpu.memory_space<vmem>>) target(%dma_start3A_51 : memref<128x128xf32, #tpu.memory_space<hbm>>) target_semaphore(%run_scoped3A : memref<!tpu.dma_semaphore, #tpu.memory_space<semaphore_mem>>)
        %dma_wait3A_52 = arith.constant 0 : i32
        %dma_wait3A_53 = tpu.memref_slice %arg5[%mul3A_37, %dma_wait3A_52] : memref<32000x128xf32, #tpu.memory_space<hbm>> -> memref<128x128xf32, #tpu.memory_space<hbm>>
        %dma_wait3A_54 = arith.constant 0 : i32
        %dma_wait3A_55 = tpu.memref_slice %arg5[%mul3A_37, %dma_wait3A_54] : memref<32000x128xf32, #tpu.memory_space<hbm>> -> memref<128x128xf32, #tpu.memory_space<hbm>>
        tpu.wait_dma2 semaphore(%run_scoped3A : memref<!tpu.dma_semaphore, #tpu.memory_space<semaphore_mem>>) src(%arg8 : memref<128x128xf32, #tpu.memory_space<vmem>>) dst(%dma_wait3A_55 : memref<128x128xf32, #tpu.memory_space<hbm>>)
        tpu.yield
      }) : () -> ()
      "tpu.region"() ({
        %run_scoped3A = tpu.sem_alloc : memref<!tpu.dma_semaphore, #tpu.memory_space<semaphore_mem>>
        %dma_start3A_48 = arith.constant 0 : i32
        %dma_start3A_49 = tpu.memref_slice %arg6[%mul3A_37, %dma_start3A_48] : memref<32000x128xf32, #tpu.memory_space<hbm>> -> memref<128x128xf32, #tpu.memory_space<hbm>>
        %dma_start3A_50 = arith.constant 0 : i32
        %dma_start3A_51 = tpu.memref_slice %arg6[%mul3A_37, %dma_start3A_50] : memref<32000x128xf32, #tpu.memory_space<hbm>> -> memref<128x128xf32, #tpu.memory_space<hbm>>
        tpu.enqueue_dma source(%arg10 : memref<128x128xf32, #tpu.memory_space<vmem>>) target(%dma_start3A_51 : memref<128x128xf32, #tpu.memory_space<hbm>>) target_semaphore(%run_scoped3A : memref<!tpu.dma_semaphore, #tpu.memory_space<semaphore_mem>>)
        %dma_wait3A_52 = arith.constant 0 : i32
        %dma_wait3A_53 = tpu.memref_slice %arg6[%mul3A_37, %dma_wait3A_52] : memref<32000x128xf32, #tpu.memory_space<hbm>> -> memref<128x128xf32, #tpu.memory_space<hbm>>
        %dma_wait3A_54 = arith.constant 0 : i32
        %dma_wait3A_55 = tpu.memref_slice %arg6[%mul3A_37, %dma_wait3A_54] : memref<32000x128xf32, #tpu.memory_space<hbm>> -> memref<128x128xf32, #tpu.memory_space<hbm>>
        tpu.wait_dma2 semaphore(%run_scoped3A : memref<!tpu.dma_semaphore, #tpu.memory_space<semaphore_mem>>) src(%arg10 : memref<128x128xf32, #tpu.memory_space<vmem>>) dst(%dma_wait3A_55 : memref<128x128xf32, #tpu.memory_space<hbm>>)
        tpu.yield
      }) : () -> ()
    }
    %while3A_31 = arith.constant 1 : i32
    scf.for %while3A_32 = %while3A_29 to %while3A_25 step %while3A_31  : i32 {
      %mul3A_33 = arith.constant 32 : i32
      %mul3A_34 = arith.muli %while3A_32, %mul3A_33 : i32
      %add3A_35 = arith.addi %add3A, %mul3A_34 : i32
      %mul3A_36 = arith.constant 128 : i32
      %mul3A_37 = arith.muli %add3A_35, %mul3A_36 : i32
      "tpu.region"() ({
        %run_scoped3A = tpu.sem_alloc : memref<!tpu.dma_semaphore, #tpu.memory_space<semaphore_mem>>
        %dma_start3A_48 = tpu.memref_slice %arg3[%mul3A_37] : memref<32000xi32, #tpu.memory_space<hbm>> -> memref<128xi32, #tpu.memory_space<hbm>>
        %dma_start3A_49 = tpu.memref_slice %arg3[%mul3A_37] : memref<32000xi32, #tpu.memory_space<hbm>> -> memref<128xi32, #tpu.memory_space<hbm>>
        tpu.enqueue_dma source(%dma_start3A_49 : memref<128xi32, #tpu.memory_space<hbm>>) target(%arg7 : memref<128xi32, #tpu.memory_space<vmem>>) target_semaphore(%run_scoped3A : memref<!tpu.dma_semaphore, #tpu.memory_space<semaphore_mem>>)
        %dma_wait3A_50 = tpu.memref_slice %arg3[%mul3A_37] : memref<32000xi32, #tpu.memory_space<hbm>> -> memref<128xi32, #tpu.memory_space<hbm>>
        %dma_wait3A_51 = tpu.memref_slice %arg3[%mul3A_37] : memref<32000xi32, #tpu.memory_space<hbm>> -> memref<128xi32, #tpu.memory_space<hbm>>
        tpu.wait_dma2 semaphore(%run_scoped3A : memref<!tpu.dma_semaphore, #tpu.memory_space<semaphore_mem>>) src(%dma_wait3A_51 : memref<128xi32, #tpu.memory_space<hbm>>) dst(%arg7 : memref<128xi32, #tpu.memory_space<vmem>>)
        tpu.yield
      }) : () -> ()
      "tpu.region"() ({
        %run_scoped3A = tpu.sem_alloc : memref<!tpu.dma_semaphore, #tpu.memory_space<semaphore_mem>>
        %dma_start3A_48 = tpu.memref_slice %arg4[%mul3A_37] : memref<32000xi32, #tpu.memory_space<hbm>> -> memref<128xi32, #tpu.memory_space<hbm>>
        %dma_start3A_49 = tpu.memref_slice %arg4[%mul3A_37] : memref<32000xi32, #tpu.memory_space<hbm>> -> memref<128xi32, #tpu.memory_space<hbm>>
        tpu.enqueue_dma source(%dma_start3A_49 : memref<128xi32, #tpu.memory_space<hbm>>) target(%arg9 : memref<128xi32, #tpu.memory_space<vmem>>) target_semaphore(%run_scoped3A : memref<!tpu.dma_semaphore, #tpu.memory_space<semaphore_mem>>)
        %dma_wait3A_50 = tpu.memref_slice %arg4[%mul3A_37] : memref<32000xi32, #tpu.memory_space<hbm>> -> memref<128xi32, #tpu.memory_space<hbm>>
        %dma_wait3A_51 = tpu.memref_slice %arg4[%mul3A_37] : memref<32000xi32, #tpu.memory_space<hbm>> -> memref<128xi32, #tpu.memory_space<hbm>>
        tpu.wait_dma2 semaphore(%run_scoped3A : memref<!tpu.dma_semaphore, #tpu.memory_space<semaphore_mem>>) src(%dma_wait3A_51 : memref<128xi32, #tpu.memory_space<hbm>>) dst(%arg9 : memref<128xi32, #tpu.memory_space<vmem>>)
        tpu.yield
      }) : () -> ()
      %dma_start3A = arith.constant 0 : i32
      %dma_start3A_38 = arith.constant 0 : i32
      %dma_start3A_39 = tpu.memref_slice %arg2[%dma_start3A, %dma_start3A_38] : memref<10000x128xf32, #tpu.memory_space<hbm>> -> memref<10000x128xf32, #tpu.memory_space<hbm>>
      tpu.enqueue_indirect_dma source(%dma_start3A_39 : memref<10000x128xf32, #tpu.memory_space<hbm>>) target(%arg8 : memref<128x128xf32, #tpu.memory_space<vmem>>) offsets(%arg7 : memref<128xi32, #tpu.memory_space<vmem>>) semaphore(%arg11 : memref<!tpu.dma_semaphore, #tpu.memory_space<semaphore_mem>>)
      %dma_start3A_40 = arith.constant 0 : i32
      %dma_start3A_41 = arith.constant 0 : i32
      %dma_start3A_42 = tpu.memref_slice %arg2[%dma_start3A_40, %dma_start3A_41] : memref<10000x128xf32, #tpu.memory_space<hbm>> -> memref<10000x128xf32, #tpu.memory_space<hbm>>
      tpu.enqueue_indirect_dma source(%dma_start3A_42 : memref<10000x128xf32, #tpu.memory_space<hbm>>) target(%arg10 : memref<128x128xf32, #tpu.memory_space<vmem>>) offsets(%arg9 : memref<128xi32, #tpu.memory_space<vmem>>) semaphore(%arg12 : memref<!tpu.dma_semaphore, #tpu.memory_space<semaphore_mem>>)
      %dma_wait3A = arith.constant 0 : i32
      %dma_wait3A_43 = arith.constant 0 : i32
      %dma_wait3A_44 = tpu.memref_slice %arg2[%dma_wait3A, %dma_wait3A_43] : memref<10000x128xf32, #tpu.memory_space<hbm>> -> memref<10000x128xf32, #tpu.memory_space<hbm>>
      tpu.wait_indirect_dma semaphore(%arg11 : memref<!tpu.dma_semaphore, #tpu.memory_space<semaphore_mem>>) src(%dma_wait3A_44 : memref<10000x128xf32, #tpu.memory_space<hbm>>) dst(%arg8 : memref<128x128xf32, #tpu.memory_space<vmem>>)
      %dma_wait3A_45 = arith.constant 0 : i32
      %dma_wait3A_46 = arith.constant 0 : i32
      %dma_wait3A_47 = tpu.memref_slice %arg2[%dma_wait3A_45, %dma_wait3A_46] : memref<10000x128xf32, #tpu.memory_space<hbm>> -> memref<10000x128xf32, #tpu.memory_space<hbm>>
      tpu.wait_indirect_dma semaphore(%arg12 : memref<!tpu.dma_semaphore, #tpu.memory_space<semaphore_mem>>) src(%dma_wait3A_47 : memref<10000x128xf32, #tpu.memory_space<hbm>>) dst(%arg10 : memref<128x128xf32, #tpu.memory_space<vmem>>)
      "tpu.region"() ({
        %run_scoped3A = tpu.sem_alloc : memref<!tpu.dma_semaphore, #tpu.memory_space<semaphore_mem>>
        %dma_start3A_48 = arith.constant 0 : i32
        %dma_start3A_49 = tpu.memref_slice %arg5[%mul3A_37, %dma_start3A_48] : memref<32000x128xf32, #tpu.memory_space<hbm>> -> memref<128x128xf32, #tpu.memory_space<hbm>>
        %dma_start3A_50 = arith.constant 0 : i32
        %dma_start3A_51 = tpu.memref_slice %arg5[%mul3A_37, %dma_start3A_50] : memref<32000x128xf32, #tpu.memory_space<hbm>> -> memref<128x128xf32, #tpu.memory_space<hbm>>
        tpu.enqueue_dma source(%arg8 : memref<128x128xf32, #tpu.memory_space<vmem>>) target(%dma_start3A_51 : memref<128x128xf32, #tpu.memory_space<hbm>>) target_semaphore(%run_scoped3A : memref<!tpu.dma_semaphore, #tpu.memory_space<semaphore_mem>>)
        %dma_wait3A_52 = arith.constant 0 : i32
        %dma_wait3A_53 = tpu.memref_slice %arg5[%mul3A_37, %dma_wait3A_52] : memref<32000x128xf32, #tpu.memory_space<hbm>> -> memref<128x128xf32, #tpu.memory_space<hbm>>
        %dma_wait3A_54 = arith.constant 0 : i32
        %dma_wait3A_55 = tpu.memref_slice %arg5[%mul3A_37, %dma_wait3A_54] : memref<32000x128xf32, #tpu.memory_space<hbm>> -> memref<128x128xf32, #tpu.memory_space<hbm>>
        tpu.wait_dma2 semaphore(%run_scoped3A : memref<!tpu.dma_semaphore, #tpu.memory_space<semaphore_mem>>) src(%arg8 : memref<128x128xf32, #tpu.memory_space<vmem>>) dst(%dma_wait3A_55 : memref<128x128xf32, #tpu.memory_space<hbm>>)
        tpu.yield
      }) : () -> ()
      "tpu.region"() ({
        %run_scoped3A = tpu.sem_alloc : memref<!tpu.dma_semaphore, #tpu.memory_space<semaphore_mem>>
        %dma_start3A_48 = arith.constant 0 : i32
        %dma_start3A_49 = tpu.memref_slice %arg6[%mul3A_37, %dma_start3A_48] : memref<32000x128xf32, #tpu.memory_space<hbm>> -> memref<128x128xf32, #tpu.memory_space<hbm>>
        %dma_start3A_50 = arith.constant 0 : i32
        %dma_start3A_51 = tpu.memref_slice %arg6[%mul3A_37, %dma_start3A_50] : memref<32000x128xf32, #tpu.memory_space<hbm>> -> memref<128x128xf32, #tpu.memory_space<hbm>>
        tpu.enqueue_dma source(%arg10 : memref<128x128xf32, #tpu.memory_space<vmem>>) target(%dma_start3A_51 : memref<128x128xf32, #tpu.memory_space<hbm>>) target_semaphore(%run_scoped3A : memref<!tpu.dma_semaphore, #tpu.memory_space<semaphore_mem>>)
        %dma_wait3A_52 = arith.constant 0 : i32
        %dma_wait3A_53 = tpu.memref_slice %arg6[%mul3A_37, %dma_wait3A_52] : memref<32000x128xf32, #tpu.memory_space<hbm>> -> memref<128x128xf32, #tpu.memory_space<hbm>>
        %dma_wait3A_54 = arith.constant 0 : i32
        %dma_wait3A_55 = tpu.memref_slice %arg6[%mul3A_37, %dma_wait3A_54] : memref<32000x128xf32, #tpu.memory_space<hbm>> -> memref<128x128xf32, #tpu.memory_space<hbm>>
        tpu.wait_dma2 semaphore(%run_scoped3A : memref<!tpu.dma_semaphore, #tpu.memory_space<semaphore_mem>>) src(%arg10 : memref<128x128xf32, #tpu.memory_space<vmem>>) dst(%dma_wait3A_55 : memref<128x128xf32, #tpu.memory_space<hbm>>)
        tpu.yield
      }) : () -> ()
    }
    return
  }
}

#map = affine_map<(d0, d1) -> (0, 0)>
#map1 = affine_map<(d0, d1) -> (0)>
module attributes {stable_mosaic.version = 14 : i64} {
  func.func @_sc_gather_kernel(%arg0: i32, %arg1: i32, %arg2: memref<10000x128xf32, #tpu.memory_space<hbm>>, %arg3: memref<32000xi32, #tpu.memory_space<hbm>>, %arg4: memref<32000xi32, #tpu.memory_space<hbm>>, %arg5: memref<32000x128xf32, #tpu.memory_space<hbm>>, %arg6: memref<32000x128xf32, #tpu.memory_space<hbm>>, %arg7: memref<128xi32, #tpu.memory_space<vmem>>, %arg8: memref<128x128xf32, #tpu.memory_space<vmem>>, %arg9: memref<128xi32, #tpu.memory_space<vmem>>, %arg10: memref<128x128xf32, #tpu.memory_space<vmem>>, %arg11: memref<!tpu.dma_semaphore, #tpu.memory_space<semaphore_mem>>, %arg12: memref<!tpu.dma_semaphore, #tpu.memory_space<semaphore_mem>>) attributes {dimension_semantics = [#tpu.dimension_semantics<core_parallel>, #tpu.dimension_semantics<subcore_parallel>], iteration_bounds = array<i64: 2, 16>, scalar_prefetch = 0 : i64, scratch_operands = 6 : i64, tpu.core_type = #tpu.core_type<sc_vector_subcore>, window_params = [{transform_indices = #map}, {transform_indices = #map1}, {transform_indices = #map1}, {transform_indices = #map}, {transform_indices = #map}]} {
    %mul3A = arith.constant 2 : i32
    %mul3A_0 = arith.muli %arg1, %mul3A : i32
    %add3A = arith.addi %mul3A_0, %arg0 : i32
    %sub3A = arith.constant 250 : i32
    %sub3A_1 = arith.subi %sub3A, %add3A : i32
    %add3A_2 = arith.constant 32 : i32
    %add3A_3 = arith.addi %sub3A_1, %add3A_2 : i32
    %sub3A_4 = arith.constant 1 : i32
    %sub3A_5 = arith.subi %add3A_3, %sub3A_4 : i32
    %jit3A = arith.constant 32 : i32
    %div3A = arith.divsi %sub3A_5, %jit3A : i32
    %sign3A = arith.constant 0 : i32
    %sign3A_6 = arith.cmpi sgt, %sub3A_5, %sign3A : i32
    %sign3A_7 = arith.extui %sign3A_6 : i1 to i32
    %sign3A_8 = arith.constant 0 : i32
    %sign3A_9 = arith.cmpi slt, %sub3A_5, %sign3A_8 : i32
    %sign3A_10 = arith.extui %sign3A_9 : i1 to i32
    %sign3A_11 = arith.subi %sign3A_7, %sign3A_10 : i32
    %sign3A_12 = arith.constant 0 : i32
    %sign3A_13 = arith.cmpi sgt, %jit3A, %sign3A_12 : i32
    %sign3A_14 = arith.extui %sign3A_13 : i1 to i32
    %sign3A_15 = arith.constant 0 : i32
    %sign3A_16 = arith.cmpi slt, %jit3A, %sign3A_15 : i32
    %sign3A_17 = arith.extui %sign3A_16 : i1 to i32
    %sign3A_18 = arith.subi %sign3A_14, %sign3A_17 : i32
    %ne3A = arith.cmpi ne, %sign3A_11, %sign3A_18 : i32
    %rem3A = arith.remsi %sub3A_5, %jit3A : i32
    %ne3A_19 = arith.constant 0 : i32
    %ne3A_20 = arith.cmpi ne, %rem3A, %ne3A_19 : i32
    %and3A = arith.andi %ne3A, %ne3A_20 : i1
    %sub3A_21 = arith.constant 1 : i32
    %sub3A_22 = arith.subi %div3A, %sub3A_21 : i32
    %select_n3A = arith.select %and3A, %sub3A_22, %div3A : i32
    %while3A = arith.constant 0 : i32
    %while3A_23 = arith.constant 0 : i32
    %while3A_24 = arith.subi %select_n3A, %while3A_23 : i32
    %while3A_25 = arith.addi %while3A_23, %while3A_24 : i32
    %while3A_26 = arith.constant 1 : i32
    %while3A_27 = arith.divsi %while3A_24, %while3A_26 : i32
    %while3A_28 = arith.muli %while3A_27, %while3A_26 : i32
    %while3A_29 = arith.addi %while3A_23, %while3A_28 : i32
    %while3A_30 = arith.constant 1 : i32
    scf.for %while3A_32 = %while3A_23 to %while3A_29 step %while3A_30  : i32 {
      %mul3A_33 = arith.constant 32 : i32
      %mul3A_34 = arith.muli %while3A_32, %mul3A_33 : i32
      %add3A_35 = arith.addi %add3A, %mul3A_34 : i32
      %mul3A_36 = arith.constant 128 : i32
      %mul3A_37 = arith.muli %add3A_35, %mul3A_36 : i32
      "tpu.region"() ({
        %run_scoped3A = tpu.sem_alloc : memref<!tpu.dma_semaphore, #tpu.memory_space<semaphore_mem>>
        %dma_start3A_48 = tpu.memref_slice %arg3[%mul3A_37] : memref<32000xi32, #tpu.memory_space<hbm>> -> memref<128xi32, #tpu.memory_space<hbm>>
        %dma_start3A_49 = tpu.memref_slice %arg3[%mul3A_37] : memref<32000xi32, #tpu.memory_space<hbm>> -> memref<128xi32, #tpu.memory_space<hbm>>
        tpu.enqueue_dma source(%dma_start3A_49 : memref<128xi32, #tpu.memory_space<hbm>>) target(%arg7 : memref<128xi32, #tpu.memory_space<vmem>>) target_semaphore(%run_scoped3A : memref<!tpu.dma_semaphore, #tpu.memory_space<semaphore_mem>>)
        %dma_wait3A_50 = tpu.memref_slice %arg3[%mul3A_37] : memref<32000xi32, #tpu.memory_space<hbm>> -> memref<128xi32, #tpu.memory_space<hbm>>
        %dma_wait3A_51 = tpu.memref_slice %arg3[%mul3A_37] : memref<32000xi32, #tpu.memory_space<hbm>> -> memref<128xi32, #tpu.memory_space<hbm>>
        tpu.wait_dma2 semaphore(%run_scoped3A : memref<!tpu.dma_semaphore, #tpu.memory_space<semaphore_mem>>) src(%dma_wait3A_51 : memref<128xi32, #tpu.memory_space<hbm>>) dst(%arg7 : memref<128xi32, #tpu.memory_space<vmem>>)
        tpu.yield
      }) : () -> ()
      "tpu.region"() ({
        %run_scoped3A = tpu.sem_alloc : memref<!tpu.dma_semaphore, #tpu.memory_space<semaphore_mem>>
        %dma_start3A_48 = tpu.memref_slice %arg4[%mul3A_37] : memref<32000xi32, #tpu.memory_space<hbm>> -> memref<128xi32, #tpu.memory_space<hbm>>
        %dma_start3A_49 = tpu.memref_slice %arg4[%mul3A_37] : memref<32000xi32, #tpu.memory_space<hbm>> -> memref<128xi32, #tpu.memory_space<hbm>>
        tpu.enqueue_dma source(%dma_start3A_49 : memref<128xi32, #tpu.memory_space<hbm>>) target(%arg9 : memref<128xi32, #tpu.memory_space<vmem>>) target_semaphore(%run_scoped3A : memref<!tpu.dma_semaphore, #tpu.memory_space<semaphore_mem>>)
        %dma_wait3A_50 = tpu.memref_slice %arg4[%mul3A_37] : memref<32000xi32, #tpu.memory_space<hbm>> -> memref<128xi32, #tpu.memory_space<hbm>>
        %dma_wait3A_51 = tpu.memref_slice %arg4[%mul3A_37] : memref<32000xi32, #tpu.memory_space<hbm>> -> memref<128xi32, #tpu.memory_space<hbm>>
        tpu.wait_dma2 semaphore(%run_scoped3A : memref<!tpu.dma_semaphore, #tpu.memory_space<semaphore_mem>>) src(%dma_wait3A_51 : memref<128xi32, #tpu.memory_space<hbm>>) dst(%arg9 : memref<128xi32, #tpu.memory_space<vmem>>)
        tpu.yield
      }) : () -> ()
      %dma_start3A = arith.constant 0 : i32
      %dma_start3A_38 = arith.constant 0 : i32
      %dma_start3A_39 = tpu.memref_slice %arg2[%dma_start3A, %dma_start3A_38] : memref<10000x128xf32, #tpu.memory_space<hbm>> -> memref<10000x128xf32, #tpu.memory_space<hbm>>
      tpu.enqueue_indirect_dma source(%dma_start3A_39 : memref<10000x128xf32, #tpu.memory_space<hbm>>) target(%arg8 : memref<128x128xf32, #tpu.memory_space<vmem>>) offsets(%arg7 : memref<128xi32, #tpu.memory_space<vmem>>) semaphore(%arg11 : memref<!tpu.dma_semaphore, #tpu.memory_space<semaphore_mem>>)
      %dma_start3A_40 = arith.constant 0 : i32
      %dma_start3A_41 = arith.constant 0 : i32
      %dma_start3A_42 = tpu.memref_slice %arg2[%dma_start3A_40, %dma_start3A_41] : memref<10000x128xf32, #tpu.memory_space<hbm>> -> memref<10000x128xf32, #tpu.memory_space<hbm>>
      tpu.enqueue_indirect_dma source(%dma_start3A_42 : memref<10000x128xf32, #tpu.memory_space<hbm>>) target(%arg10 : memref<128x128xf32, #tpu.memory_space<vmem>>) offsets(%arg9 : memref<128xi32, #tpu.memory_space<vmem>>) semaphore(%arg12 : memref<!tpu.dma_semaphore, #tpu.memory_space<semaphore_mem>>)
      %dma_wait3A = arith.constant 0 : i32
      %dma_wait3A_43 = arith.constant 0 : i32
      %dma_wait3A_44 = tpu.memref_slice %arg2[%dma_wait3A, %dma_wait3A_43] : memref<10000x128xf32, #tpu.memory_space<hbm>> -> memref<10000x128xf32, #tpu.memory_space<hbm>>
      tpu.wait_indirect_dma semaphore(%arg11 : memref<!tpu.dma_semaphore, #tpu.memory_space<semaphore_mem>>) src(%dma_wait3A_44 : memref<10000x128xf32, #tpu.memory_space<hbm>>) dst(%arg8 : memref<128x128xf32, #tpu.memory_space<vmem>>)
      %dma_wait3A_45 = arith.constant 0 : i32
      %dma_wait3A_46 = arith.constant 0 : i32
      %dma_wait3A_47 = tpu.memref_slice %arg2[%dma_wait3A_45, %dma_wait3A_46] : memref<10000x128xf32, #tpu.memory_space<hbm>> -> memref<10000x128xf32, #tpu.memory_space<hbm>>
      tpu.wait_indirect_dma semaphore(%arg12 : memref<!tpu.dma_semaphore, #tpu.memory_space<semaphore_mem>>) src(%dma_wait3A_47 : memref<10000x128xf32, #tpu.memory_space<hbm>>) dst(%arg10 : memref<128x128xf32, #tpu.memory_space<vmem>>)
      "tpu.region"() ({
        %run_scoped3A = tpu.sem_alloc : memref<!tpu.dma_semaphore, #tpu.memory_space<semaphore_mem>>
        %dma_start3A_48 = arith.constant 0 : i32
        %dma_start3A_49 = tpu.memref_slice %arg5[%mul3A_37, %dma_start3A_48] : memref<32000x128xf32, #tpu.memory_space<hbm>> -> memref<128x128xf32, #tpu.memory_space<hbm>>
        %dma_start3A_50 = arith.constant 0 : i32
        %dma_start3A_51 = tpu.memref_slice %arg5[%mul3A_37, %dma_start3A_50] : memref<32000x128xf32, #tpu.memory_space<hbm>> -> memref<128x128xf32, #tpu.memory_space<hbm>>
        tpu.enqueue_dma source(%arg8 : memref<128x128xf32, #tpu.memory_space<vmem>>) target(%dma_start3A_51 : memref<128x128xf32, #tpu.memory_space<hbm>>) target_semaphore(%run_scoped3A : memref<!tpu.dma_semaphore, #tpu.memory_space<semaphore_mem>>)
        %dma_wait3A_52 = arith.constant 0 : i32
        %dma_wait3A_53 = tpu.memref_slice %arg5[%mul3A_37, %dma_wait3A_52] : memref<32000x128xf32, #tpu.memory_space<hbm>> -> memref<128x128xf32, #tpu.memory_space<hbm>>
        %dma_wait3A_54 = arith.constant 0 : i32
        %dma_wait3A_55 = tpu.memref_slice %arg5[%mul3A_37, %dma_wait3A_54] : memref<32000x128xf32, #tpu.memory_space<hbm>> -> memref<128x128xf32, #tpu.memory_space<hbm>>
        tpu.wait_dma2 semaphore(%run_scoped3A : memref<!tpu.dma_semaphore, #tpu.memory_space<semaphore_mem>>) src(%arg8 : memref<128x128xf32, #tpu.memory_space<vmem>>) dst(%dma_wait3A_55 : memref<128x128xf32, #tpu.memory_space<hbm>>)
        tpu.yield
      }) : () -> ()
      "tpu.region"() ({
        %run_scoped3A = tpu.sem_alloc : memref<!tpu.dma_semaphore, #tpu.memory_space<semaphore_mem>>
        %dma_start3A_48 = arith.constant 0 : i32
        %dma_start3A_49 = tpu.memref_slice %arg6[%mul3A_37, %dma_start3A_48] : memref<32000x128xf32, #tpu.memory_space<hbm>> -> memref<128x128xf32, #tpu.memory_space<hbm>>
        %dma_start3A_50 = arith.constant 0 : i32
        %dma_start3A_51 = tpu.memref_slice %arg6[%mul3A_37, %dma_start3A_50] : memref<32000x128xf32, #tpu.memory_space<hbm>> -> memref<128x128xf32, #tpu.memory_space<hbm>>
        tpu.enqueue_dma source(%arg10 : memref<128x128xf32, #tpu.memory_space<vmem>>) target(%dma_start3A_51 : memref<128x128xf32, #tpu.memory_space<hbm>>) target_semaphore(%run_scoped3A : memref<!tpu.dma_semaphore, #tpu.memory_space<semaphore_mem>>)
        %dma_wait3A_52 = arith.constant 0 : i32
        %dma_wait3A_53 = tpu.memref_slice %arg6[%mul3A_37, %dma_wait3A_52] : memref<32000x128xf32, #tpu.memory_space<hbm>> -> memref<128x128xf32, #tpu.memory_space<hbm>>
        %dma_wait3A_54 = arith.constant 0 : i32
        %dma_wait3A_55 = tpu.memref_slice %arg6[%mul3A_37, %dma_wait3A_54] : memref<32000x128xf32, #tpu.memory_space<hbm>> -> memref<128x128xf32, #tpu.memory_space<hbm>>
        tpu.wait_dma2 semaphore(%run_scoped3A : memref<!tpu.dma_semaphore, #tpu.memory_space<semaphore_mem>>) src(%arg10 : memref<128x128xf32, #tpu.memory_space<vmem>>) dst(%dma_wait3A_55 : memref<128x128xf32, #tpu.memory_space<hbm>>)
        tpu.yield
      }) : () -> ()
    }
    %while3A_31 = arith.constant 1 : i32
    scf.for %while3A_32 = %while3A_29 to %while3A_25 step %while3A_31  : i32 {
      %mul3A_33 = arith.constant 32 : i32
      %mul3A_34 = arith.muli %while3A_32, %mul3A_33 : i32
      %add3A_35 = arith.addi %add3A, %mul3A_34 : i32
      %mul3A_36 = arith.constant 128 : i32
      %mul3A_37 = arith.muli %add3A_35, %mul3A_36 : i32
      "tpu.region"() ({
        %run_scoped3A = tpu.sem_alloc : memref<!tpu.dma_semaphore, #tpu.memory_space<semaphore_mem>>
        %dma_start3A_48 = tpu.memref_slice %arg3[%mul3A_37] : memref<32000xi32, #tpu.memory_space<hbm>> -> memref<128xi32, #tpu.memory_space<hbm>>
        %dma_start3A_49 = tpu.memref_slice %arg3[%mul3A_37] : memref<32000xi32, #tpu.memory_space<hbm>> -> memref<128xi32, #tpu.memory_space<hbm>>
        tpu.enqueue_dma source(%dma_start3A_49 : memref<128xi32, #tpu.memory_space<hbm>>) target(%arg7 : memref<128xi32, #tpu.memory_space<vmem>>) target_semaphore(%run_scoped3A : memref<!tpu.dma_semaphore, #tpu.memory_space<semaphore_mem>>)
        %dma_wait3A_50 = tpu.memref_slice %arg3[%mul3A_37] : memref<32000xi32, #tpu.memory_space<hbm>> -> memref<128xi32, #tpu.memory_space<hbm>>
        %dma_wait3A_51 = tpu.memref_slice %arg3[%mul3A_37] : memref<32000xi32, #tpu.memory_space<hbm>> -> memref<128xi32, #tpu.memory_space<hbm>>
        tpu.wait_dma2 semaphore(%run_scoped3A : memref<!tpu.dma_semaphore, #tpu.memory_space<semaphore_mem>>) src(%dma_wait3A_51 : memref<128xi32, #tpu.memory_space<hbm>>) dst(%arg7 : memref<128xi32, #tpu.memory_space<vmem>>)
        tpu.yield
      }) : () -> ()
      "tpu.region"() ({
        %run_scoped3A = tpu.sem_alloc : memref<!tpu.dma_semaphore, #tpu.memory_space<semaphore_mem>>
        %dma_start3A_48 = tpu.memref_slice %arg4[%mul3A_37] : memref<32000xi32, #tpu.memory_space<hbm>> -> memref<128xi32, #tpu.memory_space<hbm>>
        %dma_start3A_49 = tpu.memref_slice %arg4[%mul3A_37] : memref<32000xi32, #tpu.memory_space<hbm>> -> memref<128xi32, #tpu.memory_space<hbm>>
        tpu.enqueue_dma source(%dma_start3A_49 : memref<128xi32, #tpu.memory_space<hbm>>) target(%arg9 : memref<128xi32, #tpu.memory_space<vmem>>) target_semaphore(%run_scoped3A : memref<!tpu.dma_semaphore, #tpu.memory_space<semaphore_mem>>)
        %dma_wait3A_50 = tpu.memref_slice %arg4[%mul3A_37] : memref<32000xi32, #tpu.memory_space<hbm>> -> memref<128xi32, #tpu.memory_space<hbm>>
        %dma_wait3A_51 = tpu.memref_slice %arg4[%mul3A_37] : memref<32000xi32, #tpu.memory_space<hbm>> -> memref<128xi32, #tpu.memory_space<hbm>>
        tpu.wait_dma2 semaphore(%run_scoped3A : memref<!tpu.dma_semaphore, #tpu.memory_space<semaphore_mem>>) src(%dma_wait3A_51 : memref<128xi32, #tpu.memory_space<hbm>>) dst(%arg9 : memref<128xi32, #tpu.memory_space<vmem>>)
        tpu.yield
      }) : () -> ()
      %dma_start3A = arith.constant 0 : i32
      %dma_start3A_38 = arith.constant 0 : i32
      %dma_start3A_39 = tpu.memref_slice %arg2[%dma_start3A, %dma_start3A_38] : memref<10000x128xf32, #tpu.memory_space<hbm>> -> memref<10000x128xf32, #tpu.memory_space<hbm>>
      tpu.enqueue_indirect_dma source(%dma_start3A_39 : memref<10000x128xf32, #tpu.memory_space<hbm>>) target(%arg8 : memref<128x128xf32, #tpu.memory_space<vmem>>) offsets(%arg7 : memref<128xi32, #tpu.memory_space<vmem>>) semaphore(%arg11 : memref<!tpu.dma_semaphore, #tpu.memory_space<semaphore_mem>>)
      %dma_start3A_40 = arith.constant 0 : i32
      %dma_start3A_41 = arith.constant 0 : i32
      %dma_start3A_42 = tpu.memref_slice %arg2[%dma_start3A_40, %dma_start3A_41] : memref<10000x128xf32, #tpu.memory_space<hbm>> -> memref<10000x128xf32, #tpu.memory_space<hbm>>
      tpu.enqueue_indirect_dma source(%dma_start3A_42 : memref<10000x128xf32, #tpu.memory_space<hbm>>) target(%arg10 : memref<128x128xf32, #tpu.memory_space<vmem>>) offsets(%arg9 : memref<128xi32, #tpu.memory_space<vmem>>) semaphore(%arg12 : memref<!tpu.dma_semaphore, #tpu.memory_space<semaphore_mem>>)
      %dma_wait3A = arith.constant 0 : i32
      %dma_wait3A_43 = arith.constant 0 : i32
      %dma_wait3A_44 = tpu.memref_slice %arg2[%dma_wait3A, %dma_wait3A_43] : memref<10000x128xf32, #tpu.memory_space<hbm>> -> memref<10000x128xf32, #tpu.memory_space<hbm>>
      tpu.wait_indirect_dma semaphore(%arg11 : memref<!tpu.dma_semaphore, #tpu.memory_space<semaphore_mem>>) src(%dma_wait3A_44 : memref<10000x128xf32, #tpu.memory_space<hbm>>) dst(%arg8 : memref<128x128xf32, #tpu.memory_space<vmem>>)
      %dma_wait3A_45 = arith.constant 0 : i32
      %dma_wait3A_46 = arith.constant 0 : i32
      %dma_wait3A_47 = tpu.memref_slice %arg2[%dma_wait3A_45, %dma_wait3A_46] : memref<10000x128xf32, #tpu.memory_space<hbm>> -> memref<10000x128xf32, #tpu.memory_space<hbm>>
      tpu.wait_indirect_dma semaphore(%arg12 : memref<!tpu.dma_semaphore, #tpu.memory_space<semaphore_mem>>) src(%dma_wait3A_47 : memref<10000x128xf32, #tpu.memory_space<hbm>>) dst(%arg10 : memref<128x128xf32, #tpu.memory_space<vmem>>)
      "tpu.region"() ({
        %run_scoped3A = tpu.sem_alloc : memref<!tpu.dma_semaphore, #tpu.memory_space<semaphore_mem>>
        %dma_start3A_48 = arith.constant 0 : i32
        %dma_start3A_49 = tpu.memref_slice %arg5[%mul3A_37, %dma_start3A_48] : memref<32000x128xf32, #tpu.memory_space<hbm>> -> memref<128x128xf32, #tpu.memory_space<hbm>>
        %dma_start3A_50 = arith.constant 0 : i32
        %dma_start3A_51 = tpu.memref_slice %arg5[%mul3A_37, %dma_start3A_50] : memref<32000x128xf32, #tpu.memory_space<hbm>> -> memref<128x128xf32, #tpu.memory_space<hbm>>
        tpu.enqueue_dma source(%arg8 : memref<128x128xf32, #tpu.memory_space<vmem>>) target(%dma_start3A_51 : memref<128x128xf32, #tpu.memory_space<hbm>>) target_semaphore(%run_scoped3A : memref<!tpu.dma_semaphore, #tpu.memory_space<semaphore_mem>>)
        %dma_wait3A_52 = arith.constant 0 : i32
        %dma_wait3A_53 = tpu.memref_slice %arg5[%mul3A_37, %dma_wait3A_52] : memref<32000x128xf32, #tpu.memory_space<hbm>> -> memref<128x128xf32, #tpu.memory_space<hbm>>
        %dma_wait3A_54 = arith.constant 0 : i32
        %dma_wait3A_55 = tpu.memref_slice %arg5[%mul3A_37, %dma_wait3A_54] : memref<32000x128xf32, #tpu.memory_space<hbm>> -> memref<128x128xf32, #tpu.memory_space<hbm>>
        tpu.wait_dma2 semaphore(%run_scoped3A : memref<!tpu.dma_semaphore, #tpu.memory_space<semaphore_mem>>) src(%arg8 : memref<128x128xf32, #tpu.memory_space<vmem>>) dst(%dma_wait3A_55 : memref<128x128xf32, #tpu.memory_space<hbm>>)
        tpu.yield
      }) : () -> ()
      "tpu.region"() ({
        %run_scoped3A = tpu.sem_alloc : memref<!tpu.dma_semaphore, #tpu.memory_space<semaphore_mem>>
        %dma_start3A_48 = arith.constant 0 : i32
        %dma_start3A_49 = tpu.memref_slice %arg6[%mul3A_37, %dma_start3A_48] : memref<32000x128xf32, #tpu.memory_space<hbm>> -> memref<128x128xf32, #tpu.memory_space<hbm>>
        %dma_start3A_50 = arith.constant 0 : i32
        %dma_start3A_51 = tpu.memref_slice %arg6[%mul3A_37, %dma_start3A_50] : memref<32000x128xf32, #tpu.memory_space<hbm>> -> memref<128x128xf32, #tpu.memory_space<hbm>>
        tpu.enqueue_dma source(%arg10 : memref<128x128xf32, #tpu.memory_space<vmem>>) target(%dma_start3A_51 : memref<128x128xf32, #tpu.memory_space<hbm>>) target_semaphore(%run_scoped3A : memref<!tpu.dma_semaphore, #tpu.memory_space<semaphore_mem>>)
        %dma_wait3A_52 = arith.constant 0 : i32
        %dma_wait3A_53 = tpu.memref_slice %arg6[%mul3A_37, %dma_wait3A_52] : memref<32000x128xf32, #tpu.memory_space<hbm>> -> memref<128x128xf32, #tpu.memory_space<hbm>>
        %dma_wait3A_54 = arith.constant 0 : i32
        %dma_wait3A_55 = tpu.memref_slice %arg6[%mul3A_37, %dma_wait3A_54] : memref<32000x128xf32, #tpu.memory_space<hbm>> -> memref<128x128xf32, #tpu.memory_space<hbm>>
        tpu.wait_dma2 semaphore(%run_scoped3A : memref<!tpu.dma_semaphore, #tpu.memory_space<semaphore_mem>>) src(%arg10 : memref<128x128xf32, #tpu.memory_space<vmem>>) dst(%dma_wait3A_55 : memref<128x128xf32, #tpu.memory_space<hbm>>)
        tpu.yield
      }) : () -> ()
    }
    return
  }
}

module attributes {stable_mosaic.version = 14 : i64} {
  func.func @body(%arg0: i32, %arg1: memref<8000x128xf32, #tpu.memory_space<vmem>>, %arg2: memref<8000x128xf32, #tpu.memory_space<vmem>>, %arg3: memref<8000x128xf32, #tpu.memory_space<vmem>>, %arg4: memref<128x256xbf16, #tpu.memory_space<vmem>>, %arg5: memref<128x256xbf16, #tpu.memory_space<vmem>>, %arg6: memref<128x256xbf16, #tpu.memory_space<vmem>>, %arg7: memref<1x256xf32, #tpu.memory_space<vmem>>, %arg8: memref<256x256xbf16, #tpu.memory_space<vmem>>, %arg9: memref<1x256xf32, #tpu.memory_space<vmem>>, %arg10: memref<256x128xbf16, #tpu.memory_space<vmem>>, %arg11: memref<1x128xf32, #tpu.memory_space<vmem>>, %arg12: memref<1x128xf32, #tpu.memory_space<vmem>>, %arg13: memref<1x128xf32, #tpu.memory_space<vmem>>, %arg14: memref<160000x128xf32, #tpu.memory_space<any>>, %arg15: memref<160000x8xf32, #tpu.memory_space<any>>, %arg16: memref<8000x128xf32, #tpu.memory_space<vmem>>, %arg17: memref<8000x8xf32, #tpu.memory_space<vmem>>) attributes {dimension_semantics = [#tpu.dimension_semantics<arbitrary>], iteration_bounds = array<i64: 4>, scalar_prefetch = 0 : i64, scratch_operands = 0 : i64, tpu.core_type = #tpu.core_type<tc>, window_params = [{transform_indices = @transform_0, window_bounds = array<i64: 8000, 128>}, {transform_indices = @transform_1, window_bounds = array<i64: 8000, 128>}, {transform_indices = @transform_2, window_bounds = array<i64: 8000, 128>}, {pipeline_mode = #tpu.pipeline_mode<synchronous>, transform_indices = @transform_3, window_bounds = array<i64: 128, 256>}, {pipeline_mode = #tpu.pipeline_mode<synchronous>, transform_indices = @transform_4, window_bounds = array<i64: 128, 256>}, {pipeline_mode = #tpu.pipeline_mode<synchronous>, transform_indices = @transform_5, window_bounds = array<i64: 128, 256>}, {pipeline_mode = #tpu.pipeline_mode<synchronous>, transform_indices = @transform_6, window_bounds = array<i64: 1, 256>}, {pipeline_mode = #tpu.pipeline_mode<synchronous>, transform_indices = @transform_7, window_bounds = array<i64: 256, 256>}, {pipeline_mode = #tpu.pipeline_mode<synchronous>, transform_indices = @transform_8, window_bounds = array<i64: 1, 256>}, {pipeline_mode = #tpu.pipeline_mode<synchronous>, transform_indices = @transform_9, window_bounds = array<i64: 256, 128>}, {pipeline_mode = #tpu.pipeline_mode<synchronous>, transform_indices = @transform_10, window_bounds = array<i64: 1, 128>}, {pipeline_mode = #tpu.pipeline_mode<synchronous>, transform_indices = @transform_11, window_bounds = array<i64: 1, 128>}, {pipeline_mode = #tpu.pipeline_mode<synchronous>, transform_indices = @transform_12, window_bounds = array<i64: 1, 128>}, {}, {}, {transform_indices = @transform_15, window_bounds = array<i64: 8000, 128>}, {transform_indices = @transform_16, window_bounds = array<i64: 8000, 8>}]} {
    %get3A = arith.constant 0 : index
    %get3A_0 = arith.constant 0 : index
    %get3A_1 = vector.load %arg1[%get3A, %get3A_0] : memref<8000x128xf32, #tpu.memory_space<vmem>>, vector<8000x128xf32>
    %convert_element_type3A = arith.truncf %get3A_1 : vector<8000x128xf32> to vector<8000x128xbf16>
    %get3A_2 = arith.constant 0 : index
    %get3A_3 = arith.constant 0 : index
    %get3A_4 = vector.load %arg4[%get3A_2, %get3A_3] : memref<128x256xbf16, #tpu.memory_space<vmem>>, vector<128x256xbf16>
    %dot_general3A = arith.constant dense<0.000000e+00> : vector<8000x256xf32>
    %dot_general3A_5 = tpu.matmul %convert_element_type3A, %get3A_4, %dot_general3A {dimension_numbers = #tpu.dot_dimension_numbers<[1], [0], [0], [1], [0, 0, 1, 1], [], []>, transpose_lhs_hint = false} : vector<8000x128xbf16>, vector<128x256xbf16>, vector<8000x256xf32> -> vector<8000x256xf32>
    %get3A_6 = arith.constant 0 : index
    %get3A_7 = arith.constant 0 : index
    %get3A_8 = vector.load %arg2[%get3A_6, %get3A_7] : memref<8000x128xf32, #tpu.memory_space<vmem>>, vector<8000x128xf32>
    %convert_element_type3A_9 = arith.truncf %get3A_8 : vector<8000x128xf32> to vector<8000x128xbf16>
    %get3A_10 = arith.constant 0 : index
    %get3A_11 = arith.constant 0 : index
    %get3A_12 = vector.load %arg5[%get3A_10, %get3A_11] : memref<128x256xbf16, #tpu.memory_space<vmem>>, vector<128x256xbf16>
    %dot_general3A_13 = arith.constant dense<0.000000e+00> : vector<8000x256xf32>
    %dot_general3A_14 = tpu.matmul %convert_element_type3A_9, %get3A_12, %dot_general3A_13 {dimension_numbers = #tpu.dot_dimension_numbers<[1], [0], [0], [1], [0, 0, 1, 1], [], []>, transpose_lhs_hint = false} : vector<8000x128xbf16>, vector<128x256xbf16>, vector<8000x256xf32> -> vector<8000x256xf32>
    %add3A = arith.addf %dot_general3A_5, %dot_general3A_14 : vector<8000x256xf32>
    %get3A_15 = arith.constant 0 : index
    %get3A_16 = arith.constant 0 : index
    %get3A_17 = vector.load %arg3[%get3A_15, %get3A_16] : memref<8000x128xf32, #tpu.memory_space<vmem>>, vector<8000x128xf32>
    %convert_element_type3A_18 = arith.truncf %get3A_17 : vector<8000x128xf32> to vector<8000x128xbf16>
    %get3A_19 = arith.constant 0 : index
    %get3A_20 = arith.constant 0 : index
    %get3A_21 = vector.load %arg6[%get3A_19, %get3A_20] : memref<128x256xbf16, #tpu.memory_space<vmem>>, vector<128x256xbf16>
    %dot_general3A_22 = arith.constant dense<0.000000e+00> : vector<8000x256xf32>
    %dot_general3A_23 = tpu.matmul %convert_element_type3A_18, %get3A_21, %dot_general3A_22 {dimension_numbers = #tpu.dot_dimension_numbers<[1], [0], [0], [1], [0, 0, 1, 1], [], []>, transpose_lhs_hint = false} : vector<8000x128xbf16>, vector<128x256xbf16>, vector<8000x256xf32> -> vector<8000x256xf32>
    %add3A_24 = arith.addf %add3A, %dot_general3A_23 : vector<8000x256xf32>
    %get3A_25 = arith.constant 0 : index
    %get3A_26 = arith.constant 0 : index
    %get3A_27 = vector.load %arg7[%get3A_25, %get3A_26] : memref<1x256xf32, #tpu.memory_space<vmem>>, vector<1x256xf32>
    %add3A_28 = vector.broadcast %get3A_27 : vector<1x256xf32> to vector<8000x256xf32>
    %add3A_29 = arith.addf %add3A_24, %add3A_28 : vector<8000x256xf32>
    %max3A = arith.constant 0.000000e+00 : f32
    %max3A_30 = vector.broadcast %max3A : f32 to vector<8000x256xf32>
    %max3A_31 = arith.maximumf %add3A_29, %max3A_30 : vector<8000x256xf32>
    %convert_element_type3A_32 = arith.truncf %max3A_31 : vector<8000x256xf32> to vector<8000x256xbf16>
    %get3A_33 = arith.constant 0 : index
    %get3A_34 = arith.constant 0 : index
    %get3A_35 = vector.load %arg8[%get3A_33, %get3A_34] : memref<256x256xbf16, #tpu.memory_space<vmem>>, vector<256x256xbf16>
    %dot_general3A_36 = arith.constant dense<0.000000e+00> : vector<8000x256xf32>
    %dot_general3A_37 = tpu.matmul %convert_element_type3A_32, %get3A_35, %dot_general3A_36 {dimension_numbers = #tpu.dot_dimension_numbers<[1], [0], [0], [1], [0, 0, 1, 1], [], []>, transpose_lhs_hint = false} : vector<8000x256xbf16>, vector<256x256xbf16>, vector<8000x256xf32> -> vector<8000x256xf32>
    %get3A_38 = arith.constant 0 : index
    %get3A_39 = arith.constant 0 : index
    %get3A_40 = vector.load %arg9[%get3A_38, %get3A_39] : memref<1x256xf32, #tpu.memory_space<vmem>>, vector<1x256xf32>
    %add3A_41 = vector.broadcast %get3A_40 : vector<1x256xf32> to vector<8000x256xf32>
    %add3A_42 = arith.addf %dot_general3A_37, %add3A_41 : vector<8000x256xf32>
    %max3A_43 = arith.constant 0.000000e+00 : f32
    %max3A_44 = vector.broadcast %max3A_43 : f32 to vector<8000x256xf32>
    %max3A_45 = arith.maximumf %add3A_42, %max3A_44 : vector<8000x256xf32>
    %convert_element_type3A_46 = arith.truncf %max3A_45 : vector<8000x256xf32> to vector<8000x256xbf16>
    %get3A_47 = arith.constant 0 : index
    %get3A_48 = arith.constant 0 : index
    %get3A_49 = vector.load %arg10[%get3A_47, %get3A_48] : memref<256x128xbf16, #tpu.memory_space<vmem>>, vector<256x128xbf16>
    %dot_general3A_50 = arith.constant dense<0.000000e+00> : vector<8000x128xf32>
    %dot_general3A_51 = tpu.matmul %convert_element_type3A_46, %get3A_49, %dot_general3A_50 {dimension_numbers = #tpu.dot_dimension_numbers<[1], [0], [0], [1], [0, 0, 1, 1], [], []>, transpose_lhs_hint = false} : vector<8000x256xbf16>, vector<256x128xbf16>, vector<8000x128xf32> -> vector<8000x128xf32>
    %get3A_52 = arith.constant 0 : index
    %get3A_53 = arith.constant 0 : index
    %get3A_54 = vector.load %arg11[%get3A_52, %get3A_53] : memref<1x128xf32, #tpu.memory_space<vmem>>, vector<1x128xf32>
    %add3A_55 = vector.broadcast %get3A_54 : vector<1x128xf32> to vector<8000x128xf32>
    %add3A_56 = arith.addf %dot_general3A_51, %add3A_55 : vector<8000x128xf32>
    %get3A_57 = arith.constant 0 : index
    %get3A_58 = arith.constant 0 : index
    %get3A_59 = vector.load %arg12[%get3A_57, %get3A_58] : memref<1x128xf32, #tpu.memory_space<vmem>>, vector<1x128xf32>
    %get3A_60 = arith.constant 0 : index
    %get3A_61 = arith.constant 0 : index
    %get3A_62 = vector.load %arg13[%get3A_60, %get3A_61] : memref<1x128xf32, #tpu.memory_space<vmem>>, vector<1x128xf32>
    %reduce_sum3A = arith.constant dense<0.000000e+00> : vector<8000xf32>
    %reduce_sum3A_63 = vector.multi_reduction <add>, %add3A_56, %reduce_sum3A [1] : vector<8000x128xf32> to vector<8000xf32>
    %broadcast_in_dim3A = vector.shape_cast %reduce_sum3A_63 : vector<8000xf32> to vector<8000x1xf32>
    %div3A = arith.constant 1.280000e+02 : f32
    %div3A_64 = vector.broadcast %div3A : f32 to vector<8000x1xf32>
    %div3A_65 = arith.divf %broadcast_in_dim3A, %div3A_64 : vector<8000x1xf32>
    %sub3A = vector.broadcast %div3A_65 : vector<8000x1xf32> to vector<8000x128xf32>
    %sub3A_66 = arith.subf %add3A_56, %sub3A : vector<8000x128xf32>
    %sub3A_67 = vector.broadcast %div3A_65 : vector<8000x1xf32> to vector<8000x128xf32>
    %sub3A_68 = arith.subf %add3A_56, %sub3A_67 : vector<8000x128xf32>
    %mul3A = arith.mulf %sub3A_66, %sub3A_68 : vector<8000x128xf32>
    %reduce_sum3A_69 = arith.constant dense<0.000000e+00> : vector<8000xf32>
    %reduce_sum3A_70 = vector.multi_reduction <add>, %mul3A, %reduce_sum3A_69 [1] : vector<8000x128xf32> to vector<8000xf32>
    %broadcast_in_dim3A_71 = vector.shape_cast %reduce_sum3A_70 : vector<8000xf32> to vector<8000x1xf32>
    %div3A_72 = arith.constant 1.280000e+02 : f32
    %div3A_73 = vector.broadcast %div3A_72 : f32 to vector<8000x1xf32>
    %div3A_74 = arith.divf %broadcast_in_dim3A_71, %div3A_73 : vector<8000x1xf32>
    %sub3A_75 = vector.broadcast %div3A_65 : vector<8000x1xf32> to vector<8000x128xf32>
    %sub3A_76 = arith.subf %add3A_56, %sub3A_75 : vector<8000x128xf32>
    %add3A_77 = arith.constant 9.99999974E-6 : f32
    %add3A_78 = vector.broadcast %add3A_77 : f32 to vector<8000x1xf32>
    %add3A_79 = arith.addf %div3A_74, %add3A_78 : vector<8000x1xf32>
    %rsqrt3A = math.rsqrt %add3A_79 : vector<8000x1xf32>
    %mul3A_80 = vector.broadcast %rsqrt3A : vector<8000x1xf32> to vector<8000x128xf32>
    %mul3A_81 = arith.mulf %sub3A_76, %mul3A_80 : vector<8000x128xf32>
    %mul3A_82 = vector.broadcast %get3A_59 : vector<1x128xf32> to vector<8000x128xf32>
    %mul3A_83 = arith.mulf %mul3A_82, %mul3A_81 : vector<8000x128xf32>
    %add3A_84 = vector.broadcast %get3A_62 : vector<1x128xf32> to vector<8000x128xf32>
    %add3A_85 = arith.addf %mul3A_83, %add3A_84 : vector<8000x128xf32>
    %swap3A = arith.constant 0 : index
    %swap3A_86 = arith.constant 0 : index
    %swap3A_87 = vector.load %arg16[%swap3A, %swap3A_86] : memref<8000x128xf32, #tpu.memory_space<vmem>>, vector<8000x128xf32>
    tpu.vector_store %arg16[%swap3A, %swap3A_86], %add3A_85 {strides = array<i32>} : memref<8000x128xf32, #tpu.memory_space<vmem>>, vector<8000x128xf32>,
    %iota3A = tpu.iota {dimensions = array<i32: 0>} : vector<128x8xi32>
    %jit3A = arith.constant 16 : i32
    %div3A_88 = vector.broadcast %jit3A : i32 to vector<128x8xi32>
    %div3A_89 = arith.divsi %iota3A, %div3A_88 : vector<128x8xi32>
    %sign3A = arith.constant 0 : i32
    %sign3A_90 = vector.broadcast %sign3A : i32 to vector<128x8xi32>
    %sign3A_91 = arith.cmpi sgt, %iota3A, %sign3A_90 : vector<128x8xi32>
    %sign3A_92 = arith.extui %sign3A_91 : vector<128x8xi1> to vector<128x8xi32>
    %sign3A_93 = arith.constant 0 : i32
    %sign3A_94 = vector.broadcast %sign3A_93 : i32 to vector<128x8xi32>
    %sign3A_95 = arith.cmpi slt, %iota3A, %sign3A_94 : vector<128x8xi32>
    %sign3A_96 = arith.extui %sign3A_95 : vector<128x8xi1> to vector<128x8xi32>
    %sign3A_97 = arith.subi %sign3A_92, %sign3A_96 : vector<128x8xi32>
    %sign3A_98 = arith.constant 0 : i32
    %sign3A_99 = arith.cmpi sgt, %jit3A, %sign3A_98 : i32
    %sign3A_100 = arith.extui %sign3A_99 : i1 to i32
    %sign3A_101 = arith.constant 0 : i32
    %sign3A_102 = arith.cmpi slt, %jit3A, %sign3A_101 : i32
    %sign3A_103 = arith.extui %sign3A_102 : i1 to i32
    %sign3A_104 = arith.subi %sign3A_100, %sign3A_103 : i32
    %ne3A = vector.broadcast %sign3A_104 : i32 to vector<128x8xi32>
    %ne3A_105 = arith.cmpi ne, %sign3A_97, %ne3A : vector<128x8xi32>
    %rem3A = vector.broadcast %jit3A : i32 to vector<128x8xi32>
    %rem3A_106 = arith.remsi %iota3A, %rem3A : vector<128x8xi32>
    %ne3A_107 = arith.constant 0 : i32
    %ne3A_108 = vector.broadcast %ne3A_107 : i32 to vector<128x8xi32>
    %ne3A_109 = arith.cmpi ne, %rem3A_106, %ne3A_108 : vector<128x8xi32>
    %and3A = arith.andi %ne3A_105, %ne3A_109 : vector<128x8xi1>
    %sub3A_110 = arith.constant 1 : i32
    %sub3A_111 = vector.broadcast %sub3A_110 : i32 to vector<128x8xi32>
    %sub3A_112 = arith.subi %div3A_89, %sub3A_111 : vector<128x8xi32>
    %select_n3A = arith.select %and3A, %sub3A_112, %div3A_89 : vector<128x8xi1>, vector<128x8xi32>
    %iota3A_113 = tpu.iota {dimensions = array<i32: 1>} : vector<128x8xi32>
    %eq3A = arith.cmpi eq, %select_n3A, %iota3A_113 : vector<128x8xi32>
    %convert_element_type3A_114 = arith.extui %eq3A : vector<128x8xi1> to vector<128x8xi32>
    %convert_element_type3A_115 = arith.sitofp %convert_element_type3A_114 : vector<128x8xi32> to vector<128x8xf32>
    %dot_general3A_116 = arith.constant dense<0.000000e+00> : vector<8000x8xf32>
    %dot_general3A_117 = tpu.matmul %add3A_85, %convert_element_type3A_115, %dot_general3A_116 {dimension_numbers = #tpu.dot_dimension_numbers<[1], [0], [0], [1], [0, 0, 1, 1], [], []>, transpose_lhs_hint = false} : vector<8000x128xf32>, vector<128x8xf32>, vector<8000x8xf32> -> vector<8000x8xf32>
    %swap3A_118 = arith.constant 0 : index
    %swap3A_119 = arith.constant 0 : index
    %swap3A_120 = vector.load %arg17[%swap3A_118, %swap3A_119] : memref<8000x8xf32, #tpu.memory_space<vmem>>, vector<8000x8xf32>
    tpu.vector_store %arg17[%swap3A_118, %swap3A_119], %dot_general3A_117 {strides = array<i32>} : memref<8000x8xf32, #tpu.memory_space<vmem>>, vector<8000x8xf32>,
    return
  }
  func.func @transform_0(%arg0: i32) -> (i32, i32) {
    %c0_i32 = arith.constant 0 : i32
    %c0_i32_0 = arith.constant 0 : i32
    return %arg0, %c0_i32 : i32, i32
  }
  func.func @transform_1(%arg0: i32) -> (i32, i32) {
    %c0_i32 = arith.constant 0 : i32
    %c0_i32_0 = arith.constant 0 : i32
    return %arg0, %c0_i32 : i32, i32
  }
  func.func @transform_2(%arg0: i32) -> (i32, i32) {
    %add3A = arith.constant 8 : i32
    %add3A_0 = arith.addi %arg0, %add3A : i32
    %c0_i32 = arith.constant 0 : i32
    %c0_i32_1 = arith.constant 0 : i32
    return %add3A_0, %c0_i32 : i32, i32
  }
  func.func @transform_3(%arg0: i32) -> (i32, i32) {
    %c0_i32 = arith.constant 0 : i32
    %c0_i32_0 = arith.constant 0 : i32
    %c0_i32_1 = arith.constant 0 : i32
    return %c0_i32, %c0_i32_0 : i32, i32
  }
  func.func @transform_4(%arg0: i32) -> (i32, i32) {
    %c0_i32 = arith.constant 0 : i32
    %c0_i32_0 = arith.constant 0 : i32
    %c0_i32_1 = arith.constant 0 : i32
    return %c0_i32, %c0_i32_0 : i32, i32
  }
  func.func @transform_5(%arg0: i32) -> (i32, i32) {
    %c0_i32 = arith.constant 0 : i32
    %c0_i32_0 = arith.constant 0 : i32
    %c0_i32_1 = arith.constant 0 : i32
    return %c0_i32, %c0_i32_0 : i32, i32
  }
  func.func @transform_6(%arg0: i32) -> (i32, i32) {
    %c0_i32 = arith.constant 0 : i32
    %c0_i32_0 = arith.constant 0 : i32
    %c0_i32_1 = arith.constant 0 : i32
    return %c0_i32, %c0_i32_0 : i32, i32
  }
  func.func @transform_7(%arg0: i32) -> (i32, i32) {
    %c0_i32 = arith.constant 0 : i32
    %c0_i32_0 = arith.constant 0 : i32
    %c0_i32_1 = arith.constant 0 : i32
    return %c0_i32, %c0_i32_0 : i32, i32
  }
  func.func @transform_8(%arg0: i32) -> (i32, i32) {
    %c0_i32 = arith.constant 0 : i32
    %c0_i32_0 = arith.constant 0 : i32
    %c0_i32_1 = arith.constant 0 : i32
    return %c0_i32, %c0_i32_0 : i32, i32
  }
  func.func @transform_9(%arg0: i32) -> (i32, i32) {
    %c0_i32 = arith.constant 0 : i32
    %c0_i32_0 = arith.constant 0 : i32
    %c0_i32_1 = arith.constant 0 : i32
    return %c0_i32, %c0_i32_0 : i32, i32
  }
  func.func @transform_10(%arg0: i32) -> (i32, i32) {
    %c0_i32 = arith.constant 0 : i32
    %c0_i32_0 = arith.constant 0 : i32
    %c0_i32_1 = arith.constant 0 : i32
    return %c0_i32, %c0_i32_0 : i32, i32
  }
  func.func @transform_11(%arg0: i32) -> (i32, i32) {
    %c0_i32 = arith.constant 0 : i32
    %c0_i32_0 = arith.constant 0 : i32
    %c0_i32_1 = arith.constant 0 : i32
    return %c0_i32, %c0_i32_0 : i32, i32
  }
  func.func @transform_12(%arg0: i32) -> (i32, i32) {
    %c0_i32 = arith.constant 0 : i32
    %c0_i32_0 = arith.constant 0 : i32
    %c0_i32_1 = arith.constant 0 : i32
    return %c0_i32, %c0_i32_0 : i32, i32
  }
  func.func @transform_15(%arg0: i32) -> (i32, i32) {
    %add3A = arith.constant 8 : i32
    %add3A_0 = arith.addi %arg0, %add3A : i32
    %c0_i32 = arith.constant 0 : i32
    %c0_i32_1 = arith.constant 0 : i32
    return %add3A_0, %c0_i32 : i32, i32
  }
  func.func @transform_16(%arg0: i32) -> (i32, i32) {
    %add3A = arith.constant 8 : i32
    %add3A_0 = arith.addi %arg0, %add3A : i32
    %c0_i32 = arith.constant 0 : i32
    %c0_i32_1 = arith.constant 0 : i32
    return %add3A_0, %c0_i32 : i32, i32
  }
}

module attributes {stable_mosaic.version = 14 : i64} {
  func.func @body(%arg0: i32, %arg1: memref<8000x128xf32, #tpu.memory_space<vmem>>, %arg2: memref<8000x128xf32, #tpu.memory_space<vmem>>, %arg3: memref<8000x128xf32, #tpu.memory_space<vmem>>, %arg4: memref<128x256xbf16, #tpu.memory_space<vmem>>, %arg5: memref<128x256xbf16, #tpu.memory_space<vmem>>, %arg6: memref<128x256xbf16, #tpu.memory_space<vmem>>, %arg7: memref<1x256xf32, #tpu.memory_space<vmem>>, %arg8: memref<256x256xbf16, #tpu.memory_space<vmem>>, %arg9: memref<1x256xf32, #tpu.memory_space<vmem>>, %arg10: memref<256x128xbf16, #tpu.memory_space<vmem>>, %arg11: memref<1x128xf32, #tpu.memory_space<vmem>>, %arg12: memref<1x128xf32, #tpu.memory_space<vmem>>, %arg13: memref<1x128xf32, #tpu.memory_space<vmem>>, %arg14: memref<8000x128xf32, #tpu.memory_space<vmem>>, %arg15: memref<8000x8xf32, #tpu.memory_space<vmem>>) attributes {dimension_semantics = [#tpu.dimension_semantics<arbitrary>], iteration_bounds = array<i64: 4>, scalar_prefetch = 0 : i64, scratch_operands = 0 : i64, tpu.core_type = #tpu.core_type<tc>, window_params = [{transform_indices = @transform_0, window_bounds = array<i64: 8000, 128>}, {transform_indices = @transform_1, window_bounds = array<i64: 8000, 128>}, {transform_indices = @transform_2, window_bounds = array<i64: 8000, 128>}, {pipeline_mode = #tpu.pipeline_mode<synchronous>, transform_indices = @transform_3, window_bounds = array<i64: 128, 256>}, {pipeline_mode = #tpu.pipeline_mode<synchronous>, transform_indices = @transform_4, window_bounds = array<i64: 128, 256>}, {pipeline_mode = #tpu.pipeline_mode<synchronous>, transform_indices = @transform_5, window_bounds = array<i64: 128, 256>}, {pipeline_mode = #tpu.pipeline_mode<synchronous>, transform_indices = @transform_6, window_bounds = array<i64: 1, 256>}, {pipeline_mode = #tpu.pipeline_mode<synchronous>, transform_indices = @transform_7, window_bounds = array<i64: 256, 256>}, {pipeline_mode = #tpu.pipeline_mode<synchronous>, transform_indices = @transform_8, window_bounds = array<i64: 1, 256>}, {pipeline_mode = #tpu.pipeline_mode<synchronous>, transform_indices = @transform_9, window_bounds = array<i64: 256, 128>}, {pipeline_mode = #tpu.pipeline_mode<synchronous>, transform_indices = @transform_10, window_bounds = array<i64: 1, 128>}, {pipeline_mode = #tpu.pipeline_mode<synchronous>, transform_indices = @transform_11, window_bounds = array<i64: 1, 128>}, {pipeline_mode = #tpu.pipeline_mode<synchronous>, transform_indices = @transform_12, window_bounds = array<i64: 1, 128>}, {transform_indices = @transform_13, window_bounds = array<i64: 8000, 128>}, {transform_indices = @transform_14, window_bounds = array<i64: 8000, 8>}]} {
    %get3A = arith.constant 0 : index
    %get3A_0 = arith.constant 0 : index
    %get3A_1 = vector.load %arg1[%get3A, %get3A_0] : memref<8000x128xf32, #tpu.memory_space<vmem>>, vector<8000x128xf32>
    %convert_element_type3A = arith.truncf %get3A_1 : vector<8000x128xf32> to vector<8000x128xbf16>
    %get3A_2 = arith.constant 0 : index
    %get3A_3 = arith.constant 0 : index
    %get3A_4 = vector.load %arg4[%get3A_2, %get3A_3] : memref<128x256xbf16, #tpu.memory_space<vmem>>, vector<128x256xbf16>
    %dot_general3A = arith.constant dense<0.000000e+00> : vector<8000x256xf32>
    %dot_general3A_5 = tpu.matmul %convert_element_type3A, %get3A_4, %dot_general3A {dimension_numbers = #tpu.dot_dimension_numbers<[1], [0], [0], [1], [0, 0, 1, 1], [], []>, transpose_lhs_hint = false} : vector<8000x128xbf16>, vector<128x256xbf16>, vector<8000x256xf32> -> vector<8000x256xf32>
    %get3A_6 = arith.constant 0 : index
    %get3A_7 = arith.constant 0 : index
    %get3A_8 = vector.load %arg2[%get3A_6, %get3A_7] : memref<8000x128xf32, #tpu.memory_space<vmem>>, vector<8000x128xf32>
    %convert_element_type3A_9 = arith.truncf %get3A_8 : vector<8000x128xf32> to vector<8000x128xbf16>
    %get3A_10 = arith.constant 0 : index
    %get3A_11 = arith.constant 0 : index
    %get3A_12 = vector.load %arg5[%get3A_10, %get3A_11] : memref<128x256xbf16, #tpu.memory_space<vmem>>, vector<128x256xbf16>
    %dot_general3A_13 = arith.constant dense<0.000000e+00> : vector<8000x256xf32>
    %dot_general3A_14 = tpu.matmul %convert_element_type3A_9, %get3A_12, %dot_general3A_13 {dimension_numbers = #tpu.dot_dimension_numbers<[1], [0], [0], [1], [0, 0, 1, 1], [], []>, transpose_lhs_hint = false} : vector<8000x128xbf16>, vector<128x256xbf16>, vector<8000x256xf32> -> vector<8000x256xf32>
    %add3A = arith.addf %dot_general3A_5, %dot_general3A_14 : vector<8000x256xf32>
    %get3A_15 = arith.constant 0 : index
    %get3A_16 = arith.constant 0 : index
    %get3A_17 = vector.load %arg3[%get3A_15, %get3A_16] : memref<8000x128xf32, #tpu.memory_space<vmem>>, vector<8000x128xf32>
    %convert_element_type3A_18 = arith.truncf %get3A_17 : vector<8000x128xf32> to vector<8000x128xbf16>
    %get3A_19 = arith.constant 0 : index
    %get3A_20 = arith.constant 0 : index
    %get3A_21 = vector.load %arg6[%get3A_19, %get3A_20] : memref<128x256xbf16, #tpu.memory_space<vmem>>, vector<128x256xbf16>
    %dot_general3A_22 = arith.constant dense<0.000000e+00> : vector<8000x256xf32>
    %dot_general3A_23 = tpu.matmul %convert_element_type3A_18, %get3A_21, %dot_general3A_22 {dimension_numbers = #tpu.dot_dimension_numbers<[1], [0], [0], [1], [0, 0, 1, 1], [], []>, transpose_lhs_hint = false} : vector<8000x128xbf16>, vector<128x256xbf16>, vector<8000x256xf32> -> vector<8000x256xf32>
    %add3A_24 = arith.addf %add3A, %dot_general3A_23 : vector<8000x256xf32>
    %get3A_25 = arith.constant 0 : index
    %get3A_26 = arith.constant 0 : index
    %get3A_27 = vector.load %arg7[%get3A_25, %get3A_26] : memref<1x256xf32, #tpu.memory_space<vmem>>, vector<1x256xf32>
    %add3A_28 = vector.broadcast %get3A_27 : vector<1x256xf32> to vector<8000x256xf32>
    %add3A_29 = arith.addf %add3A_24, %add3A_28 : vector<8000x256xf32>
    %max3A = arith.constant 0.000000e+00 : f32
    %max3A_30 = vector.broadcast %max3A : f32 to vector<8000x256xf32>
    %max3A_31 = arith.maximumf %add3A_29, %max3A_30 : vector<8000x256xf32>
    %convert_element_type3A_32 = arith.truncf %max3A_31 : vector<8000x256xf32> to vector<8000x256xbf16>
    %get3A_33 = arith.constant 0 : index
    %get3A_34 = arith.constant 0 : index
    %get3A_35 = vector.load %arg8[%get3A_33, %get3A_34] : memref<256x256xbf16, #tpu.memory_space<vmem>>, vector<256x256xbf16>
    %dot_general3A_36 = arith.constant dense<0.000000e+00> : vector<8000x256xf32>
    %dot_general3A_37 = tpu.matmul %convert_element_type3A_32, %get3A_35, %dot_general3A_36 {dimension_numbers = #tpu.dot_dimension_numbers<[1], [0], [0], [1], [0, 0, 1, 1], [], []>, transpose_lhs_hint = false} : vector<8000x256xbf16>, vector<256x256xbf16>, vector<8000x256xf32> -> vector<8000x256xf32>
    %get3A_38 = arith.constant 0 : index
    %get3A_39 = arith.constant 0 : index
    %get3A_40 = vector.load %arg9[%get3A_38, %get3A_39] : memref<1x256xf32, #tpu.memory_space<vmem>>, vector<1x256xf32>
    %add3A_41 = vector.broadcast %get3A_40 : vector<1x256xf32> to vector<8000x256xf32>
    %add3A_42 = arith.addf %dot_general3A_37, %add3A_41 : vector<8000x256xf32>
    %max3A_43 = arith.constant 0.000000e+00 : f32
    %max3A_44 = vector.broadcast %max3A_43 : f32 to vector<8000x256xf32>
    %max3A_45 = arith.maximumf %add3A_42, %max3A_44 : vector<8000x256xf32>
    %convert_element_type3A_46 = arith.truncf %max3A_45 : vector<8000x256xf32> to vector<8000x256xbf16>
    %get3A_47 = arith.constant 0 : index
    %get3A_48 = arith.constant 0 : index
    %get3A_49 = vector.load %arg10[%get3A_47, %get3A_48] : memref<256x128xbf16, #tpu.memory_space<vmem>>, vector<256x128xbf16>
    %dot_general3A_50 = arith.constant dense<0.000000e+00> : vector<8000x128xf32>
    %dot_general3A_51 = tpu.matmul %convert_element_type3A_46, %get3A_49, %dot_general3A_50 {dimension_numbers = #tpu.dot_dimension_numbers<[1], [0], [0], [1], [0, 0, 1, 1], [], []>, transpose_lhs_hint = false} : vector<8000x256xbf16>, vector<256x128xbf16>, vector<8000x128xf32> -> vector<8000x128xf32>
    %get3A_52 = arith.constant 0 : index
    %get3A_53 = arith.constant 0 : index
    %get3A_54 = vector.load %arg11[%get3A_52, %get3A_53] : memref<1x128xf32, #tpu.memory_space<vmem>>, vector<1x128xf32>
    %add3A_55 = vector.broadcast %get3A_54 : vector<1x128xf32> to vector<8000x128xf32>
    %add3A_56 = arith.addf %dot_general3A_51, %add3A_55 : vector<8000x128xf32>
    %get3A_57 = arith.constant 0 : index
    %get3A_58 = arith.constant 0 : index
    %get3A_59 = vector.load %arg12[%get3A_57, %get3A_58] : memref<1x128xf32, #tpu.memory_space<vmem>>, vector<1x128xf32>
    %get3A_60 = arith.constant 0 : index
    %get3A_61 = arith.constant 0 : index
    %get3A_62 = vector.load %arg13[%get3A_60, %get3A_61] : memref<1x128xf32, #tpu.memory_space<vmem>>, vector<1x128xf32>
    %reduce_sum3A = arith.constant dense<0.000000e+00> : vector<8000xf32>
    %reduce_sum3A_63 = vector.multi_reduction <add>, %add3A_56, %reduce_sum3A [1] : vector<8000x128xf32> to vector<8000xf32>
    %broadcast_in_dim3A = vector.shape_cast %reduce_sum3A_63 : vector<8000xf32> to vector<8000x1xf32>
    %div3A = arith.constant 1.280000e+02 : f32
    %div3A_64 = vector.broadcast %div3A : f32 to vector<8000x1xf32>
    %div3A_65 = arith.divf %broadcast_in_dim3A, %div3A_64 : vector<8000x1xf32>
    %sub3A = vector.broadcast %div3A_65 : vector<8000x1xf32> to vector<8000x128xf32>
    %sub3A_66 = arith.subf %add3A_56, %sub3A : vector<8000x128xf32>
    %sub3A_67 = vector.broadcast %div3A_65 : vector<8000x1xf32> to vector<8000x128xf32>
    %sub3A_68 = arith.subf %add3A_56, %sub3A_67 : vector<8000x128xf32>
    %mul3A = arith.mulf %sub3A_66, %sub3A_68 : vector<8000x128xf32>
    %reduce_sum3A_69 = arith.constant dense<0.000000e+00> : vector<8000xf32>
    %reduce_sum3A_70 = vector.multi_reduction <add>, %mul3A, %reduce_sum3A_69 [1] : vector<8000x128xf32> to vector<8000xf32>
    %broadcast_in_dim3A_71 = vector.shape_cast %reduce_sum3A_70 : vector<8000xf32> to vector<8000x1xf32>
    %div3A_72 = arith.constant 1.280000e+02 : f32
    %div3A_73 = vector.broadcast %div3A_72 : f32 to vector<8000x1xf32>
    %div3A_74 = arith.divf %broadcast_in_dim3A_71, %div3A_73 : vector<8000x1xf32>
    %sub3A_75 = vector.broadcast %div3A_65 : vector<8000x1xf32> to vector<8000x128xf32>
    %sub3A_76 = arith.subf %add3A_56, %sub3A_75 : vector<8000x128xf32>
    %add3A_77 = arith.constant 9.99999974E-6 : f32
    %add3A_78 = vector.broadcast %add3A_77 : f32 to vector<8000x1xf32>
    %add3A_79 = arith.addf %div3A_74, %add3A_78 : vector<8000x1xf32>
    %rsqrt3A = math.rsqrt %add3A_79 : vector<8000x1xf32>
    %mul3A_80 = vector.broadcast %rsqrt3A : vector<8000x1xf32> to vector<8000x128xf32>
    %mul3A_81 = arith.mulf %sub3A_76, %mul3A_80 : vector<8000x128xf32>
    %mul3A_82 = vector.broadcast %get3A_59 : vector<1x128xf32> to vector<8000x128xf32>
    %mul3A_83 = arith.mulf %mul3A_82, %mul3A_81 : vector<8000x128xf32>
    %add3A_84 = vector.broadcast %get3A_62 : vector<1x128xf32> to vector<8000x128xf32>
    %add3A_85 = arith.addf %mul3A_83, %add3A_84 : vector<8000x128xf32>
    %swap3A = arith.constant 0 : index
    %swap3A_86 = arith.constant 0 : index
    %swap3A_87 = vector.load %arg14[%swap3A, %swap3A_86] : memref<8000x128xf32, #tpu.memory_space<vmem>>, vector<8000x128xf32>
    tpu.vector_store %arg14[%swap3A, %swap3A_86], %add3A_85 {strides = array<i32>} : memref<8000x128xf32, #tpu.memory_space<vmem>>, vector<8000x128xf32>,
    %iota3A = tpu.iota {dimensions = array<i32: 0>} : vector<128x8xi32>
    %jit3A = arith.constant 16 : i32
    %div3A_88 = vector.broadcast %jit3A : i32 to vector<128x8xi32>
    %div3A_89 = arith.divsi %iota3A, %div3A_88 : vector<128x8xi32>
    %sign3A = arith.constant 0 : i32
    %sign3A_90 = vector.broadcast %sign3A : i32 to vector<128x8xi32>
    %sign3A_91 = arith.cmpi sgt, %iota3A, %sign3A_90 : vector<128x8xi32>
    %sign3A_92 = arith.extui %sign3A_91 : vector<128x8xi1> to vector<128x8xi32>
    %sign3A_93 = arith.constant 0 : i32
    %sign3A_94 = vector.broadcast %sign3A_93 : i32 to vector<128x8xi32>
    %sign3A_95 = arith.cmpi slt, %iota3A, %sign3A_94 : vector<128x8xi32>
    %sign3A_96 = arith.extui %sign3A_95 : vector<128x8xi1> to vector<128x8xi32>
    %sign3A_97 = arith.subi %sign3A_92, %sign3A_96 : vector<128x8xi32>
    %sign3A_98 = arith.constant 0 : i32
    %sign3A_99 = arith.cmpi sgt, %jit3A, %sign3A_98 : i32
    %sign3A_100 = arith.extui %sign3A_99 : i1 to i32
    %sign3A_101 = arith.constant 0 : i32
    %sign3A_102 = arith.cmpi slt, %jit3A, %sign3A_101 : i32
    %sign3A_103 = arith.extui %sign3A_102 : i1 to i32
    %sign3A_104 = arith.subi %sign3A_100, %sign3A_103 : i32
    %ne3A = vector.broadcast %sign3A_104 : i32 to vector<128x8xi32>
    %ne3A_105 = arith.cmpi ne, %sign3A_97, %ne3A : vector<128x8xi32>
    %rem3A = vector.broadcast %jit3A : i32 to vector<128x8xi32>
    %rem3A_106 = arith.remsi %iota3A, %rem3A : vector<128x8xi32>
    %ne3A_107 = arith.constant 0 : i32
    %ne3A_108 = vector.broadcast %ne3A_107 : i32 to vector<128x8xi32>
    %ne3A_109 = arith.cmpi ne, %rem3A_106, %ne3A_108 : vector<128x8xi32>
    %and3A = arith.andi %ne3A_105, %ne3A_109 : vector<128x8xi1>
    %sub3A_110 = arith.constant 1 : i32
    %sub3A_111 = vector.broadcast %sub3A_110 : i32 to vector<128x8xi32>
    %sub3A_112 = arith.subi %div3A_89, %sub3A_111 : vector<128x8xi32>
    %select_n3A = arith.select %and3A, %sub3A_112, %div3A_89 : vector<128x8xi1>, vector<128x8xi32>
    %iota3A_113 = tpu.iota {dimensions = array<i32: 1>} : vector<128x8xi32>
    %eq3A = arith.cmpi eq, %select_n3A, %iota3A_113 : vector<128x8xi32>
    %convert_element_type3A_114 = arith.extui %eq3A : vector<128x8xi1> to vector<128x8xi32>
    %convert_element_type3A_115 = arith.sitofp %convert_element_type3A_114 : vector<128x8xi32> to vector<128x8xf32>
    %dot_general3A_116 = arith.constant dense<0.000000e+00> : vector<8000x8xf32>
    %dot_general3A_117 = tpu.matmul %add3A_85, %convert_element_type3A_115, %dot_general3A_116 {dimension_numbers = #tpu.dot_dimension_numbers<[1], [0], [0], [1], [0, 0, 1, 1], [], []>, transpose_lhs_hint = false} : vector<8000x128xf32>, vector<128x8xf32>, vector<8000x8xf32> -> vector<8000x8xf32>
    %swap3A_118 = arith.constant 0 : index
    %swap3A_119 = arith.constant 0 : index
    %swap3A_120 = vector.load %arg15[%swap3A_118, %swap3A_119] : memref<8000x8xf32, #tpu.memory_space<vmem>>, vector<8000x8xf32>
    tpu.vector_store %arg15[%swap3A_118, %swap3A_119], %dot_general3A_117 {strides = array<i32>} : memref<8000x8xf32, #tpu.memory_space<vmem>>, vector<8000x8xf32>,
    return
  }
  func.func @transform_0(%arg0: i32) -> (i32, i32) {
    %c0_i32 = arith.constant 0 : i32
    %c0_i32_0 = arith.constant 0 : i32
    return %arg0, %c0_i32 : i32, i32
  }
  func.func @transform_1(%arg0: i32) -> (i32, i32) {
    %c0_i32 = arith.constant 0 : i32
    %c0_i32_0 = arith.constant 0 : i32
    return %arg0, %c0_i32 : i32, i32
  }
  func.func @transform_2(%arg0: i32) -> (i32, i32) {
    %add3A = arith.constant 0 : i32
    %add3A_0 = arith.addi %arg0, %add3A : i32
    %c0_i32 = arith.constant 0 : i32
    %c0_i32_1 = arith.constant 0 : i32
    return %add3A_0, %c0_i32 : i32, i32
  }
  func.func @transform_3(%arg0: i32) -> (i32, i32) {
    %c0_i32 = arith.constant 0 : i32
    %c0_i32_0 = arith.constant 0 : i32
    %c0_i32_1 = arith.constant 0 : i32
    return %c0_i32, %c0_i32_0 : i32, i32
  }
  func.func @transform_4(%arg0: i32) -> (i32, i32) {
    %c0_i32 = arith.constant 0 : i32
    %c0_i32_0 = arith.constant 0 : i32
    %c0_i32_1 = arith.constant 0 : i32
    return %c0_i32, %c0_i32_0 : i32, i32
  }
  func.func @transform_5(%arg0: i32) -> (i32, i32) {
    %c0_i32 = arith.constant 0 : i32
    %c0_i32_0 = arith.constant 0 : i32
    %c0_i32_1 = arith.constant 0 : i32
    return %c0_i32, %c0_i32_0 : i32, i32
  }
  func.func @transform_6(%arg0: i32) -> (i32, i32) {
    %c0_i32 = arith.constant 0 : i32
    %c0_i32_0 = arith.constant 0 : i32
    %c0_i32_1 = arith.constant 0 : i32
    return %c0_i32, %c0_i32_0 : i32, i32
  }
  func.func @transform_7(%arg0: i32) -> (i32, i32) {
    %c0_i32 = arith.constant 0 : i32
    %c0_i32_0 = arith.constant 0 : i32
    %c0_i32_1 = arith.constant 0 : i32
    return %c0_i32, %c0_i32_0 : i32, i32
  }
  func.func @transform_8(%arg0: i32) -> (i32, i32) {
    %c0_i32 = arith.constant 0 : i32
    %c0_i32_0 = arith.constant 0 : i32
    %c0_i32_1 = arith.constant 0 : i32
    return %c0_i32, %c0_i32_0 : i32, i32
  }
  func.func @transform_9(%arg0: i32) -> (i32, i32) {
    %c0_i32 = arith.constant 0 : i32
    %c0_i32_0 = arith.constant 0 : i32
    %c0_i32_1 = arith.constant 0 : i32
    return %c0_i32, %c0_i32_0 : i32, i32
  }
  func.func @transform_10(%arg0: i32) -> (i32, i32) {
    %c0_i32 = arith.constant 0 : i32
    %c0_i32_0 = arith.constant 0 : i32
    %c0_i32_1 = arith.constant 0 : i32
    return %c0_i32, %c0_i32_0 : i32, i32
  }
  func.func @transform_11(%arg0: i32) -> (i32, i32) {
    %c0_i32 = arith.constant 0 : i32
    %c0_i32_0 = arith.constant 0 : i32
    %c0_i32_1 = arith.constant 0 : i32
    return %c0_i32, %c0_i32_0 : i32, i32
  }
  func.func @transform_12(%arg0: i32) -> (i32, i32) {
    %c0_i32 = arith.constant 0 : i32
    %c0_i32_0 = arith.constant 0 : i32
    %c0_i32_1 = arith.constant 0 : i32
    return %c0_i32, %c0_i32_0 : i32, i32
  }
  func.func @transform_13(%arg0: i32) -> (i32, i32) {
    %add3A = arith.constant 0 : i32
    %add3A_0 = arith.addi %arg0, %add3A : i32
    %c0_i32 = arith.constant 0 : i32
    %c0_i32_1 = arith.constant 0 : i32
    return %add3A_0, %c0_i32 : i32, i32
  }
  func.func @transform_14(%arg0: i32) -> (i32, i32) {
    %add3A = arith.constant 0 : i32
    %add3A_0 = arith.addi %arg0, %add3A : i32
    %c0_i32 = arith.constant 0 : i32
    %c0_i32_1 = arith.constant 0 : i32
    return %add3A_0, %c0_i32 : i32, i32
  }
}

module attributes {stable_mosaic.version = 14 : i64} {
  func.func @body(%arg0: i32, %arg1: memref<8000x128xf32, #tpu.memory_space<vmem>>, %arg2: memref<8000x128xf32, #tpu.memory_space<vmem>>, %arg3: memref<8000x128xf32, #tpu.memory_space<vmem>>, %arg4: memref<128x256xbf16, #tpu.memory_space<vmem>>, %arg5: memref<128x256xbf16, #tpu.memory_space<vmem>>, %arg6: memref<128x256xbf16, #tpu.memory_space<vmem>>, %arg7: memref<1x256xf32, #tpu.memory_space<vmem>>, %arg8: memref<256x256xbf16, #tpu.memory_space<vmem>>, %arg9: memref<1x256xf32, #tpu.memory_space<vmem>>, %arg10: memref<256x128xbf16, #tpu.memory_space<vmem>>, %arg11: memref<1x128xf32, #tpu.memory_space<vmem>>, %arg12: memref<1x128xf32, #tpu.memory_space<vmem>>, %arg13: memref<1x128xf32, #tpu.memory_space<vmem>>, %arg14: memref<160000x128xf32, #tpu.memory_space<any>>, %arg15: memref<160000x8xf32, #tpu.memory_space<any>>, %arg16: memref<8000x128xf32, #tpu.memory_space<vmem>>, %arg17: memref<8000x8xf32, #tpu.memory_space<vmem>>) attributes {dimension_semantics = [#tpu.dimension_semantics<arbitrary>], iteration_bounds = array<i64: 4>, scalar_prefetch = 0 : i64, scratch_operands = 0 : i64, tpu.core_type = #tpu.core_type<tc>, window_params = [{transform_indices = @transform_0, window_bounds = array<i64: 8000, 128>}, {transform_indices = @transform_1, window_bounds = array<i64: 8000, 128>}, {transform_indices = @transform_2, window_bounds = array<i64: 8000, 128>}, {pipeline_mode = #tpu.pipeline_mode<synchronous>, transform_indices = @transform_3, window_bounds = array<i64: 128, 256>}, {pipeline_mode = #tpu.pipeline_mode<synchronous>, transform_indices = @transform_4, window_bounds = array<i64: 128, 256>}, {pipeline_mode = #tpu.pipeline_mode<synchronous>, transform_indices = @transform_5, window_bounds = array<i64: 128, 256>}, {pipeline_mode = #tpu.pipeline_mode<synchronous>, transform_indices = @transform_6, window_bounds = array<i64: 1, 256>}, {pipeline_mode = #tpu.pipeline_mode<synchronous>, transform_indices = @transform_7, window_bounds = array<i64: 256, 256>}, {pipeline_mode = #tpu.pipeline_mode<synchronous>, transform_indices = @transform_8, window_bounds = array<i64: 1, 256>}, {pipeline_mode = #tpu.pipeline_mode<synchronous>, transform_indices = @transform_9, window_bounds = array<i64: 256, 128>}, {pipeline_mode = #tpu.pipeline_mode<synchronous>, transform_indices = @transform_10, window_bounds = array<i64: 1, 128>}, {pipeline_mode = #tpu.pipeline_mode<synchronous>, transform_indices = @transform_11, window_bounds = array<i64: 1, 128>}, {pipeline_mode = #tpu.pipeline_mode<synchronous>, transform_indices = @transform_12, window_bounds = array<i64: 1, 128>}, {}, {}, {transform_indices = @transform_15, window_bounds = array<i64: 8000, 128>}, {transform_indices = @transform_16, window_bounds = array<i64: 8000, 8>}]} {
    %get3A = arith.constant 0 : index
    %get3A_0 = arith.constant 0 : index
    %get3A_1 = vector.load %arg1[%get3A, %get3A_0] : memref<8000x128xf32, #tpu.memory_space<vmem>>, vector<8000x128xf32>
    %convert_element_type3A = arith.truncf %get3A_1 : vector<8000x128xf32> to vector<8000x128xbf16>
    %get3A_2 = arith.constant 0 : index
    %get3A_3 = arith.constant 0 : index
    %get3A_4 = vector.load %arg4[%get3A_2, %get3A_3] : memref<128x256xbf16, #tpu.memory_space<vmem>>, vector<128x256xbf16>
    %dot_general3A = arith.constant dense<0.000000e+00> : vector<8000x256xf32>
    %dot_general3A_5 = tpu.matmul %convert_element_type3A, %get3A_4, %dot_general3A {dimension_numbers = #tpu.dot_dimension_numbers<[1], [0], [0], [1], [0, 0, 1, 1], [], []>, transpose_lhs_hint = false} : vector<8000x128xbf16>, vector<128x256xbf16>, vector<8000x256xf32> -> vector<8000x256xf32>
    %get3A_6 = arith.constant 0 : index
    %get3A_7 = arith.constant 0 : index
    %get3A_8 = vector.load %arg2[%get3A_6, %get3A_7] : memref<8000x128xf32, #tpu.memory_space<vmem>>, vector<8000x128xf32>
    %convert_element_type3A_9 = arith.truncf %get3A_8 : vector<8000x128xf32> to vector<8000x128xbf16>
    %get3A_10 = arith.constant 0 : index
    %get3A_11 = arith.constant 0 : index
    %get3A_12 = vector.load %arg5[%get3A_10, %get3A_11] : memref<128x256xbf16, #tpu.memory_space<vmem>>, vector<128x256xbf16>
    %dot_general3A_13 = arith.constant dense<0.000000e+00> : vector<8000x256xf32>
    %dot_general3A_14 = tpu.matmul %convert_element_type3A_9, %get3A_12, %dot_general3A_13 {dimension_numbers = #tpu.dot_dimension_numbers<[1], [0], [0], [1], [0, 0, 1, 1], [], []>, transpose_lhs_hint = false} : vector<8000x128xbf16>, vector<128x256xbf16>, vector<8000x256xf32> -> vector<8000x256xf32>
    %add3A = arith.addf %dot_general3A_5, %dot_general3A_14 : vector<8000x256xf32>
    %get3A_15 = arith.constant 0 : index
    %get3A_16 = arith.constant 0 : index
    %get3A_17 = vector.load %arg3[%get3A_15, %get3A_16] : memref<8000x128xf32, #tpu.memory_space<vmem>>, vector<8000x128xf32>
    %convert_element_type3A_18 = arith.truncf %get3A_17 : vector<8000x128xf32> to vector<8000x128xbf16>
    %get3A_19 = arith.constant 0 : index
    %get3A_20 = arith.constant 0 : index
    %get3A_21 = vector.load %arg6[%get3A_19, %get3A_20] : memref<128x256xbf16, #tpu.memory_space<vmem>>, vector<128x256xbf16>
    %dot_general3A_22 = arith.constant dense<0.000000e+00> : vector<8000x256xf32>
    %dot_general3A_23 = tpu.matmul %convert_element_type3A_18, %get3A_21, %dot_general3A_22 {dimension_numbers = #tpu.dot_dimension_numbers<[1], [0], [0], [1], [0, 0, 1, 1], [], []>, transpose_lhs_hint = false} : vector<8000x128xbf16>, vector<128x256xbf16>, vector<8000x256xf32> -> vector<8000x256xf32>
    %add3A_24 = arith.addf %add3A, %dot_general3A_23 : vector<8000x256xf32>
    %get3A_25 = arith.constant 0 : index
    %get3A_26 = arith.constant 0 : index
    %get3A_27 = vector.load %arg7[%get3A_25, %get3A_26] : memref<1x256xf32, #tpu.memory_space<vmem>>, vector<1x256xf32>
    %add3A_28 = vector.broadcast %get3A_27 : vector<1x256xf32> to vector<8000x256xf32>
    %add3A_29 = arith.addf %add3A_24, %add3A_28 : vector<8000x256xf32>
    %max3A = arith.constant 0.000000e+00 : f32
    %max3A_30 = vector.broadcast %max3A : f32 to vector<8000x256xf32>
    %max3A_31 = arith.maximumf %add3A_29, %max3A_30 : vector<8000x256xf32>
    %convert_element_type3A_32 = arith.truncf %max3A_31 : vector<8000x256xf32> to vector<8000x256xbf16>
    %get3A_33 = arith.constant 0 : index
    %get3A_34 = arith.constant 0 : index
    %get3A_35 = vector.load %arg8[%get3A_33, %get3A_34] : memref<256x256xbf16, #tpu.memory_space<vmem>>, vector<256x256xbf16>
    %dot_general3A_36 = arith.constant dense<0.000000e+00> : vector<8000x256xf32>
    %dot_general3A_37 = tpu.matmul %convert_element_type3A_32, %get3A_35, %dot_general3A_36 {dimension_numbers = #tpu.dot_dimension_numbers<[1], [0], [0], [1], [0, 0, 1, 1], [], []>, transpose_lhs_hint = false} : vector<8000x256xbf16>, vector<256x256xbf16>, vector<8000x256xf32> -> vector<8000x256xf32>
    %get3A_38 = arith.constant 0 : index
    %get3A_39 = arith.constant 0 : index
    %get3A_40 = vector.load %arg9[%get3A_38, %get3A_39] : memref<1x256xf32, #tpu.memory_space<vmem>>, vector<1x256xf32>
    %add3A_41 = vector.broadcast %get3A_40 : vector<1x256xf32> to vector<8000x256xf32>
    %add3A_42 = arith.addf %dot_general3A_37, %add3A_41 : vector<8000x256xf32>
    %max3A_43 = arith.constant 0.000000e+00 : f32
    %max3A_44 = vector.broadcast %max3A_43 : f32 to vector<8000x256xf32>
    %max3A_45 = arith.maximumf %add3A_42, %max3A_44 : vector<8000x256xf32>
    %convert_element_type3A_46 = arith.truncf %max3A_45 : vector<8000x256xf32> to vector<8000x256xbf16>
    %get3A_47 = arith.constant 0 : index
    %get3A_48 = arith.constant 0 : index
    %get3A_49 = vector.load %arg10[%get3A_47, %get3A_48] : memref<256x128xbf16, #tpu.memory_space<vmem>>, vector<256x128xbf16>
    %dot_general3A_50 = arith.constant dense<0.000000e+00> : vector<8000x128xf32>
    %dot_general3A_51 = tpu.matmul %convert_element_type3A_46, %get3A_49, %dot_general3A_50 {dimension_numbers = #tpu.dot_dimension_numbers<[1], [0], [0], [1], [0, 0, 1, 1], [], []>, transpose_lhs_hint = false} : vector<8000x256xbf16>, vector<256x128xbf16>, vector<8000x128xf32> -> vector<8000x128xf32>
    %get3A_52 = arith.constant 0 : index
    %get3A_53 = arith.constant 0 : index
    %get3A_54 = vector.load %arg11[%get3A_52, %get3A_53] : memref<1x128xf32, #tpu.memory_space<vmem>>, vector<1x128xf32>
    %add3A_55 = vector.broadcast %get3A_54 : vector<1x128xf32> to vector<8000x128xf32>
    %add3A_56 = arith.addf %dot_general3A_51, %add3A_55 : vector<8000x128xf32>
    %get3A_57 = arith.constant 0 : index
    %get3A_58 = arith.constant 0 : index
    %get3A_59 = vector.load %arg12[%get3A_57, %get3A_58] : memref<1x128xf32, #tpu.memory_space<vmem>>, vector<1x128xf32>
    %get3A_60 = arith.constant 0 : index
    %get3A_61 = arith.constant 0 : index
    %get3A_62 = vector.load %arg13[%get3A_60, %get3A_61] : memref<1x128xf32, #tpu.memory_space<vmem>>, vector<1x128xf32>
    %reduce_sum3A = arith.constant dense<0.000000e+00> : vector<8000xf32>
    %reduce_sum3A_63 = vector.multi_reduction <add>, %add3A_56, %reduce_sum3A [1] : vector<8000x128xf32> to vector<8000xf32>
    %broadcast_in_dim3A = vector.shape_cast %reduce_sum3A_63 : vector<8000xf32> to vector<8000x1xf32>
    %div3A = arith.constant 1.280000e+02 : f32
    %div3A_64 = vector.broadcast %div3A : f32 to vector<8000x1xf32>
    %div3A_65 = arith.divf %broadcast_in_dim3A, %div3A_64 : vector<8000x1xf32>
    %sub3A = vector.broadcast %div3A_65 : vector<8000x1xf32> to vector<8000x128xf32>
    %sub3A_66 = arith.subf %add3A_56, %sub3A : vector<8000x128xf32>
    %sub3A_67 = vector.broadcast %div3A_65 : vector<8000x1xf32> to vector<8000x128xf32>
    %sub3A_68 = arith.subf %add3A_56, %sub3A_67 : vector<8000x128xf32>
    %mul3A = arith.mulf %sub3A_66, %sub3A_68 : vector<8000x128xf32>
    %reduce_sum3A_69 = arith.constant dense<0.000000e+00> : vector<8000xf32>
    %reduce_sum3A_70 = vector.multi_reduction <add>, %mul3A, %reduce_sum3A_69 [1] : vector<8000x128xf32> to vector<8000xf32>
    %broadcast_in_dim3A_71 = vector.shape_cast %reduce_sum3A_70 : vector<8000xf32> to vector<8000x1xf32>
    %div3A_72 = arith.constant 1.280000e+02 : f32
    %div3A_73 = vector.broadcast %div3A_72 : f32 to vector<8000x1xf32>
    %div3A_74 = arith.divf %broadcast_in_dim3A_71, %div3A_73 : vector<8000x1xf32>
    %sub3A_75 = vector.broadcast %div3A_65 : vector<8000x1xf32> to vector<8000x128xf32>
    %sub3A_76 = arith.subf %add3A_56, %sub3A_75 : vector<8000x128xf32>
    %add3A_77 = arith.constant 9.99999974E-6 : f32
    %add3A_78 = vector.broadcast %add3A_77 : f32 to vector<8000x1xf32>
    %add3A_79 = arith.addf %div3A_74, %add3A_78 : vector<8000x1xf32>
    %rsqrt3A = math.rsqrt %add3A_79 : vector<8000x1xf32>
    %mul3A_80 = vector.broadcast %rsqrt3A : vector<8000x1xf32> to vector<8000x128xf32>
    %mul3A_81 = arith.mulf %sub3A_76, %mul3A_80 : vector<8000x128xf32>
    %mul3A_82 = vector.broadcast %get3A_59 : vector<1x128xf32> to vector<8000x128xf32>
    %mul3A_83 = arith.mulf %mul3A_82, %mul3A_81 : vector<8000x128xf32>
    %add3A_84 = vector.broadcast %get3A_62 : vector<1x128xf32> to vector<8000x128xf32>
    %add3A_85 = arith.addf %mul3A_83, %add3A_84 : vector<8000x128xf32>
    %swap3A = arith.constant 0 : index
    %swap3A_86 = arith.constant 0 : index
    %swap3A_87 = vector.load %arg16[%swap3A, %swap3A_86] : memref<8000x128xf32, #tpu.memory_space<vmem>>, vector<8000x128xf32>
    tpu.vector_store %arg16[%swap3A, %swap3A_86], %add3A_85 {strides = array<i32>} : memref<8000x128xf32, #tpu.memory_space<vmem>>, vector<8000x128xf32>,
    %iota3A = tpu.iota {dimensions = array<i32: 0>} : vector<128x8xi32>
    %jit3A = arith.constant 16 : i32
    %div3A_88 = vector.broadcast %jit3A : i32 to vector<128x8xi32>
    %div3A_89 = arith.divsi %iota3A, %div3A_88 : vector<128x8xi32>
    %sign3A = arith.constant 0 : i32
    %sign3A_90 = vector.broadcast %sign3A : i32 to vector<128x8xi32>
    %sign3A_91 = arith.cmpi sgt, %iota3A, %sign3A_90 : vector<128x8xi32>
    %sign3A_92 = arith.extui %sign3A_91 : vector<128x8xi1> to vector<128x8xi32>
    %sign3A_93 = arith.constant 0 : i32
    %sign3A_94 = vector.broadcast %sign3A_93 : i32 to vector<128x8xi32>
    %sign3A_95 = arith.cmpi slt, %iota3A, %sign3A_94 : vector<128x8xi32>
    %sign3A_96 = arith.extui %sign3A_95 : vector<128x8xi1> to vector<128x8xi32>
    %sign3A_97 = arith.subi %sign3A_92, %sign3A_96 : vector<128x8xi32>
    %sign3A_98 = arith.constant 0 : i32
    %sign3A_99 = arith.cmpi sgt, %jit3A, %sign3A_98 : i32
    %sign3A_100 = arith.extui %sign3A_99 : i1 to i32
    %sign3A_101 = arith.constant 0 : i32
    %sign3A_102 = arith.cmpi slt, %jit3A, %sign3A_101 : i32
    %sign3A_103 = arith.extui %sign3A_102 : i1 to i32
    %sign3A_104 = arith.subi %sign3A_100, %sign3A_103 : i32
    %ne3A = vector.broadcast %sign3A_104 : i32 to vector<128x8xi32>
    %ne3A_105 = arith.cmpi ne, %sign3A_97, %ne3A : vector<128x8xi32>
    %rem3A = vector.broadcast %jit3A : i32 to vector<128x8xi32>
    %rem3A_106 = arith.remsi %iota3A, %rem3A : vector<128x8xi32>
    %ne3A_107 = arith.constant 0 : i32
    %ne3A_108 = vector.broadcast %ne3A_107 : i32 to vector<128x8xi32>
    %ne3A_109 = arith.cmpi ne, %rem3A_106, %ne3A_108 : vector<128x8xi32>
    %and3A = arith.andi %ne3A_105, %ne3A_109 : vector<128x8xi1>
    %sub3A_110 = arith.constant 1 : i32
    %sub3A_111 = vector.broadcast %sub3A_110 : i32 to vector<128x8xi32>
    %sub3A_112 = arith.subi %div3A_89, %sub3A_111 : vector<128x8xi32>
    %select_n3A = arith.select %and3A, %sub3A_112, %div3A_89 : vector<128x8xi1>, vector<128x8xi32>
    %iota3A_113 = tpu.iota {dimensions = array<i32: 1>} : vector<128x8xi32>
    %eq3A = arith.cmpi eq, %select_n3A, %iota3A_113 : vector<128x8xi32>
    %convert_element_type3A_114 = arith.extui %eq3A : vector<128x8xi1> to vector<128x8xi32>
    %convert_element_type3A_115 = arith.sitofp %convert_element_type3A_114 : vector<128x8xi32> to vector<128x8xf32>
    %dot_general3A_116 = arith.constant dense<0.000000e+00> : vector<8000x8xf32>
    %dot_general3A_117 = tpu.matmul %add3A_85, %convert_element_type3A_115, %dot_general3A_116 {dimension_numbers = #tpu.dot_dimension_numbers<[1], [0], [0], [1], [0, 0, 1, 1], [], []>, transpose_lhs_hint = false} : vector<8000x128xf32>, vector<128x8xf32>, vector<8000x8xf32> -> vector<8000x8xf32>
    %swap3A_118 = arith.constant 0 : index
    %swap3A_119 = arith.constant 0 : index
    %swap3A_120 = vector.load %arg17[%swap3A_118, %swap3A_119] : memref<8000x8xf32, #tpu.memory_space<vmem>>, vector<8000x8xf32>
    tpu.vector_store %arg17[%swap3A_118, %swap3A_119], %dot_general3A_117 {strides = array<i32>} : memref<8000x8xf32, #tpu.memory_space<vmem>>, vector<8000x8xf32>,
    return
  }
  func.func @transform_0(%arg0: i32) -> (i32, i32) {
    %c0_i32 = arith.constant 0 : i32
    %c0_i32_0 = arith.constant 0 : i32
    return %arg0, %c0_i32 : i32, i32
  }
  func.func @transform_1(%arg0: i32) -> (i32, i32) {
    %c0_i32 = arith.constant 0 : i32
    %c0_i32_0 = arith.constant 0 : i32
    return %arg0, %c0_i32 : i32, i32
  }
  func.func @transform_2(%arg0: i32) -> (i32, i32) {
    %add3A = arith.constant 4 : i32
    %add3A_0 = arith.addi %arg0, %add3A : i32
    %c0_i32 = arith.constant 0 : i32
    %c0_i32_1 = arith.constant 0 : i32
    return %add3A_0, %c0_i32 : i32, i32
  }
  func.func @transform_3(%arg0: i32) -> (i32, i32) {
    %c0_i32 = arith.constant 0 : i32
    %c0_i32_0 = arith.constant 0 : i32
    %c0_i32_1 = arith.constant 0 : i32
    return %c0_i32, %c0_i32_0 : i32, i32
  }
  func.func @transform_4(%arg0: i32) -> (i32, i32) {
    %c0_i32 = arith.constant 0 : i32
    %c0_i32_0 = arith.constant 0 : i32
    %c0_i32_1 = arith.constant 0 : i32
    return %c0_i32, %c0_i32_0 : i32, i32
  }
  func.func @transform_5(%arg0: i32) -> (i32, i32) {
    %c0_i32 = arith.constant 0 : i32
    %c0_i32_0 = arith.constant 0 : i32
    %c0_i32_1 = arith.constant 0 : i32
    return %c0_i32, %c0_i32_0 : i32, i32
  }
  func.func @transform_6(%arg0: i32) -> (i32, i32) {
    %c0_i32 = arith.constant 0 : i32
    %c0_i32_0 = arith.constant 0 : i32
    %c0_i32_1 = arith.constant 0 : i32
    return %c0_i32, %c0_i32_0 : i32, i32
  }
  func.func @transform_7(%arg0: i32) -> (i32, i32) {
    %c0_i32 = arith.constant 0 : i32
    %c0_i32_0 = arith.constant 0 : i32
    %c0_i32_1 = arith.constant 0 : i32
    return %c0_i32, %c0_i32_0 : i32, i32
  }
  func.func @transform_8(%arg0: i32) -> (i32, i32) {
    %c0_i32 = arith.constant 0 : i32
    %c0_i32_0 = arith.constant 0 : i32
    %c0_i32_1 = arith.constant 0 : i32
    return %c0_i32, %c0_i32_0 : i32, i32
  }
  func.func @transform_9(%arg0: i32) -> (i32, i32) {
    %c0_i32 = arith.constant 0 : i32
    %c0_i32_0 = arith.constant 0 : i32
    %c0_i32_1 = arith.constant 0 : i32
    return %c0_i32, %c0_i32_0 : i32, i32
  }
  func.func @transform_10(%arg0: i32) -> (i32, i32) {
    %c0_i32 = arith.constant 0 : i32
    %c0_i32_0 = arith.constant 0 : i32
    %c0_i32_1 = arith.constant 0 : i32
    return %c0_i32, %c0_i32_0 : i32, i32
  }
  func.func @transform_11(%arg0: i32) -> (i32, i32) {
    %c0_i32 = arith.constant 0 : i32
    %c0_i32_0 = arith.constant 0 : i32
    %c0_i32_1 = arith.constant 0 : i32
    return %c0_i32, %c0_i32_0 : i32, i32
  }
  func.func @transform_12(%arg0: i32) -> (i32, i32) {
    %c0_i32 = arith.constant 0 : i32
    %c0_i32_0 = arith.constant 0 : i32
    %c0_i32_1 = arith.constant 0 : i32
    return %c0_i32, %c0_i32_0 : i32, i32
  }
  func.func @transform_15(%arg0: i32) -> (i32, i32) {
    %add3A = arith.constant 4 : i32
    %add3A_0 = arith.addi %arg0, %add3A : i32
    %c0_i32 = arith.constant 0 : i32
    %c0_i32_1 = arith.constant 0 : i32
    return %add3A_0, %c0_i32 : i32, i32
  }
  func.func @transform_16(%arg0: i32) -> (i32, i32) {
    %add3A = arith.constant 4 : i32
    %add3A_0 = arith.addi %arg0, %add3A : i32
    %c0_i32 = arith.constant 0 : i32
    %c0_i32_1 = arith.constant 0 : i32
    return %add3A_0, %c0_i32 : i32, i32
  }
}

module attributes {stable_mosaic.version = 14 : i64} {
  func.func @body(%arg0: i32, %arg1: memref<8000x128xf32, #tpu.memory_space<vmem>>, %arg2: memref<8000x128xf32, #tpu.memory_space<vmem>>, %arg3: memref<8000x128xf32, #tpu.memory_space<vmem>>, %arg4: memref<128x256xbf16, #tpu.memory_space<vmem>>, %arg5: memref<128x256xbf16, #tpu.memory_space<vmem>>, %arg6: memref<128x256xbf16, #tpu.memory_space<vmem>>, %arg7: memref<1x256xf32, #tpu.memory_space<vmem>>, %arg8: memref<256x256xbf16, #tpu.memory_space<vmem>>, %arg9: memref<1x256xf32, #tpu.memory_space<vmem>>, %arg10: memref<256x128xbf16, #tpu.memory_space<vmem>>, %arg11: memref<1x128xf32, #tpu.memory_space<vmem>>, %arg12: memref<1x128xf32, #tpu.memory_space<vmem>>, %arg13: memref<1x128xf32, #tpu.memory_space<vmem>>, %arg14: memref<160000x128xf32, #tpu.memory_space<any>>, %arg15: memref<160000x8xf32, #tpu.memory_space<any>>, %arg16: memref<8000x128xf32, #tpu.memory_space<vmem>>, %arg17: memref<8000x8xf32, #tpu.memory_space<vmem>>) attributes {dimension_semantics = [#tpu.dimension_semantics<arbitrary>], iteration_bounds = array<i64: 4>, scalar_prefetch = 0 : i64, scratch_operands = 0 : i64, tpu.core_type = #tpu.core_type<tc>, window_params = [{transform_indices = @transform_0, window_bounds = array<i64: 8000, 128>}, {transform_indices = @transform_1, window_bounds = array<i64: 8000, 128>}, {transform_indices = @transform_2, window_bounds = array<i64: 8000, 128>}, {pipeline_mode = #tpu.pipeline_mode<synchronous>, transform_indices = @transform_3, window_bounds = array<i64: 128, 256>}, {pipeline_mode = #tpu.pipeline_mode<synchronous>, transform_indices = @transform_4, window_bounds = array<i64: 128, 256>}, {pipeline_mode = #tpu.pipeline_mode<synchronous>, transform_indices = @transform_5, window_bounds = array<i64: 128, 256>}, {pipeline_mode = #tpu.pipeline_mode<synchronous>, transform_indices = @transform_6, window_bounds = array<i64: 1, 256>}, {pipeline_mode = #tpu.pipeline_mode<synchronous>, transform_indices = @transform_7, window_bounds = array<i64: 256, 256>}, {pipeline_mode = #tpu.pipeline_mode<synchronous>, transform_indices = @transform_8, window_bounds = array<i64: 1, 256>}, {pipeline_mode = #tpu.pipeline_mode<synchronous>, transform_indices = @transform_9, window_bounds = array<i64: 256, 128>}, {pipeline_mode = #tpu.pipeline_mode<synchronous>, transform_indices = @transform_10, window_bounds = array<i64: 1, 128>}, {pipeline_mode = #tpu.pipeline_mode<synchronous>, transform_indices = @transform_11, window_bounds = array<i64: 1, 128>}, {pipeline_mode = #tpu.pipeline_mode<synchronous>, transform_indices = @transform_12, window_bounds = array<i64: 1, 128>}, {}, {}, {transform_indices = @transform_15, window_bounds = array<i64: 8000, 128>}, {transform_indices = @transform_16, window_bounds = array<i64: 8000, 8>}]} {
    %get3A = arith.constant 0 : index
    %get3A_0 = arith.constant 0 : index
    %get3A_1 = vector.load %arg1[%get3A, %get3A_0] : memref<8000x128xf32, #tpu.memory_space<vmem>>, vector<8000x128xf32>
    %convert_element_type3A = arith.truncf %get3A_1 : vector<8000x128xf32> to vector<8000x128xbf16>
    %get3A_2 = arith.constant 0 : index
    %get3A_3 = arith.constant 0 : index
    %get3A_4 = vector.load %arg4[%get3A_2, %get3A_3] : memref<128x256xbf16, #tpu.memory_space<vmem>>, vector<128x256xbf16>
    %dot_general3A = arith.constant dense<0.000000e+00> : vector<8000x256xf32>
    %dot_general3A_5 = tpu.matmul %convert_element_type3A, %get3A_4, %dot_general3A {dimension_numbers = #tpu.dot_dimension_numbers<[1], [0], [0], [1], [0, 0, 1, 1], [], []>, transpose_lhs_hint = false} : vector<8000x128xbf16>, vector<128x256xbf16>, vector<8000x256xf32> -> vector<8000x256xf32>
    %get3A_6 = arith.constant 0 : index
    %get3A_7 = arith.constant 0 : index
    %get3A_8 = vector.load %arg2[%get3A_6, %get3A_7] : memref<8000x128xf32, #tpu.memory_space<vmem>>, vector<8000x128xf32>
    %convert_element_type3A_9 = arith.truncf %get3A_8 : vector<8000x128xf32> to vector<8000x128xbf16>
    %get3A_10 = arith.constant 0 : index
    %get3A_11 = arith.constant 0 : index
    %get3A_12 = vector.load %arg5[%get3A_10, %get3A_11] : memref<128x256xbf16, #tpu.memory_space<vmem>>, vector<128x256xbf16>
    %dot_general3A_13 = arith.constant dense<0.000000e+00> : vector<8000x256xf32>
    %dot_general3A_14 = tpu.matmul %convert_element_type3A_9, %get3A_12, %dot_general3A_13 {dimension_numbers = #tpu.dot_dimension_numbers<[1], [0], [0], [1], [0, 0, 1, 1], [], []>, transpose_lhs_hint = false} : vector<8000x128xbf16>, vector<128x256xbf16>, vector<8000x256xf32> -> vector<8000x256xf32>
    %add3A = arith.addf %dot_general3A_5, %dot_general3A_14 : vector<8000x256xf32>
    %get3A_15 = arith.constant 0 : index
    %get3A_16 = arith.constant 0 : index
    %get3A_17 = vector.load %arg3[%get3A_15, %get3A_16] : memref<8000x128xf32, #tpu.memory_space<vmem>>, vector<8000x128xf32>
    %convert_element_type3A_18 = arith.truncf %get3A_17 : vector<8000x128xf32> to vector<8000x128xbf16>
    %get3A_19 = arith.constant 0 : index
    %get3A_20 = arith.constant 0 : index
    %get3A_21 = vector.load %arg6[%get3A_19, %get3A_20] : memref<128x256xbf16, #tpu.memory_space<vmem>>, vector<128x256xbf16>
    %dot_general3A_22 = arith.constant dense<0.000000e+00> : vector<8000x256xf32>
    %dot_general3A_23 = tpu.matmul %convert_element_type3A_18, %get3A_21, %dot_general3A_22 {dimension_numbers = #tpu.dot_dimension_numbers<[1], [0], [0], [1], [0, 0, 1, 1], [], []>, transpose_lhs_hint = false} : vector<8000x128xbf16>, vector<128x256xbf16>, vector<8000x256xf32> -> vector<8000x256xf32>
    %add3A_24 = arith.addf %add3A, %dot_general3A_23 : vector<8000x256xf32>
    %get3A_25 = arith.constant 0 : index
    %get3A_26 = arith.constant 0 : index
    %get3A_27 = vector.load %arg7[%get3A_25, %get3A_26] : memref<1x256xf32, #tpu.memory_space<vmem>>, vector<1x256xf32>
    %add3A_28 = vector.broadcast %get3A_27 : vector<1x256xf32> to vector<8000x256xf32>
    %add3A_29 = arith.addf %add3A_24, %add3A_28 : vector<8000x256xf32>
    %max3A = arith.constant 0.000000e+00 : f32
    %max3A_30 = vector.broadcast %max3A : f32 to vector<8000x256xf32>
    %max3A_31 = arith.maximumf %add3A_29, %max3A_30 : vector<8000x256xf32>
    %convert_element_type3A_32 = arith.truncf %max3A_31 : vector<8000x256xf32> to vector<8000x256xbf16>
    %get3A_33 = arith.constant 0 : index
    %get3A_34 = arith.constant 0 : index
    %get3A_35 = vector.load %arg8[%get3A_33, %get3A_34] : memref<256x256xbf16, #tpu.memory_space<vmem>>, vector<256x256xbf16>
    %dot_general3A_36 = arith.constant dense<0.000000e+00> : vector<8000x256xf32>
    %dot_general3A_37 = tpu.matmul %convert_element_type3A_32, %get3A_35, %dot_general3A_36 {dimension_numbers = #tpu.dot_dimension_numbers<[1], [0], [0], [1], [0, 0, 1, 1], [], []>, transpose_lhs_hint = false} : vector<8000x256xbf16>, vector<256x256xbf16>, vector<8000x256xf32> -> vector<8000x256xf32>
    %get3A_38 = arith.constant 0 : index
    %get3A_39 = arith.constant 0 : index
    %get3A_40 = vector.load %arg9[%get3A_38, %get3A_39] : memref<1x256xf32, #tpu.memory_space<vmem>>, vector<1x256xf32>
    %add3A_41 = vector.broadcast %get3A_40 : vector<1x256xf32> to vector<8000x256xf32>
    %add3A_42 = arith.addf %dot_general3A_37, %add3A_41 : vector<8000x256xf32>
    %max3A_43 = arith.constant 0.000000e+00 : f32
    %max3A_44 = vector.broadcast %max3A_43 : f32 to vector<8000x256xf32>
    %max3A_45 = arith.maximumf %add3A_42, %max3A_44 : vector<8000x256xf32>
    %convert_element_type3A_46 = arith.truncf %max3A_45 : vector<8000x256xf32> to vector<8000x256xbf16>
    %get3A_47 = arith.constant 0 : index
    %get3A_48 = arith.constant 0 : index
    %get3A_49 = vector.load %arg10[%get3A_47, %get3A_48] : memref<256x128xbf16, #tpu.memory_space<vmem>>, vector<256x128xbf16>
    %dot_general3A_50 = arith.constant dense<0.000000e+00> : vector<8000x128xf32>
    %dot_general3A_51 = tpu.matmul %convert_element_type3A_46, %get3A_49, %dot_general3A_50 {dimension_numbers = #tpu.dot_dimension_numbers<[1], [0], [0], [1], [0, 0, 1, 1], [], []>, transpose_lhs_hint = false} : vector<8000x256xbf16>, vector<256x128xbf16>, vector<8000x128xf32> -> vector<8000x128xf32>
    %get3A_52 = arith.constant 0 : index
    %get3A_53 = arith.constant 0 : index
    %get3A_54 = vector.load %arg11[%get3A_52, %get3A_53] : memref<1x128xf32, #tpu.memory_space<vmem>>, vector<1x128xf32>
    %add3A_55 = vector.broadcast %get3A_54 : vector<1x128xf32> to vector<8000x128xf32>
    %add3A_56 = arith.addf %dot_general3A_51, %add3A_55 : vector<8000x128xf32>
    %get3A_57 = arith.constant 0 : index
    %get3A_58 = arith.constant 0 : index
    %get3A_59 = vector.load %arg12[%get3A_57, %get3A_58] : memref<1x128xf32, #tpu.memory_space<vmem>>, vector<1x128xf32>
    %get3A_60 = arith.constant 0 : index
    %get3A_61 = arith.constant 0 : index
    %get3A_62 = vector.load %arg13[%get3A_60, %get3A_61] : memref<1x128xf32, #tpu.memory_space<vmem>>, vector<1x128xf32>
    %reduce_sum3A = arith.constant dense<0.000000e+00> : vector<8000xf32>
    %reduce_sum3A_63 = vector.multi_reduction <add>, %add3A_56, %reduce_sum3A [1] : vector<8000x128xf32> to vector<8000xf32>
    %broadcast_in_dim3A = vector.shape_cast %reduce_sum3A_63 : vector<8000xf32> to vector<8000x1xf32>
    %div3A = arith.constant 1.280000e+02 : f32
    %div3A_64 = vector.broadcast %div3A : f32 to vector<8000x1xf32>
    %div3A_65 = arith.divf %broadcast_in_dim3A, %div3A_64 : vector<8000x1xf32>
    %sub3A = vector.broadcast %div3A_65 : vector<8000x1xf32> to vector<8000x128xf32>
    %sub3A_66 = arith.subf %add3A_56, %sub3A : vector<8000x128xf32>
    %sub3A_67 = vector.broadcast %div3A_65 : vector<8000x1xf32> to vector<8000x128xf32>
    %sub3A_68 = arith.subf %add3A_56, %sub3A_67 : vector<8000x128xf32>
    %mul3A = arith.mulf %sub3A_66, %sub3A_68 : vector<8000x128xf32>
    %reduce_sum3A_69 = arith.constant dense<0.000000e+00> : vector<8000xf32>
    %reduce_sum3A_70 = vector.multi_reduction <add>, %mul3A, %reduce_sum3A_69 [1] : vector<8000x128xf32> to vector<8000xf32>
    %broadcast_in_dim3A_71 = vector.shape_cast %reduce_sum3A_70 : vector<8000xf32> to vector<8000x1xf32>
    %div3A_72 = arith.constant 1.280000e+02 : f32
    %div3A_73 = vector.broadcast %div3A_72 : f32 to vector<8000x1xf32>
    %div3A_74 = arith.divf %broadcast_in_dim3A_71, %div3A_73 : vector<8000x1xf32>
    %sub3A_75 = vector.broadcast %div3A_65 : vector<8000x1xf32> to vector<8000x128xf32>
    %sub3A_76 = arith.subf %add3A_56, %sub3A_75 : vector<8000x128xf32>
    %add3A_77 = arith.constant 9.99999974E-6 : f32
    %add3A_78 = vector.broadcast %add3A_77 : f32 to vector<8000x1xf32>
    %add3A_79 = arith.addf %div3A_74, %add3A_78 : vector<8000x1xf32>
    %rsqrt3A = math.rsqrt %add3A_79 : vector<8000x1xf32>
    %mul3A_80 = vector.broadcast %rsqrt3A : vector<8000x1xf32> to vector<8000x128xf32>
    %mul3A_81 = arith.mulf %sub3A_76, %mul3A_80 : vector<8000x128xf32>
    %mul3A_82 = vector.broadcast %get3A_59 : vector<1x128xf32> to vector<8000x128xf32>
    %mul3A_83 = arith.mulf %mul3A_82, %mul3A_81 : vector<8000x128xf32>
    %add3A_84 = vector.broadcast %get3A_62 : vector<1x128xf32> to vector<8000x128xf32>
    %add3A_85 = arith.addf %mul3A_83, %add3A_84 : vector<8000x128xf32>
    %swap3A = arith.constant 0 : index
    %swap3A_86 = arith.constant 0 : index
    %swap3A_87 = vector.load %arg16[%swap3A, %swap3A_86] : memref<8000x128xf32, #tpu.memory_space<vmem>>, vector<8000x128xf32>
    tpu.vector_store %arg16[%swap3A, %swap3A_86], %add3A_85 {strides = array<i32>} : memref<8000x128xf32, #tpu.memory_space<vmem>>, vector<8000x128xf32>,
    %iota3A = tpu.iota {dimensions = array<i32: 0>} : vector<128x8xi32>
    %jit3A = arith.constant 16 : i32
    %div3A_88 = vector.broadcast %jit3A : i32 to vector<128x8xi32>
    %div3A_89 = arith.divsi %iota3A, %div3A_88 : vector<128x8xi32>
    %sign3A = arith.constant 0 : i32
    %sign3A_90 = vector.broadcast %sign3A : i32 to vector<128x8xi32>
    %sign3A_91 = arith.cmpi sgt, %iota3A, %sign3A_90 : vector<128x8xi32>
    %sign3A_92 = arith.extui %sign3A_91 : vector<128x8xi1> to vector<128x8xi32>
    %sign3A_93 = arith.constant 0 : i32
    %sign3A_94 = vector.broadcast %sign3A_93 : i32 to vector<128x8xi32>
    %sign3A_95 = arith.cmpi slt, %iota3A, %sign3A_94 : vector<128x8xi32>
    %sign3A_96 = arith.extui %sign3A_95 : vector<128x8xi1> to vector<128x8xi32>
    %sign3A_97 = arith.subi %sign3A_92, %sign3A_96 : vector<128x8xi32>
    %sign3A_98 = arith.constant 0 : i32
    %sign3A_99 = arith.cmpi sgt, %jit3A, %sign3A_98 : i32
    %sign3A_100 = arith.extui %sign3A_99 : i1 to i32
    %sign3A_101 = arith.constant 0 : i32
    %sign3A_102 = arith.cmpi slt, %jit3A, %sign3A_101 : i32
    %sign3A_103 = arith.extui %sign3A_102 : i1 to i32
    %sign3A_104 = arith.subi %sign3A_100, %sign3A_103 : i32
    %ne3A = vector.broadcast %sign3A_104 : i32 to vector<128x8xi32>
    %ne3A_105 = arith.cmpi ne, %sign3A_97, %ne3A : vector<128x8xi32>
    %rem3A = vector.broadcast %jit3A : i32 to vector<128x8xi32>
    %rem3A_106 = arith.remsi %iota3A, %rem3A : vector<128x8xi32>
    %ne3A_107 = arith.constant 0 : i32
    %ne3A_108 = vector.broadcast %ne3A_107 : i32 to vector<128x8xi32>
    %ne3A_109 = arith.cmpi ne, %rem3A_106, %ne3A_108 : vector<128x8xi32>
    %and3A = arith.andi %ne3A_105, %ne3A_109 : vector<128x8xi1>
    %sub3A_110 = arith.constant 1 : i32
    %sub3A_111 = vector.broadcast %sub3A_110 : i32 to vector<128x8xi32>
    %sub3A_112 = arith.subi %div3A_89, %sub3A_111 : vector<128x8xi32>
    %select_n3A = arith.select %and3A, %sub3A_112, %div3A_89 : vector<128x8xi1>, vector<128x8xi32>
    %iota3A_113 = tpu.iota {dimensions = array<i32: 1>} : vector<128x8xi32>
    %eq3A = arith.cmpi eq, %select_n3A, %iota3A_113 : vector<128x8xi32>
    %convert_element_type3A_114 = arith.extui %eq3A : vector<128x8xi1> to vector<128x8xi32>
    %convert_element_type3A_115 = arith.sitofp %convert_element_type3A_114 : vector<128x8xi32> to vector<128x8xf32>
    %dot_general3A_116 = arith.constant dense<0.000000e+00> : vector<8000x8xf32>
    %dot_general3A_117 = tpu.matmul %add3A_85, %convert_element_type3A_115, %dot_general3A_116 {dimension_numbers = #tpu.dot_dimension_numbers<[1], [0], [0], [1], [0, 0, 1, 1], [], []>, transpose_lhs_hint = false} : vector<8000x128xf32>, vector<128x8xf32>, vector<8000x8xf32> -> vector<8000x8xf32>
    %swap3A_118 = arith.constant 0 : index
    %swap3A_119 = arith.constant 0 : index
    %swap3A_120 = vector.load %arg17[%swap3A_118, %swap3A_119] : memref<8000x8xf32, #tpu.memory_space<vmem>>, vector<8000x8xf32>
    tpu.vector_store %arg17[%swap3A_118, %swap3A_119], %dot_general3A_117 {strides = array<i32>} : memref<8000x8xf32, #tpu.memory_space<vmem>>, vector<8000x8xf32>,
    return
  }
  func.func @transform_0(%arg0: i32) -> (i32, i32) {
    %c0_i32 = arith.constant 0 : i32
    %c0_i32_0 = arith.constant 0 : i32
    return %arg0, %c0_i32 : i32, i32
  }
  func.func @transform_1(%arg0: i32) -> (i32, i32) {
    %c0_i32 = arith.constant 0 : i32
    %c0_i32_0 = arith.constant 0 : i32
    return %arg0, %c0_i32 : i32, i32
  }
  func.func @transform_2(%arg0: i32) -> (i32, i32) {
    %add3A = arith.constant 12 : i32
    %add3A_0 = arith.addi %arg0, %add3A : i32
    %c0_i32 = arith.constant 0 : i32
    %c0_i32_1 = arith.constant 0 : i32
    return %add3A_0, %c0_i32 : i32, i32
  }
  func.func @transform_3(%arg0: i32) -> (i32, i32) {
    %c0_i32 = arith.constant 0 : i32
    %c0_i32_0 = arith.constant 0 : i32
    %c0_i32_1 = arith.constant 0 : i32
    return %c0_i32, %c0_i32_0 : i32, i32
  }
  func.func @transform_4(%arg0: i32) -> (i32, i32) {
    %c0_i32 = arith.constant 0 : i32
    %c0_i32_0 = arith.constant 0 : i32
    %c0_i32_1 = arith.constant 0 : i32
    return %c0_i32, %c0_i32_0 : i32, i32
  }
  func.func @transform_5(%arg0: i32) -> (i32, i32) {
    %c0_i32 = arith.constant 0 : i32
    %c0_i32_0 = arith.constant 0 : i32
    %c0_i32_1 = arith.constant 0 : i32
    return %c0_i32, %c0_i32_0 : i32, i32
  }
  func.func @transform_6(%arg0: i32) -> (i32, i32) {
    %c0_i32 = arith.constant 0 : i32
    %c0_i32_0 = arith.constant 0 : i32
    %c0_i32_1 = arith.constant 0 : i32
    return %c0_i32, %c0_i32_0 : i32, i32
  }
  func.func @transform_7(%arg0: i32) -> (i32, i32) {
    %c0_i32 = arith.constant 0 : i32
    %c0_i32_0 = arith.constant 0 : i32
    %c0_i32_1 = arith.constant 0 : i32
    return %c0_i32, %c0_i32_0 : i32, i32
  }
  func.func @transform_8(%arg0: i32) -> (i32, i32) {
    %c0_i32 = arith.constant 0 : i32
    %c0_i32_0 = arith.constant 0 : i32
    %c0_i32_1 = arith.constant 0 : i32
    return %c0_i32, %c0_i32_0 : i32, i32
  }
  func.func @transform_9(%arg0: i32) -> (i32, i32) {
    %c0_i32 = arith.constant 0 : i32
    %c0_i32_0 = arith.constant 0 : i32
    %c0_i32_1 = arith.constant 0 : i32
    return %c0_i32, %c0_i32_0 : i32, i32
  }
  func.func @transform_10(%arg0: i32) -> (i32, i32) {
    %c0_i32 = arith.constant 0 : i32
    %c0_i32_0 = arith.constant 0 : i32
    %c0_i32_1 = arith.constant 0 : i32
    return %c0_i32, %c0_i32_0 : i32, i32
  }
  func.func @transform_11(%arg0: i32) -> (i32, i32) {
    %c0_i32 = arith.constant 0 : i32
    %c0_i32_0 = arith.constant 0 : i32
    %c0_i32_1 = arith.constant 0 : i32
    return %c0_i32, %c0_i32_0 : i32, i32
  }
  func.func @transform_12(%arg0: i32) -> (i32, i32) {
    %c0_i32 = arith.constant 0 : i32
    %c0_i32_0 = arith.constant 0 : i32
    %c0_i32_1 = arith.constant 0 : i32
    return %c0_i32, %c0_i32_0 : i32, i32
  }
  func.func @transform_15(%arg0: i32) -> (i32, i32) {
    %add3A = arith.constant 12 : i32
    %add3A_0 = arith.addi %arg0, %add3A : i32
    %c0_i32 = arith.constant 0 : i32
    %c0_i32_1 = arith.constant 0 : i32
    return %add3A_0, %c0_i32 : i32, i32
  }
  func.func @transform_16(%arg0: i32) -> (i32, i32) {
    %add3A = arith.constant 12 : i32
    %add3A_0 = arith.addi %arg0, %add3A : i32
    %c0_i32 = arith.constant 0 : i32
    %c0_i32_1 = arith.constant 0 : i32
    return %add3A_0, %c0_i32 : i32, i32
  }
}

module attributes {stable_mosaic.version = 14 : i64} {
  func.func @body(%arg0: i32, %arg1: memref<8000x128xf32, #tpu.memory_space<vmem>>, %arg2: memref<8000x128xf32, #tpu.memory_space<vmem>>, %arg3: memref<8000x128xf32, #tpu.memory_space<vmem>>, %arg4: memref<128x256xbf16, #tpu.memory_space<vmem>>, %arg5: memref<128x256xbf16, #tpu.memory_space<vmem>>, %arg6: memref<128x256xbf16, #tpu.memory_space<vmem>>, %arg7: memref<1x256xf32, #tpu.memory_space<vmem>>, %arg8: memref<256x256xbf16, #tpu.memory_space<vmem>>, %arg9: memref<1x256xf32, #tpu.memory_space<vmem>>, %arg10: memref<256x128xbf16, #tpu.memory_space<vmem>>, %arg11: memref<1x128xf32, #tpu.memory_space<vmem>>, %arg12: memref<1x128xf32, #tpu.memory_space<vmem>>, %arg13: memref<1x128xf32, #tpu.memory_space<vmem>>, %arg14: memref<160000x128xf32, #tpu.memory_space<any>>, %arg15: memref<160000x8xf32, #tpu.memory_space<any>>, %arg16: memref<8000x128xf32, #tpu.memory_space<vmem>>, %arg17: memref<8000x8xf32, #tpu.memory_space<vmem>>) attributes {dimension_semantics = [#tpu.dimension_semantics<arbitrary>], iteration_bounds = array<i64: 4>, scalar_prefetch = 0 : i64, scratch_operands = 0 : i64, tpu.core_type = #tpu.core_type<tc>, window_params = [{transform_indices = @transform_0, window_bounds = array<i64: 8000, 128>}, {transform_indices = @transform_1, window_bounds = array<i64: 8000, 128>}, {transform_indices = @transform_2, window_bounds = array<i64: 8000, 128>}, {pipeline_mode = #tpu.pipeline_mode<synchronous>, transform_indices = @transform_3, window_bounds = array<i64: 128, 256>}, {pipeline_mode = #tpu.pipeline_mode<synchronous>, transform_indices = @transform_4, window_bounds = array<i64: 128, 256>}, {pipeline_mode = #tpu.pipeline_mode<synchronous>, transform_indices = @transform_5, window_bounds = array<i64: 128, 256>}, {pipeline_mode = #tpu.pipeline_mode<synchronous>, transform_indices = @transform_6, window_bounds = array<i64: 1, 256>}, {pipeline_mode = #tpu.pipeline_mode<synchronous>, transform_indices = @transform_7, window_bounds = array<i64: 256, 256>}, {pipeline_mode = #tpu.pipeline_mode<synchronous>, transform_indices = @transform_8, window_bounds = array<i64: 1, 256>}, {pipeline_mode = #tpu.pipeline_mode<synchronous>, transform_indices = @transform_9, window_bounds = array<i64: 256, 128>}, {pipeline_mode = #tpu.pipeline_mode<synchronous>, transform_indices = @transform_10, window_bounds = array<i64: 1, 128>}, {pipeline_mode = #tpu.pipeline_mode<synchronous>, transform_indices = @transform_11, window_bounds = array<i64: 1, 128>}, {pipeline_mode = #tpu.pipeline_mode<synchronous>, transform_indices = @transform_12, window_bounds = array<i64: 1, 128>}, {}, {}, {transform_indices = @transform_15, window_bounds = array<i64: 8000, 128>}, {transform_indices = @transform_16, window_bounds = array<i64: 8000, 8>}]} {
    %get3A = arith.constant 0 : index
    %get3A_0 = arith.constant 0 : index
    %get3A_1 = vector.load %arg1[%get3A, %get3A_0] : memref<8000x128xf32, #tpu.memory_space<vmem>>, vector<8000x128xf32>
    %convert_element_type3A = arith.truncf %get3A_1 : vector<8000x128xf32> to vector<8000x128xbf16>
    %get3A_2 = arith.constant 0 : index
    %get3A_3 = arith.constant 0 : index
    %get3A_4 = vector.load %arg4[%get3A_2, %get3A_3] : memref<128x256xbf16, #tpu.memory_space<vmem>>, vector<128x256xbf16>
    %dot_general3A = arith.constant dense<0.000000e+00> : vector<8000x256xf32>
    %dot_general3A_5 = tpu.matmul %convert_element_type3A, %get3A_4, %dot_general3A {dimension_numbers = #tpu.dot_dimension_numbers<[1], [0], [0], [1], [0, 0, 1, 1], [], []>, transpose_lhs_hint = false} : vector<8000x128xbf16>, vector<128x256xbf16>, vector<8000x256xf32> -> vector<8000x256xf32>
    %get3A_6 = arith.constant 0 : index
    %get3A_7 = arith.constant 0 : index
    %get3A_8 = vector.load %arg2[%get3A_6, %get3A_7] : memref<8000x128xf32, #tpu.memory_space<vmem>>, vector<8000x128xf32>
    %convert_element_type3A_9 = arith.truncf %get3A_8 : vector<8000x128xf32> to vector<8000x128xbf16>
    %get3A_10 = arith.constant 0 : index
    %get3A_11 = arith.constant 0 : index
    %get3A_12 = vector.load %arg5[%get3A_10, %get3A_11] : memref<128x256xbf16, #tpu.memory_space<vmem>>, vector<128x256xbf16>
    %dot_general3A_13 = arith.constant dense<0.000000e+00> : vector<8000x256xf32>
    %dot_general3A_14 = tpu.matmul %convert_element_type3A_9, %get3A_12, %dot_general3A_13 {dimension_numbers = #tpu.dot_dimension_numbers<[1], [0], [0], [1], [0, 0, 1, 1], [], []>, transpose_lhs_hint = false} : vector<8000x128xbf16>, vector<128x256xbf16>, vector<8000x256xf32> -> vector<8000x256xf32>
    %add3A = arith.addf %dot_general3A_5, %dot_general3A_14 : vector<8000x256xf32>
    %get3A_15 = arith.constant 0 : index
    %get3A_16 = arith.constant 0 : index
    %get3A_17 = vector.load %arg3[%get3A_15, %get3A_16] : memref<8000x128xf32, #tpu.memory_space<vmem>>, vector<8000x128xf32>
    %convert_element_type3A_18 = arith.truncf %get3A_17 : vector<8000x128xf32> to vector<8000x128xbf16>
    %get3A_19 = arith.constant 0 : index
    %get3A_20 = arith.constant 0 : index
    %get3A_21 = vector.load %arg6[%get3A_19, %get3A_20] : memref<128x256xbf16, #tpu.memory_space<vmem>>, vector<128x256xbf16>
    %dot_general3A_22 = arith.constant dense<0.000000e+00> : vector<8000x256xf32>
    %dot_general3A_23 = tpu.matmul %convert_element_type3A_18, %get3A_21, %dot_general3A_22 {dimension_numbers = #tpu.dot_dimension_numbers<[1], [0], [0], [1], [0, 0, 1, 1], [], []>, transpose_lhs_hint = false} : vector<8000x128xbf16>, vector<128x256xbf16>, vector<8000x256xf32> -> vector<8000x256xf32>
    %add3A_24 = arith.addf %add3A, %dot_general3A_23 : vector<8000x256xf32>
    %get3A_25 = arith.constant 0 : index
    %get3A_26 = arith.constant 0 : index
    %get3A_27 = vector.load %arg7[%get3A_25, %get3A_26] : memref<1x256xf32, #tpu.memory_space<vmem>>, vector<1x256xf32>
    %add3A_28 = vector.broadcast %get3A_27 : vector<1x256xf32> to vector<8000x256xf32>
    %add3A_29 = arith.addf %add3A_24, %add3A_28 : vector<8000x256xf32>
    %max3A = arith.constant 0.000000e+00 : f32
    %max3A_30 = vector.broadcast %max3A : f32 to vector<8000x256xf32>
    %max3A_31 = arith.maximumf %add3A_29, %max3A_30 : vector<8000x256xf32>
    %convert_element_type3A_32 = arith.truncf %max3A_31 : vector<8000x256xf32> to vector<8000x256xbf16>
    %get3A_33 = arith.constant 0 : index
    %get3A_34 = arith.constant 0 : index
    %get3A_35 = vector.load %arg8[%get3A_33, %get3A_34] : memref<256x256xbf16, #tpu.memory_space<vmem>>, vector<256x256xbf16>
    %dot_general3A_36 = arith.constant dense<0.000000e+00> : vector<8000x256xf32>
    %dot_general3A_37 = tpu.matmul %convert_element_type3A_32, %get3A_35, %dot_general3A_36 {dimension_numbers = #tpu.dot_dimension_numbers<[1], [0], [0], [1], [0, 0, 1, 1], [], []>, transpose_lhs_hint = false} : vector<8000x256xbf16>, vector<256x256xbf16>, vector<8000x256xf32> -> vector<8000x256xf32>
    %get3A_38 = arith.constant 0 : index
    %get3A_39 = arith.constant 0 : index
    %get3A_40 = vector.load %arg9[%get3A_38, %get3A_39] : memref<1x256xf32, #tpu.memory_space<vmem>>, vector<1x256xf32>
    %add3A_41 = vector.broadcast %get3A_40 : vector<1x256xf32> to vector<8000x256xf32>
    %add3A_42 = arith.addf %dot_general3A_37, %add3A_41 : vector<8000x256xf32>
    %max3A_43 = arith.constant 0.000000e+00 : f32
    %max3A_44 = vector.broadcast %max3A_43 : f32 to vector<8000x256xf32>
    %max3A_45 = arith.maximumf %add3A_42, %max3A_44 : vector<8000x256xf32>
    %convert_element_type3A_46 = arith.truncf %max3A_45 : vector<8000x256xf32> to vector<8000x256xbf16>
    %get3A_47 = arith.constant 0 : index
    %get3A_48 = arith.constant 0 : index
    %get3A_49 = vector.load %arg10[%get3A_47, %get3A_48] : memref<256x128xbf16, #tpu.memory_space<vmem>>, vector<256x128xbf16>
    %dot_general3A_50 = arith.constant dense<0.000000e+00> : vector<8000x128xf32>
    %dot_general3A_51 = tpu.matmul %convert_element_type3A_46, %get3A_49, %dot_general3A_50 {dimension_numbers = #tpu.dot_dimension_numbers<[1], [0], [0], [1], [0, 0, 1, 1], [], []>, transpose_lhs_hint = false} : vector<8000x256xbf16>, vector<256x128xbf16>, vector<8000x128xf32> -> vector<8000x128xf32>
    %get3A_52 = arith.constant 0 : index
    %get3A_53 = arith.constant 0 : index
    %get3A_54 = vector.load %arg11[%get3A_52, %get3A_53] : memref<1x128xf32, #tpu.memory_space<vmem>>, vector<1x128xf32>
    %add3A_55 = vector.broadcast %get3A_54 : vector<1x128xf32> to vector<8000x128xf32>
    %add3A_56 = arith.addf %dot_general3A_51, %add3A_55 : vector<8000x128xf32>
    %get3A_57 = arith.constant 0 : index
    %get3A_58 = arith.constant 0 : index
    %get3A_59 = vector.load %arg12[%get3A_57, %get3A_58] : memref<1x128xf32, #tpu.memory_space<vmem>>, vector<1x128xf32>
    %get3A_60 = arith.constant 0 : index
    %get3A_61 = arith.constant 0 : index
    %get3A_62 = vector.load %arg13[%get3A_60, %get3A_61] : memref<1x128xf32, #tpu.memory_space<vmem>>, vector<1x128xf32>
    %reduce_sum3A = arith.constant dense<0.000000e+00> : vector<8000xf32>
    %reduce_sum3A_63 = vector.multi_reduction <add>, %add3A_56, %reduce_sum3A [1] : vector<8000x128xf32> to vector<8000xf32>
    %broadcast_in_dim3A = vector.shape_cast %reduce_sum3A_63 : vector<8000xf32> to vector<8000x1xf32>
    %div3A = arith.constant 1.280000e+02 : f32
    %div3A_64 = vector.broadcast %div3A : f32 to vector<8000x1xf32>
    %div3A_65 = arith.divf %broadcast_in_dim3A, %div3A_64 : vector<8000x1xf32>
    %sub3A = vector.broadcast %div3A_65 : vector<8000x1xf32> to vector<8000x128xf32>
    %sub3A_66 = arith.subf %add3A_56, %sub3A : vector<8000x128xf32>
    %sub3A_67 = vector.broadcast %div3A_65 : vector<8000x1xf32> to vector<8000x128xf32>
    %sub3A_68 = arith.subf %add3A_56, %sub3A_67 : vector<8000x128xf32>
    %mul3A = arith.mulf %sub3A_66, %sub3A_68 : vector<8000x128xf32>
    %reduce_sum3A_69 = arith.constant dense<0.000000e+00> : vector<8000xf32>
    %reduce_sum3A_70 = vector.multi_reduction <add>, %mul3A, %reduce_sum3A_69 [1] : vector<8000x128xf32> to vector<8000xf32>
    %broadcast_in_dim3A_71 = vector.shape_cast %reduce_sum3A_70 : vector<8000xf32> to vector<8000x1xf32>
    %div3A_72 = arith.constant 1.280000e+02 : f32
    %div3A_73 = vector.broadcast %div3A_72 : f32 to vector<8000x1xf32>
    %div3A_74 = arith.divf %broadcast_in_dim3A_71, %div3A_73 : vector<8000x1xf32>
    %sub3A_75 = vector.broadcast %div3A_65 : vector<8000x1xf32> to vector<8000x128xf32>
    %sub3A_76 = arith.subf %add3A_56, %sub3A_75 : vector<8000x128xf32>
    %add3A_77 = arith.constant 9.99999974E-6 : f32
    %add3A_78 = vector.broadcast %add3A_77 : f32 to vector<8000x1xf32>
    %add3A_79 = arith.addf %div3A_74, %add3A_78 : vector<8000x1xf32>
    %rsqrt3A = math.rsqrt %add3A_79 : vector<8000x1xf32>
    %mul3A_80 = vector.broadcast %rsqrt3A : vector<8000x1xf32> to vector<8000x128xf32>
    %mul3A_81 = arith.mulf %sub3A_76, %mul3A_80 : vector<8000x128xf32>
    %mul3A_82 = vector.broadcast %get3A_59 : vector<1x128xf32> to vector<8000x128xf32>
    %mul3A_83 = arith.mulf %mul3A_82, %mul3A_81 : vector<8000x128xf32>
    %add3A_84 = vector.broadcast %get3A_62 : vector<1x128xf32> to vector<8000x128xf32>
    %add3A_85 = arith.addf %mul3A_83, %add3A_84 : vector<8000x128xf32>
    %swap3A = arith.constant 0 : index
    %swap3A_86 = arith.constant 0 : index
    %swap3A_87 = vector.load %arg16[%swap3A, %swap3A_86] : memref<8000x128xf32, #tpu.memory_space<vmem>>, vector<8000x128xf32>
    tpu.vector_store %arg16[%swap3A, %swap3A_86], %add3A_85 {strides = array<i32>} : memref<8000x128xf32, #tpu.memory_space<vmem>>, vector<8000x128xf32>,
    %iota3A = tpu.iota {dimensions = array<i32: 0>} : vector<128x8xi32>
    %jit3A = arith.constant 16 : i32
    %div3A_88 = vector.broadcast %jit3A : i32 to vector<128x8xi32>
    %div3A_89 = arith.divsi %iota3A, %div3A_88 : vector<128x8xi32>
    %sign3A = arith.constant 0 : i32
    %sign3A_90 = vector.broadcast %sign3A : i32 to vector<128x8xi32>
    %sign3A_91 = arith.cmpi sgt, %iota3A, %sign3A_90 : vector<128x8xi32>
    %sign3A_92 = arith.extui %sign3A_91 : vector<128x8xi1> to vector<128x8xi32>
    %sign3A_93 = arith.constant 0 : i32
    %sign3A_94 = vector.broadcast %sign3A_93 : i32 to vector<128x8xi32>
    %sign3A_95 = arith.cmpi slt, %iota3A, %sign3A_94 : vector<128x8xi32>
    %sign3A_96 = arith.extui %sign3A_95 : vector<128x8xi1> to vector<128x8xi32>
    %sign3A_97 = arith.subi %sign3A_92, %sign3A_96 : vector<128x8xi32>
    %sign3A_98 = arith.constant 0 : i32
    %sign3A_99 = arith.cmpi sgt, %jit3A, %sign3A_98 : i32
    %sign3A_100 = arith.extui %sign3A_99 : i1 to i32
    %sign3A_101 = arith.constant 0 : i32
    %sign3A_102 = arith.cmpi slt, %jit3A, %sign3A_101 : i32
    %sign3A_103 = arith.extui %sign3A_102 : i1 to i32
    %sign3A_104 = arith.subi %sign3A_100, %sign3A_103 : i32
    %ne3A = vector.broadcast %sign3A_104 : i32 to vector<128x8xi32>
    %ne3A_105 = arith.cmpi ne, %sign3A_97, %ne3A : vector<128x8xi32>
    %rem3A = vector.broadcast %jit3A : i32 to vector<128x8xi32>
    %rem3A_106 = arith.remsi %iota3A, %rem3A : vector<128x8xi32>
    %ne3A_107 = arith.constant 0 : i32
    %ne3A_108 = vector.broadcast %ne3A_107 : i32 to vector<128x8xi32>
    %ne3A_109 = arith.cmpi ne, %rem3A_106, %ne3A_108 : vector<128x8xi32>
    %and3A = arith.andi %ne3A_105, %ne3A_109 : vector<128x8xi1>
    %sub3A_110 = arith.constant 1 : i32
    %sub3A_111 = vector.broadcast %sub3A_110 : i32 to vector<128x8xi32>
    %sub3A_112 = arith.subi %div3A_89, %sub3A_111 : vector<128x8xi32>
    %select_n3A = arith.select %and3A, %sub3A_112, %div3A_89 : vector<128x8xi1>, vector<128x8xi32>
    %iota3A_113 = tpu.iota {dimensions = array<i32: 1>} : vector<128x8xi32>
    %eq3A = arith.cmpi eq, %select_n3A, %iota3A_113 : vector<128x8xi32>
    %convert_element_type3A_114 = arith.extui %eq3A : vector<128x8xi1> to vector<128x8xi32>
    %convert_element_type3A_115 = arith.sitofp %convert_element_type3A_114 : vector<128x8xi32> to vector<128x8xf32>
    %dot_general3A_116 = arith.constant dense<0.000000e+00> : vector<8000x8xf32>
    %dot_general3A_117 = tpu.matmul %add3A_85, %convert_element_type3A_115, %dot_general3A_116 {dimension_numbers = #tpu.dot_dimension_numbers<[1], [0], [0], [1], [0, 0, 1, 1], [], []>, transpose_lhs_hint = false} : vector<8000x128xf32>, vector<128x8xf32>, vector<8000x8xf32> -> vector<8000x8xf32>
    %swap3A_118 = arith.constant 0 : index
    %swap3A_119 = arith.constant 0 : index
    %swap3A_120 = vector.load %arg17[%swap3A_118, %swap3A_119] : memref<8000x8xf32, #tpu.memory_space<vmem>>, vector<8000x8xf32>
    tpu.vector_store %arg17[%swap3A_118, %swap3A_119], %dot_general3A_117 {strides = array<i32>} : memref<8000x8xf32, #tpu.memory_space<vmem>>, vector<8000x8xf32>,
    return
  }
  func.func @transform_0(%arg0: i32) -> (i32, i32) {
    %c0_i32 = arith.constant 0 : i32
    %c0_i32_0 = arith.constant 0 : i32
    return %arg0, %c0_i32 : i32, i32
  }
  func.func @transform_1(%arg0: i32) -> (i32, i32) {
    %c0_i32 = arith.constant 0 : i32
    %c0_i32_0 = arith.constant 0 : i32
    return %arg0, %c0_i32 : i32, i32
  }
  func.func @transform_2(%arg0: i32) -> (i32, i32) {
    %add3A = arith.constant 16 : i32
    %add3A_0 = arith.addi %arg0, %add3A : i32
    %c0_i32 = arith.constant 0 : i32
    %c0_i32_1 = arith.constant 0 : i32
    return %add3A_0, %c0_i32 : i32, i32
  }
  func.func @transform_3(%arg0: i32) -> (i32, i32) {
    %c0_i32 = arith.constant 0 : i32
    %c0_i32_0 = arith.constant 0 : i32
    %c0_i32_1 = arith.constant 0 : i32
    return %c0_i32, %c0_i32_0 : i32, i32
  }
  func.func @transform_4(%arg0: i32) -> (i32, i32) {
    %c0_i32 = arith.constant 0 : i32
    %c0_i32_0 = arith.constant 0 : i32
    %c0_i32_1 = arith.constant 0 : i32
    return %c0_i32, %c0_i32_0 : i32, i32
  }
  func.func @transform_5(%arg0: i32) -> (i32, i32) {
    %c0_i32 = arith.constant 0 : i32
    %c0_i32_0 = arith.constant 0 : i32
    %c0_i32_1 = arith.constant 0 : i32
    return %c0_i32, %c0_i32_0 : i32, i32
  }
  func.func @transform_6(%arg0: i32) -> (i32, i32) {
    %c0_i32 = arith.constant 0 : i32
    %c0_i32_0 = arith.constant 0 : i32
    %c0_i32_1 = arith.constant 0 : i32
    return %c0_i32, %c0_i32_0 : i32, i32
  }
  func.func @transform_7(%arg0: i32) -> (i32, i32) {
    %c0_i32 = arith.constant 0 : i32
    %c0_i32_0 = arith.constant 0 : i32
    %c0_i32_1 = arith.constant 0 : i32
    return %c0_i32, %c0_i32_0 : i32, i32
  }
  func.func @transform_8(%arg0: i32) -> (i32, i32) {
    %c0_i32 = arith.constant 0 : i32
    %c0_i32_0 = arith.constant 0 : i32
    %c0_i32_1 = arith.constant 0 : i32
    return %c0_i32, %c0_i32_0 : i32, i32
  }
  func.func @transform_9(%arg0: i32) -> (i32, i32) {
    %c0_i32 = arith.constant 0 : i32
    %c0_i32_0 = arith.constant 0 : i32
    %c0_i32_1 = arith.constant 0 : i32
    return %c0_i32, %c0_i32_0 : i32, i32
  }
  func.func @transform_10(%arg0: i32) -> (i32, i32) {
    %c0_i32 = arith.constant 0 : i32
    %c0_i32_0 = arith.constant 0 : i32
    %c0_i32_1 = arith.constant 0 : i32
    return %c0_i32, %c0_i32_0 : i32, i32
  }
  func.func @transform_11(%arg0: i32) -> (i32, i32) {
    %c0_i32 = arith.constant 0 : i32
    %c0_i32_0 = arith.constant 0 : i32
    %c0_i32_1 = arith.constant 0 : i32
    return %c0_i32, %c0_i32_0 : i32, i32
  }
  func.func @transform_12(%arg0: i32) -> (i32, i32) {
    %c0_i32 = arith.constant 0 : i32
    %c0_i32_0 = arith.constant 0 : i32
    %c0_i32_1 = arith.constant 0 : i32
    return %c0_i32, %c0_i32_0 : i32, i32
  }
  func.func @transform_15(%arg0: i32) -> (i32, i32) {
    %add3A = arith.constant 16 : i32
    %add3A_0 = arith.addi %arg0, %add3A : i32
    %c0_i32 = arith.constant 0 : i32
    %c0_i32_1 = arith.constant 0 : i32
    return %add3A_0, %c0_i32 : i32, i32
  }
  func.func @transform_16(%arg0: i32) -> (i32, i32) {
    %add3A = arith.constant 16 : i32
    %add3A_0 = arith.addi %arg0, %add3A : i32
    %c0_i32 = arith.constant 0 : i32
    %c0_i32_1 = arith.constant 0 : i32
    return %add3A_0, %c0_i32 : i32, i32
  }
}

module attributes {stable_mosaic.version = 14 : i64} {
  func.func @_node_kernel(%arg0: i32, %arg1: memref<1000x128xf32, #tpu.memory_space<vmem>>, %arg2: memref<128x256xbf16, #tpu.memory_space<vmem>>, %arg3: memref<1x256xf32, #tpu.memory_space<vmem>>, %arg4: memref<256x256xbf16, #tpu.memory_space<vmem>>, %arg5: memref<1x256xf32, #tpu.memory_space<vmem>>, %arg6: memref<256x128xbf16, #tpu.memory_space<vmem>>, %arg7: memref<1x128xf32, #tpu.memory_space<vmem>>, %arg8: memref<1x128xf32, #tpu.memory_space<vmem>>, %arg9: memref<1x128xf32, #tpu.memory_space<vmem>>, %arg10: memref<1000x128xf32, #tpu.memory_space<vmem>>) attributes {dimension_semantics = [#tpu.dimension_semantics<arbitrary>], iteration_bounds = array<i64: 10>, scalar_prefetch = 0 : i64, scratch_operands = 0 : i64, tpu.core_type = #tpu.core_type<tc>, window_params = [{transform_indices = @transform_0, window_bounds = array<i64: 1000, 128>}, {pipeline_mode = #tpu.pipeline_mode<synchronous>, transform_indices = @transform_1, window_bounds = array<i64: 128, 256>}, {pipeline_mode = #tpu.pipeline_mode<synchronous>, transform_indices = @transform_2, window_bounds = array<i64: 1, 256>}, {pipeline_mode = #tpu.pipeline_mode<synchronous>, transform_indices = @transform_3, window_bounds = array<i64: 256, 256>}, {pipeline_mode = #tpu.pipeline_mode<synchronous>, transform_indices = @transform_4, window_bounds = array<i64: 1, 256>}, {pipeline_mode = #tpu.pipeline_mode<synchronous>, transform_indices = @transform_5, window_bounds = array<i64: 256, 128>}, {pipeline_mode = #tpu.pipeline_mode<synchronous>, transform_indices = @transform_6, window_bounds = array<i64: 1, 128>}, {pipeline_mode = #tpu.pipeline_mode<synchronous>, transform_indices = @transform_7, window_bounds = array<i64: 1, 128>}, {pipeline_mode = #tpu.pipeline_mode<synchronous>, transform_indices = @transform_8, window_bounds = array<i64: 1, 128>}, {transform_indices = @transform_9, window_bounds = array<i64: 1000, 128>}]} {
    %get3A = arith.constant 0 : index
    %get3A_0 = arith.constant 0 : index
    %get3A_1 = vector.load %arg1[%get3A, %get3A_0] : memref<1000x128xf32, #tpu.memory_space<vmem>>, vector<1000x128xf32>
    %convert_element_type3A = arith.truncf %get3A_1 : vector<1000x128xf32> to vector<1000x128xbf16>
    %get3A_2 = arith.constant 0 : index
    %get3A_3 = arith.constant 0 : index
    %get3A_4 = vector.load %arg2[%get3A_2, %get3A_3] : memref<128x256xbf16, #tpu.memory_space<vmem>>, vector<128x256xbf16>
    %dot_general3A = arith.constant dense<0.000000e+00> : vector<1000x256xf32>
    %dot_general3A_5 = tpu.matmul %convert_element_type3A, %get3A_4, %dot_general3A {dimension_numbers = #tpu.dot_dimension_numbers<[1], [0], [0], [1], [0, 0, 1, 1], [], []>, transpose_lhs_hint = false} : vector<1000x128xbf16>, vector<128x256xbf16>, vector<1000x256xf32> -> vector<1000x256xf32>
    %get3A_6 = arith.constant 0 : index
    %get3A_7 = arith.constant 0 : index
    %get3A_8 = vector.load %arg3[%get3A_6, %get3A_7] : memref<1x256xf32, #tpu.memory_space<vmem>>, vector<1x256xf32>
    %add3A = vector.broadcast %get3A_8 : vector<1x256xf32> to vector<1000x256xf32>
    %add3A_9 = arith.addf %dot_general3A_5, %add3A : vector<1000x256xf32>
    %max3A = arith.constant 0.000000e+00 : f32
    %max3A_10 = vector.broadcast %max3A : f32 to vector<1000x256xf32>
    %max3A_11 = arith.maximumf %add3A_9, %max3A_10 : vector<1000x256xf32>
    %convert_element_type3A_12 = arith.truncf %max3A_11 : vector<1000x256xf32> to vector<1000x256xbf16>
    %get3A_13 = arith.constant 0 : index
    %get3A_14 = arith.constant 0 : index
    %get3A_15 = vector.load %arg4[%get3A_13, %get3A_14] : memref<256x256xbf16, #tpu.memory_space<vmem>>, vector<256x256xbf16>
    %dot_general3A_16 = arith.constant dense<0.000000e+00> : vector<1000x256xf32>
    %dot_general3A_17 = tpu.matmul %convert_element_type3A_12, %get3A_15, %dot_general3A_16 {dimension_numbers = #tpu.dot_dimension_numbers<[1], [0], [0], [1], [0, 0, 1, 1], [], []>, transpose_lhs_hint = false} : vector<1000x256xbf16>, vector<256x256xbf16>, vector<1000x256xf32> -> vector<1000x256xf32>
    %get3A_18 = arith.constant 0 : index
    %get3A_19 = arith.constant 0 : index
    %get3A_20 = vector.load %arg5[%get3A_18, %get3A_19] : memref<1x256xf32, #tpu.memory_space<vmem>>, vector<1x256xf32>
    %add3A_21 = vector.broadcast %get3A_20 : vector<1x256xf32> to vector<1000x256xf32>
    %add3A_22 = arith.addf %dot_general3A_17, %add3A_21 : vector<1000x256xf32>
    %max3A_23 = arith.constant 0.000000e+00 : f32
    %max3A_24 = vector.broadcast %max3A_23 : f32 to vector<1000x256xf32>
    %max3A_25 = arith.maximumf %add3A_22, %max3A_24 : vector<1000x256xf32>
    %convert_element_type3A_26 = arith.truncf %max3A_25 : vector<1000x256xf32> to vector<1000x256xbf16>
    %get3A_27 = arith.constant 0 : index
    %get3A_28 = arith.constant 0 : index
    %get3A_29 = vector.load %arg6[%get3A_27, %get3A_28] : memref<256x128xbf16, #tpu.memory_space<vmem>>, vector<256x128xbf16>
    %dot_general3A_30 = arith.constant dense<0.000000e+00> : vector<1000x128xf32>
    %dot_general3A_31 = tpu.matmul %convert_element_type3A_26, %get3A_29, %dot_general3A_30 {dimension_numbers = #tpu.dot_dimension_numbers<[1], [0], [0], [1], [0, 0, 1, 1], [], []>, transpose_lhs_hint = false} : vector<1000x256xbf16>, vector<256x128xbf16>, vector<1000x128xf32> -> vector<1000x128xf32>
    %get3A_32 = arith.constant 0 : index
    %get3A_33 = arith.constant 0 : index
    %get3A_34 = vector.load %arg7[%get3A_32, %get3A_33] : memref<1x128xf32, #tpu.memory_space<vmem>>, vector<1x128xf32>
    %add3A_35 = vector.broadcast %get3A_34 : vector<1x128xf32> to vector<1000x128xf32>
    %add3A_36 = arith.addf %dot_general3A_31, %add3A_35 : vector<1000x128xf32>
    %get3A_37 = arith.constant 0 : index
    %get3A_38 = arith.constant 0 : index
    %get3A_39 = vector.load %arg8[%get3A_37, %get3A_38] : memref<1x128xf32, #tpu.memory_space<vmem>>, vector<1x128xf32>
    %get3A_40 = arith.constant 0 : index
    %get3A_41 = arith.constant 0 : index
    %get3A_42 = vector.load %arg9[%get3A_40, %get3A_41] : memref<1x128xf32, #tpu.memory_space<vmem>>, vector<1x128xf32>
    %reduce_sum3A = arith.constant dense<0.000000e+00> : vector<1000xf32>
    %reduce_sum3A_43 = vector.multi_reduction <add>, %add3A_36, %reduce_sum3A [1] : vector<1000x128xf32> to vector<1000xf32>
    %broadcast_in_dim3A = vector.shape_cast %reduce_sum3A_43 : vector<1000xf32> to vector<1000x1xf32>
    %div3A = arith.constant 1.280000e+02 : f32
    %div3A_44 = vector.broadcast %div3A : f32 to vector<1000x1xf32>
    %div3A_45 = arith.divf %broadcast_in_dim3A, %div3A_44 : vector<1000x1xf32>
    %sub3A = vector.broadcast %div3A_45 : vector<1000x1xf32> to vector<1000x128xf32>
    %sub3A_46 = arith.subf %add3A_36, %sub3A : vector<1000x128xf32>
    %sub3A_47 = vector.broadcast %div3A_45 : vector<1000x1xf32> to vector<1000x128xf32>
    %sub3A_48 = arith.subf %add3A_36, %sub3A_47 : vector<1000x128xf32>
    %mul3A = arith.mulf %sub3A_46, %sub3A_48 : vector<1000x128xf32>
    %reduce_sum3A_49 = arith.constant dense<0.000000e+00> : vector<1000xf32>
    %reduce_sum3A_50 = vector.multi_reduction <add>, %mul3A, %reduce_sum3A_49 [1] : vector<1000x128xf32> to vector<1000xf32>
    %broadcast_in_dim3A_51 = vector.shape_cast %reduce_sum3A_50 : vector<1000xf32> to vector<1000x1xf32>
    %div3A_52 = arith.constant 1.280000e+02 : f32
    %div3A_53 = vector.broadcast %div3A_52 : f32 to vector<1000x1xf32>
    %div3A_54 = arith.divf %broadcast_in_dim3A_51, %div3A_53 : vector<1000x1xf32>
    %sub3A_55 = vector.broadcast %div3A_45 : vector<1000x1xf32> to vector<1000x128xf32>
    %sub3A_56 = arith.subf %add3A_36, %sub3A_55 : vector<1000x128xf32>
    %add3A_57 = arith.constant 9.99999974E-6 : f32
    %add3A_58 = vector.broadcast %add3A_57 : f32 to vector<1000x1xf32>
    %add3A_59 = arith.addf %div3A_54, %add3A_58 : vector<1000x1xf32>
    %rsqrt3A = math.rsqrt %add3A_59 : vector<1000x1xf32>
    %mul3A_60 = vector.broadcast %rsqrt3A : vector<1000x1xf32> to vector<1000x128xf32>
    %mul3A_61 = arith.mulf %sub3A_56, %mul3A_60 : vector<1000x128xf32>
    %mul3A_62 = vector.broadcast %get3A_39 : vector<1x128xf32> to vector<1000x128xf32>
    %mul3A_63 = arith.mulf %mul3A_62, %mul3A_61 : vector<1000x128xf32>
    %add3A_64 = vector.broadcast %get3A_42 : vector<1x128xf32> to vector<1000x128xf32>
    %add3A_65 = arith.addf %mul3A_63, %add3A_64 : vector<1000x128xf32>
    %swap3A = arith.constant 0 : index
    %swap3A_66 = arith.constant 0 : index
    %swap3A_67 = vector.load %arg10[%swap3A, %swap3A_66] : memref<1000x128xf32, #tpu.memory_space<vmem>>, vector<1000x128xf32>
    tpu.vector_store %arg10[%swap3A, %swap3A_66], %add3A_65 {strides = array<i32>} : memref<1000x128xf32, #tpu.memory_space<vmem>>, vector<1000x128xf32>,
    return
  }
  func.func @transform_0(%arg0: i32) -> (i32, i32) {
    %c0_i32 = arith.constant 0 : i32
    %c0_i32_0 = arith.constant 0 : i32
    return %arg0, %c0_i32 : i32, i32
  }
  func.func @transform_1(%arg0: i32) -> (i32, i32) {
    %c0_i32 = arith.constant 0 : i32
    %c0_i32_0 = arith.constant 0 : i32
    %c0_i32_1 = arith.constant 0 : i32
    return %c0_i32, %c0_i32_0 : i32, i32
  }
  func.func @transform_2(%arg0: i32) -> (i32, i32) {
    %c0_i32 = arith.constant 0 : i32
    %c0_i32_0 = arith.constant 0 : i32
    %c0_i32_1 = arith.constant 0 : i32
    return %c0_i32, %c0_i32_0 : i32, i32
  }
  func.func @transform_3(%arg0: i32) -> (i32, i32) {
    %c0_i32 = arith.constant 0 : i32
    %c0_i32_0 = arith.constant 0 : i32
    %c0_i32_1 = arith.constant 0 : i32
    return %c0_i32, %c0_i32_0 : i32, i32
  }
  func.func @transform_4(%arg0: i32) -> (i32, i32) {
    %c0_i32 = arith.constant 0 : i32
    %c0_i32_0 = arith.constant 0 : i32
    %c0_i32_1 = arith.constant 0 : i32
    return %c0_i32, %c0_i32_0 : i32, i32
  }
  func.func @transform_5(%arg0: i32) -> (i32, i32) {
    %c0_i32 = arith.constant 0 : i32
    %c0_i32_0 = arith.constant 0 : i32
    %c0_i32_1 = arith.constant 0 : i32
    return %c0_i32, %c0_i32_0 : i32, i32
  }
  func.func @transform_6(%arg0: i32) -> (i32, i32) {
    %c0_i32 = arith.constant 0 : i32
    %c0_i32_0 = arith.constant 0 : i32
    %c0_i32_1 = arith.constant 0 : i32
    return %c0_i32, %c0_i32_0 : i32, i32
  }
  func.func @transform_7(%arg0: i32) -> (i32, i32) {
    %c0_i32 = arith.constant 0 : i32
    %c0_i32_0 = arith.constant 0 : i32
    %c0_i32_1 = arith.constant 0 : i32
    return %c0_i32, %c0_i32_0 : i32, i32
  }
  func.func @transform_8(%arg0: i32) -> (i32, i32) {
    %c0_i32 = arith.constant 0 : i32
    %c0_i32_0 = arith.constant 0 : i32
    %c0_i32_1 = arith.constant 0 : i32
    return %c0_i32, %c0_i32_0 : i32, i32
  }
  func.func @transform_9(%arg0: i32) -> (i32, i32) {
    %c0_i32 = arith.constant 0 : i32
    %c0_i32_0 = arith.constant 0 : i32
    return %arg0, %c0_i32 : i32, i32
  }
}

</mosaic_0001>

<sc_bundles>
// kernel: kernel.13.cloned.1.call-start
scs
__scs_entry_jumppad:
0x0: {  	(pc) =	sbr.rel $0x88, $3  }
0x1: {  	(tag) =	ssettag $0x0;
	lr =	simm.s32 $0x1  }
0x2: {  	[smem:$0x3F8D] =	sst lr;
	_ =	strace $0xD0000000  }
0x3: {  	_ = 	snop  }
0x4: {  	_ = 	snop  }
0x5: {  	_ = 	snop  }
0x6: {  	_ = 	snop  }
0x7: {  	_ = 	snop  }
__scs_overlays_trampoline_lowered:
0x8: {  	[smem:$0x3F9C] =	sst s0  }
0x9: {  	[smem:$0x3F9D] =	sst s1  }
0xa: {  	[smem:$0x3F9E] =	sst s2  }
0xb: {  	[smem:$0x3F9F] =	sst s3  }
0xc: {  	[smem:$0x3FA0] =	sst s4  }
0xd: {  	[smem:$0x3FA1] =	sst s5  }
0xe: {  	[smem:$0x3FA2] =	sst s6  }
0xf: {  	[smem:$0x3FA3] =	sst s7  }
0x10: {  	[smem:$0x3FA4] =	sst s8  }
0x11: {  	[smem:$0x3FA5] =	sst s9;
	s0 =	simm.s32 @!p0 $0x0  }
0x12: {  	s1 =	sld [smem:$0x3F8B];
	s0 =	simm.s32 @p0 $0x1  }
0x13: {  	[smem:$0x3FA6] =	sst s0;
	s0 =	simm.s32 @!p1 $0x0  }
0x14: {  	s2 =	sld [smem:$0x3F8A];
	s0 =	simm.s32 @p1 $0x1  }
0x15: {  	[smem:$0x3FA7] =	sst s0;
	s0 =	simm.s32 @!p2 $0x0  }
0x16: {  	s3 =	sld [smem:$0x3FDB];
	s0 =	simm.s32 @p2 $0x1  }
0x17: {  	s4 =	simm.s32 $0x1BF5;
	[smem:$0x3FA9] =	sst s0  }
0x18: {  	s0 =	sld [smem:$0x3F8C];
	_ =	swait.ge [sflag:s4], $0x0  }
0x19: {  	s7 =	sld [smem:$0x3F8D]  }
0x1a: {  	s8 =	sadd.s32 $0xFFFFE003, lr  }
0x1b: {  	s9 =	sadd.s32 $0xFFFFFEF7, lr;
	s5 =	simm.s32 $0xFFFFFFFF;
	p2 =	slt.u32 s8, $0xFFFFF086  }
0x1c: {  	p1 =	slt.u32 s9, $0xF7A;
	s5 =	simm.s32 @!p2 $0x0  }
0x1d: {  	s5 =	simm.s32 @p1 $0x1;
	p0 =	seq.s32 s7, s2  }
0x1e: {  	s7 =	smul.u32 @!p0 $0xF7A, s2;
	p2 =	seq.s32 @!p0 s5, $0x0  }
0x1f: {  	s9 =	smul.u32 $0xF7A, s1;
	s8 =	simm.s32 @!p0 $0x1BF5;
	p2 =	por !p2, p0  }
0x20: {  	[sflag:s8] =	ssyncset.s32 @!p0 $0xFFFFF086;
	s6 =	sadd.s32 @!p0 s3, s7;
	s7 =	simm.s32 @!p0 $0x108  }
0x21: {  	s3 =	sadd.s32 s3, s9;
	s6 =	sadd.s32 @!p0 $0x88, s6;
	s7 =	simm.s32 @p2 $0x1082  }
0x22: {  	[simem:s7], [sflag:s8] =	dma.local @!p0 [hbm:s6], $0xF7A  }
0x23: {  	s9 =	sor.u32 $0xD0000000, s2;
	s6 =	simm.s32 $0x108;
	_ =	swait.ge @!p0 [sflag:s8], $0x0  }
0x24: {  	s3 =	sadd.s32 $0x88, s3;
	s6 =	simm.s32 @!p1 $0x1082;
	[sflag:s4] =	ssyncset.s32 $0xFFFFF086  }
0x25: {  	[simem:s6], [sflag:s4] =	dma.local [hbm:s3], $0xF7A  }
0x26: {  	[smem:$0x3F8D] =	sst s1;
	(tag) =	ssettag s2;
	_ =	strace s9  }
0x27: {  	s1 =	sld [smem:$0x3F9D]  }
0x28: {  	s2 =	sld [smem:$0x3F9E]  }
0x29: {  	s4 =	sld [smem:$0x3FA0]  }
0x2a: {  	p0 =	seq.s32 s5, $0x0;
	s5 =	sld [smem:$0x3FA1]  }
0x2b: {  	s6 =	sld [smem:$0x3FA2]  }
0x2c: {  	s7 =	sld [smem:$0x3FA3]  }
0x2d: {  	s3 =	simm.s32 $0x108;
	s8 =	sld [smem:$0x3FA4]  }
0x2e: {  	s3 =	simm.s32 @!p0 $0x1082;
	s9 =	sld [smem:$0x3FA5]  }
0x2f: {  	lr =	sadd.s32 s0, s3;
	s0 =	sld [smem:$0x3F9C]  }
0x30: {  	s3 =	sld [smem:$0x3F9F]  }
0x31: {  	[smem:$0x3FA8] =	sst s10  }
0x32: {  	s10 =	sld [smem:$0x3FA6];
	_ =	sdelay $0x3  }
0x33: {  	p0 =	seq.s32 s10, $0x1;
	s10 =	sld [smem:$0x3FA8];
	_ =	sdelay $0x3  }
0x34: {  	[smem:$0x3FA8] =	sst s10  }
0x35: {  	s10 =	sld [smem:$0x3FA7];
	_ =	sdelay $0x3  }
0x36: {  	p1 =	seq.s32 s10, $0x1;
	s10 =	sld [smem:$0x3FA8];
	_ =	sdelay $0x3  }
0x37: {  	[smem:$0x3FA8] =	sst s10  }
0x38: {  	s10 =	sld [smem:$0x3FA9]  }
0x39: {  	_ = 	snop;
	(pc) =	sbr.ind lr, $3  }
0x3a: {  	_ = 	snop  }
0x3b: {  	_ = 	snop  }
0x3c: {  	p2 =	seq.s32 s10, $0x1;
	s10 =	sld [smem:$0x3FA8]  }
0x3d: {  	_ =	shalt  }
0x3e: {  	_ =	shalt  }
0x3f: {  	_ =	shalt  }
0x40: {  	_ =	shalt  }
0x41: {  	_ =	shalt  }
0x42: {  	_ =	shalt  }
0x43: {  	_ =	shalt  }
0x44: {  	_ =	shalt  }
0x45: {  	_ =	shalt  }
0x46: {  	_ =	shalt  }
0x47: {  	_ =	shalt  }
0x48: {  	_ =	shalt  }
0x49: {  	_ =	shalt  }
0x4a: {  	_ =	shalt  }
0x4b: {  	_ =	shalt  }
0x4c: {  	_ =	shalt  }
0x4d: {  	_ =	shalt  }
0x4e: {  	_ =	shalt  }
0x4f: {  	_ =	shalt  }
0x50: {  	_ =	shalt  }
0x51: {  	_ =	shalt  }
0x52: {  	_ =	shalt  }
0x53: {  	_ =	shalt  }
0x54: {  	_ =	shalt  }
0x55: {  	_ =	shalt  }
0x56: {  	_ =	shalt  }
0x57: {  	_ =	shalt  }
0x58: {  	_ =	shalt  }
0x59: {  	_ =	shalt  }
0x5a: {  	_ =	shalt  }
0x5b: {  	_ =	shalt  }
0x5c: {  	_ =	shalt  }
0x5d: {  	_ =	shalt  }
0x5e: {  	_ =	shalt  }
0x5f: {  	_ =	shalt  }
0x60: {  	_ =	shalt  }
0x61: {  	_ =	shalt  }
0x62: {  	_ =	shalt  }
0x63: {  	_ =	shalt  }
0x64: {  	_ =	shalt  }
0x65: {  	_ =	shalt  }
0x66: {  	_ =	shalt  }
0x67: {  	_ =	shalt  }
0x68: {  	_ =	shalt  }
0x69: {  	_ =	shalt  }
0x6a: {  	_ =	shalt  }
0x6b: {  	_ =	shalt  }
0x6c: {  	_ =	shalt  }
0x6d: {  	_ =	shalt  }
0x6e: {  	_ =	shalt  }
0x6f: {  	_ =	shalt  }
0x70: {  	_ =	shalt  }
0x71: {  	_ =	shalt  }
0x72: {  	_ =	shalt  }
0x73: {  	_ =	shalt  }
0x74: {  	_ =	shalt  }
0x75: {  	_ =	shalt  }
0x76: {  	_ =	shalt  }
0x77: {  	_ =	shalt  }
0x78: {  	_ =	shalt  }
0x79: {  	_ =	shalt  }
0x7a: {  	_ =	shalt  }
0x7b: {  	_ =	shalt  }
0x7c: {  	_ =	shalt  }
0x7d: {  	_ =	shalt  }
0x7e: {  	_ =	shalt  }
0x7f: {  	_ =	shalt  }
0x80: {  	_ =	shalt  }
0x81: {  	_ =	shalt  }
0x82: {  	_ =	shalt  }
0x83: {  	_ =	shalt  }
0x84: {  	_ =	shalt  }
0x85: {  	_ =	shalt  }
0x86: {  	_ =	shalt  }
0x87: {  	_ =	shalt  }
.Lfunc_end0:
.L_simem_size_0:
called_computation_lowered:
.L_overlay_start_0:
0x88: {  	s2 =	sld [smem:$0x3FD9]  }
0x89: {  	s3 =	sld [smem:$0x3FFE];
	_ =	sdelay $0x1  }
0x8a: {  	s1 =	srdreg.scid  }
0x8b: {  	s0 =	sand.u32 $0x1, s1  }
0x8c: {  	s14 =	sshll.u32 s0, $0xA;
	s2 =	sadd.s32 s3, s2  }
0x8d: {  	s2 =	sadd.s32 s2, s14  }
0x8e: {  	[smem:$0x3FB4] =	sst s2  }
0x8f: {  	_ = 	snop  }
0x90: {  	s2 =	sld [smem:$0x3FD0];
	_ =	sdelay $0x2  }
0x91: {  	s4 =	simm.s32 $0xE;
	s5 =	simm.s32 $0x10;
	s15 =	sld [smem:$0x3FC9]  }
0x92: {  	[smem:s5], [sflag:s4] =	dma.local [hbm:s2], $0x1  }
0x93: {  	_ =	swait.eq [sflag:s4], $0x1  }
0x94: {  	[sflag:s4] =	ssyncset.done $0x0  }
0x95: {  	s16 =	sld [smem:$0x10];
	[sflag:s4] =	ssyncadd.s32 $0xFFFFFFFF  }
0x96: {  	s17 =	sld [smem:$0x11];
	(tm) =	ssettm $0x1  }
0x97: {  	s18 =	sld [smem:$0x3FFB];
	_ =	sdelay $0x3  }
0x98: {  	_ =	strace s18  }
0x99: {  	s5 =	sld [smem:$0x3FFC];
	_ =	sdelay $0x3  }
0x9a: {  	_ =	strace s5  }
0x9b: {  	s5 =	sld [smem:$0x3FFD];
	_ =	sdelay $0x3  }
0x9c: {  	_ =	strace s5  }
0x9d: {  	_ =	strace $0x8FFFFFFF  }
0x9e: {  	s19 =	sld [smem:$0x3FDB];
	_ =	sdelay $0x1  }
0x9f: {  	s6 =	simm.s32 $_scs_section_size  }
0xa0: {  	s7 =	simm.s32 $_size__tile_overlayer_lowered;
	s8 =	simm.s32 $_tile_overlayer_lowered  }
0xa1: {  	s22 =	simm.s32 $0x1BFF;
	s21 =	sshll.u32 s8, $0x1;
	s5 =	sadd.s32 s6, s19  }
0xa2: {  	s9 =	simm.s32 $0x0;
	s20 =	sshll.u32 s7, $0x1;
	s7 =	sadd.s32 s21, s5  }
0xa3: {  	[timem:s9], [sflag:s22] =	dma.local [hbm:s7], s20  }
0xa4: {  	_ =	swait.ge [sflag:s22], s20  }
0xa5: {  	s6 =	ssub.s32 $0x0, s20;
	[sflag:s22] =	ssyncset.done $0x0  }
0xa6: {  	[sflag:s22] =	ssyncadd.s32 s6;
	_ =	sdelay $0x1  }
0xa7: {  	s23 =	simm.s32 $0x1B8B  }
0xa8: {  	_ =	swait.ge [sflag:s23], $0x1  }
0xa9: {  	[sflag:s23] =	ssyncset.done $0x0  }
0xaa: {  	s25 =	simm.s32 $0x1B8E;
	s24 =	sld [smem:$0x3FFE];
	[sflag:s23] =	ssyncadd.s32 $0xFFFFFFFF  }
0xab: {  	s26 =	simm.s32 $execute0_lowered;
	[smem:$0x3FD2] =	sst s25  }
0xac: {  	s7 =	sshll.u32 s26, $0x1;
	_ =	strace $0x80000046;
	[dreg:$0x1] =	wrdreg $0xFFFFFFFF  }
0xad: {  	s28 =	simm.s32 $_size_execute0_lowered;
	s5 =	sadd.s32 s5, s7;
	[dreg:$0x0] =	wrdreg $0x0  }
0xae: {  	s7 =	sshll.u32 s28, $0x1;
	[dreg:$0x2] =	wrdreg s5  }
0xaf: {  	[dreg:$0x3] =	wrdreg s7  }
0xb0: {  	[dreg:$0x4] =	wrdreg $0xC0  }
0xb1: {  	_ =	task [dreg:s9], $0x5FFFF  }
0xb2: {  	[dreg:$0x1] =	wrdreg $0xFFFFFFFF  }
0xb3: {  	[dreg:$0x0] =	wrdreg $0x60  }
0xb4: {  	[dreg:$0x2] =	wrdreg s15  }
0xb5: {  	[dreg:$0x3] =	wrdreg s17  }
0xb6: {  	[dreg:$0x4] =	wrdreg s16  }
0xb7: {  	[dreg:$0x5] =	wrdreg s24  }
0xb8: {  	[dreg:$0x6] =	wrdreg $0x9  }
0xb9: {  	_ =	task.clear_ibuf [dreg:s9], $0x7FFFF;
	_ =	strace $0x90000046  }
0xba: {  	s29 =	simm.s32 $0x9;
	_ =	strace $0x80000048  }
0xbb: {  	_ =	swait.ge [sflag:s29], $0x1  }
0xbc: {  	[sflag:s29] =	ssyncadd.s32 $0xFFFFFFFF  }
0xbd: {  	_ =	strace $0x90000048  }
0xbe: {  	_ =	sfence  }
0xbf: {  	s30 =	sld [smem:$0x0];
	_ =	sdelay $0x2  }
0xc0: {  	s31 =	sshll.u32 s1, $0xD;
	s1 =	sshrl.u32 s1, $0x2  }
0xc1: {  	s3 =	sand.u32 $0x4000, s31;
	s1 =	sadd.s32 s1, s30  }
0xc2: {  	s0 =	sor.u32 s3, s0;
	s1 =	sshll.u32 s1, $0x11  }
0xc3: {  	s0 =	sor.u32 s1, s0  }
0xc4: {  	s0 =	sadd.s32 $0x8F2B, s0  }
0xc5: {  	[sflag:s0] =	ssyncadd.remote.s32 $0x1  }
0xc6: {  	_ =	sfence.sel $0xFFFF  }
0xc7: {  	[dreg:$0x0] =	wrdreg $0xFFFFFFFF;
	(pc) =	sbr.abs _section_cstart, $3  }
0xc8: {  	[dreg:$0x1] =	wrdreg $0xFFFFFFFF  }
0xc9: {  	_ =	task.clear_ibuf [dreg:s9], $0x2FFFF;
	_ =	strace $0x9FFFFFFF  }
0xca: {  	(tm) =	ssettm $0x7FFFFFFF  }
0xcb: {  	_ =	shalt  }
tec
execute0_lowered:
.L_overlay_start_1:
0x0: {  	(tag) =	ssettag $0x1  }
0x1: {  	s1 =	rddreg [dreg:$0x0]  }
0x2: {  	s2 =	rddreg [dreg:$0x1]  }
0x3: {  	s3 =	rddreg [dreg:$0x2]  }
0x4: {  	s6 =	rddreg [dreg:$0x3];
	s4 =	srdreg.scid  }
0x5: {  	s0 =	rddreg [dreg:$0x4];
	s5 =	simm.s32 $0x0;
	s13 =	simm.s32 $0x80  }
0x6: {  	s14 =	simm.s32 $0x4100;
	s15 =	simm.s32 $0x1;
	s16 =	simm.s32 $0x2  }
0x7: {  	s17 =	simm.s32 $0x0;
	s7 =	sand.u32 $0x1, s4;
	[smem:$0x7FF] =	sst s5  }
0x8: {  	s4 =	stileid.u32;
	s8 =	ssub.s32 $0x2, s7;
	_ =	strace $0x80000047  }
0x9: {  	s10 =	sshll.u32 s4, $0x1;
	s11 =	sshll.u32 s4, $0xC;
	s30 =	sshll.u32 s4, $0x8  }
0xa: {  	s31 =	sshll.u32 s7, $0x7;
	s12 =	sshll.u32 s7, $0xB;
	s9 =	sshrl.u32 s8, $0x1  }
0xb: {  	s26 =	sor.u32 s10, s7;
	s28 =	sadd.s32 s11, s6;
	s11 =	simm.s32 $0x3  }
0xc: {  	s8 =	ssub.s32 s8, s9;
	s29 =	ssub.s32 $0x119, s26;
	s10 =	sadd.s32 s12, s28  }
0xd: {  	s12 =	simm.s32 $0x4080;
	s6 =	smax.u32 s8, $0x1;
	s7 =	sshrl.u32 s29, $0x5  }
0xe: {  	s8 =	sor.u32 s31, s30;
	s9 =	sadd.s32 $0xD200, s10;
	s10 =	sadd.s32 $0x8A200, s10  }
.LBB2_1:
0xf: {  	p1 =	sne.s32 s7, $0x1  }
.Ltmp0:
0x10: {  	_ = 	snop;
	(pc) =	sbr.rel @!p1 .LBB2_2-.Ltmp0, $2  }
0x11: {  	_ =	sdelay $0x2  }
0x12: {  	s18 =	sadd.s32 $0xFFFFFFFF, s7;
	s22 =	sshrl.u32 s8, $0x3;
	p0 =	por $0x0, $0x0  }
0x13: {  	s19 =	sadd.s32 s2, s22  }
0x14: {  	[tilespmem:s5], [sflag:$0x3] =	stream.linear.gather [hbm4b:s19+s5], $0x80, $0x38;
	[tilespmem:$0x8100] =	vst v63  }
0x15: {  	_ =	swait.ge [sflag:s11], $0x80  }
0x16: {  	[sflag:s11] =	ssyncset.done $0x0  }
0x17: {  	s31 =	sadd.s32 s3, s22;
	[sflag:s11] =	ssyncadd.s32 $0xFFFFFF80  }
0x18: {  	[tilespmem:s12], [sflag:$0x3] =	stream.linear.gather [hbm4b:s31+s5], $0x80, $0x38;
	[tilespmem:$0x8100] =	vst v63  }
0x19: {  	_ =	swait.ge [sflag:s11], $0x80  }
0x1a: {  	[sflag:s11] =	ssyncset.done $0x0  }
0x1b: {  	[sflag:s11] =	ssyncadd.s32 $0xFFFFFF80  }
0x1c: {  	[tilespmem:s13], [sflag:$0x1] =	stream.indirect.gather [hbm4b:s1+s13], $0x80, s5, s13, $0xb8;
	[tilespmem:$0x8100] =	vst v63  }
0x1d: {  	_ = 	snop  }
0x1e: {  	[tilespmem:s14], [sflag:$0x2] =	stream.indirect.gather [hbm4b:s1+s13], $0x80, s12, s13, $0xb8;
	[tilespmem:$0x8100] =	vst v63  }
0x1f: {  	_ =	swait.ge [sflag:s15], $0x4000  }
0x20: {  	[sflag:s15] =	ssyncset.done $0x0  }
0x21: {  	[sflag:s15] =	ssyncadd.s32 $0xFFFFC000  }
0x22: {  	_ =	swait.ge [sflag:s16], $0x4000  }
0x23: {  	[sflag:s16] =	ssyncset.done $0x0  }
0x24: {  	[sflag:s16] =	ssyncadd.s32 $0xFFFFC000  }
0x25: {  	[hbm4b:s9+s5] =	stream.linear.scatter [tilespmem:s13], [sflag:$0x3], $0x4000, $0x38;
	[tilespmem:$0x8100] =	vst v63  }
0x26: {  	p1 =	sne.s32 s18, $0x1;
	_ =	swait.ge [sflag:s11], $0x4000  }
.Ltmp1:
0x27: {  	[sflag:s11] =	ssyncset.done $0x0;
	(pc) =	sbr.rel @!p1 .LBB2_4-.Ltmp1, $4  }
0x28: {  	s20 =	sadd.s32 $0x1000, s8;
	s21 =	sadd.s32 $0xFFFFFFFF, s18;
	[sflag:s11] =	ssyncadd.s32 $0xFFFFC000  }
0x29: {  	[hbm4b:s10+s5] =	stream.linear.scatter [tilespmem:s14], [sflag:$0x3], $0x4000, $0x38;
	[tilespmem:$0x8100] =	vst v63  }
0x2a: {  	s18 =	sadd.s32 $0x10000, s10;
	p0 =	por $0x1, $0x1;
	_ =	swait.ge [sflag:s11], $0x4000  }
0x2b: {  	s22 =	sshrl.u32 s20, $0x3;
	s19 =	smov.u32 s9;
	[sflag:s11] =	ssyncset.done $0x0  }
.LBB2_5:
0x2c: {  	s23 =	sadd.s32 s2, s22;
	[sflag:s11] =	ssyncadd.s32 $0xFFFFC000;
	s19 =	sadd.s32 $0x10000, s19  }
0x2d: {  	[tilespmem:s5], [sflag:$0x3] =	stream.linear.gather [hbm4b:s23+s5], $0x80, $0x38;
	[tilespmem:$0x8100] =	vst v63  }
0x2e: {  	p1 =	sne.s32 s21, $0x1;
	s21 =	sadd.s32 $0xFFFFFFFF, s21;
	_ =	swait.ge [sflag:s11], $0x80  }
0x2f: {  	[sflag:s11] =	ssyncset.done $0x0  }
0x30: {  	s22 =	sadd.s32 s3, s22;
	[sflag:s11] =	ssyncadd.s32 $0xFFFFFF80  }
0x31: {  	[tilespmem:s12], [sflag:$0x3] =	stream.linear.gather [hbm4b:s22+s5], $0x80, $0x38;
	[tilespmem:$0x8100] =	vst v63  }
0x32: {  	_ =	swait.ge [sflag:s11], $0x80  }
0x33: {  	[sflag:s11] =	ssyncset.done $0x0  }
0x34: {  	[sflag:s11] =	ssyncadd.s32 $0xFFFFFF80  }
0x35: {  	[tilespmem:s13], [sflag:$0x1] =	stream.indirect.gather [hbm4b:s1+s13], $0x80, s5, s13, $0xb8;
	[tilespmem:$0x8100] =	vst v63  }
0x36: {  	_ = 	snop  }
0x37: {  	[tilespmem:s14], [sflag:$0x2] =	stream.indirect.gather [hbm4b:s1+s13], $0x80, s12, s13, $0xb8;
	[tilespmem:$0x8100] =	vst v63  }
0x38: {  	_ =	swait.ge [sflag:s15], $0x4000  }
0x39: {  	[sflag:s15] =	ssyncset.done $0x0  }
0x3a: {  	[sflag:s15] =	ssyncadd.s32 $0xFFFFC000  }
0x3b: {  	_ =	swait.ge [sflag:s16], $0x4000  }
0x3c: {  	[sflag:s16] =	ssyncset.done $0x0  }
0x3d: {  	[sflag:s16] =	ssyncadd.s32 $0xFFFFC000  }
0x3e: {  	[hbm4b:s19+s5] =	stream.linear.scatter [tilespmem:s13], [sflag:$0x3], $0x4000, $0x38;
	[tilespmem:$0x8100] =	vst v63  }
0x3f: {  	_ =	swait.ge [sflag:s11], $0x4000  }
.Ltmp2:
0x40: {  	[sflag:s11] =	ssyncset.done $0x0;
	(pc) =	sbr.rel @p1 .LBB2_5-.Ltmp2, $4  }
0x41: {  	[sflag:s11] =	ssyncadd.s32 $0xFFFFC000  }
0x42: {  	[hbm4b:s18+s5] =	stream.linear.scatter [tilespmem:s14], [sflag:$0x3], $0x4000, $0x38;
	[tilespmem:$0x8100] =	vst v63  }
0x43: {  	s20 =	sadd.s32 $0x1000, s20;
	_ =	swait.ge [sflag:s11], $0x4000  }
0x44: {  	s22 =	sshrl.u32 s20, $0x3;
	s18 =	sadd.s32 $0x10000, s18;
	[sflag:s11] =	ssyncset.done $0x0  }
.LBB2_6:
0x45: {  	s20 =	sadd.s32 s2, s22;
	[sflag:s11] =	ssyncadd.s32 @p0 $0xFFFFC000  }
0x46: {  	[tilespmem:s5], [sflag:$0x3] =	stream.linear.gather [hbm4b:s20+s5], $0x80, $0x38;
	[tilespmem:$0x8100] =	vst v63  }
0x47: {  	_ =	swait.ge [sflag:s11], $0x80  }
0x48: {  	[sflag:s11] =	ssyncset.done $0x0  }
0x49: {  	s31 =	sadd.s32 s3, s22;
	[sflag:s11] =	ssyncadd.s32 $0xFFFFFF80  }
0x4a: {  	[tilespmem:s12], [sflag:$0x3] =	stream.linear.gather [hbm4b:s31+s5], $0x80, $0x38;
	[tilespmem:$0x8100] =	vst v63  }
0x4b: {  	_ =	swait.ge [sflag:s11], $0x80  }
0x4c: {  	[sflag:s11] =	ssyncset.done $0x0  }
0x4d: {  	[sflag:s11] =	ssyncadd.s32 $0xFFFFFF80  }
0x4e: {  	[tilespmem:s13], [sflag:$0x1] =	stream.indirect.gather [hbm4b:s1+s13], $0x80, s5, s13, $0xb8;
	[tilespmem:$0x8100] =	vst v63  }
0x4f: {  	_ = 	snop  }
0x50: {  	[tilespmem:s14], [sflag:$0x2] =	stream.indirect.gather [hbm4b:s1+s13], $0x80, s12, s13, $0xb8;
	[tilespmem:$0x8100] =	vst v63  }
0x51: {  	_ =	swait.ge [sflag:s15], $0x4000  }
0x52: {  	[sflag:s15] =	ssyncset.done $0x0  }
0x53: {  	[sflag:s15] =	ssyncadd.s32 $0xFFFFC000  }
0x54: {  	_ =	swait.ge [sflag:s16], $0x4000  }
0x55: {  	s19 =	sadd.s32 @p0 $0x10000, s19;
	s20 =	smov.u32 s9;
	[sflag:s16] =	ssyncset.done $0x0  }
0x56: {  	s20 =	smov.u32 @p0 s19;
	[sflag:s16] =	ssyncadd.s32 $0xFFFFC000  }
0x57: {  	[hbm4b:s20+s5] =	stream.linear.scatter [tilespmem:s13], [sflag:$0x3], $0x4000, $0x38;
	[tilespmem:$0x8100] =	vst v63  }
0x58: {  	_ =	swait.ge [sflag:s11], $0x4000  }
0x59: {  	s17 =	sadd.s32 $0x1, s17;
	[sflag:s11] =	ssyncset.done $0x0  }
0x5a: {  	p0 =	sne.s32 s17, s6;
	[sflag:s11] =	ssyncadd.s32 $0xFFFFC000  }
0x5b: {  	[hbm4b:s18+s5] =	stream.linear.scatter [tilespmem:s14], [sflag:$0x3], $0x4000, $0x38;
	[tilespmem:$0x8100] =	vst v63  }
.Ltmp3:
0x5c: {  	_ = 	snop;
	(pc) =	sbr.rel @p0 .LBB2_1-.Ltmp3, $4  }
.Ltmp4:
0x5d: {  	_ = 	snop;
	(pc) =	sbr.rel @!p0 .LBB2_7-.Ltmp4, $4  }
0x5e: {  	_ =	swait.ge [sflag:s11], $0x4000  }
0x5f: {  	[sflag:s11] =	ssyncset.done $0x0  }
0x60: {  	[sflag:s11] =	ssyncadd.s32 $0xFFFFC000  }
0x61: {  	_ = 	snop  }
.LBB2_2:
.Ltmp5:
0x62: {  	(pc) =	sbr.rel .LBB2_6-.Ltmp5, $2  }
0x63: {  	_ =	sdelay $0x2  }
0x64: {  	s19 =	smov.u32 s9;
	s18 =	smov.u32 s10  }
.LBB2_4:
.Ltmp6:
0x65: {  	(pc) =	sbr.rel .LBB2_6-.Ltmp6, $2  }
0x66: {  	_ =	sdelay $0x2  }
0x67: {  	s19 =	smov.u32 s9  }
.LBB2_7:
0x68: {  	_ =	sfence.sel $0x180000  }
0x69: {  	[bflag:$0x0] =	sbarrier.arrive $0xFFFF  }
0x6a: {  	p0 =	sne.s32 s4, $0x0;
	_ =	strace $0x90000047  }
0x6b: {  	s0 =	sadd.s32 @!p0 $0x100000, s0;
	[bflag:$0x2] =	sbarrier.arrive $0xFFFF  }
0x6c: {  	[sflag:s0] =	ssyncadd.tile.s32 @!p0 $0x1;
	_ =	shalt  }
.Lfunc_end2:
_tile_overlayer_lowered:
.L_overlay_start_2:
0x6d: {  	(tag) =	ssettag $0x2  }
0x6e: {  	s0 =	rddreg [dreg:$0x0];
	s2 =	stileid.u32  }
0x6f: {  	s1 =	rddreg [dreg:$0x1];
	p0 =	sne.s32 s2, $0x0  }
0x70: {  	s3 =	rddreg [dreg:$0x2];
	[bflag:$0x3] =	sbarrier.arrive $0xFFFF;
	s2 =	simm.s32 @!p0 $0x1C03  }
0x71: {  	[timem:s3], [sflag:s2] =	dma.local @!p0 [hbm:s0], s1  }
0x72: {  	s0 =	simm.s32 @!p0 $0x3  }
0x73: {  	_ =	swait.ge @!p0 [sflag:s0], s1  }
0x74: {  	s1 =	ssub.s32 @!p0 $0x0, s1;
	[sflag:s0] =	ssyncset.done @!p0 $0x0  }
0x75: {  	[sflag:s0] =	ssyncadd.s32 @!p0 s1  }
0x76: {  	[bflag:$0x3] =	sbarrier.arrive $0xFFFF  }
0x77: {  	_ =	shalt  }

// kernel: kernel.16.cloned.1.call-start
scs
__scs_entry_jumppad:
0x0: {  	(pc) =	sbr.rel $0x88, $3  }
0x1: {  	(tag) =	ssettag $0x0;
	lr =	simm.s32 $0x1  }
0x2: {  	[smem:$0x3F8D] =	sst lr;
	_ =	strace $0xD0000000  }
0x3: {  	_ = 	snop  }
0x4: {  	_ = 	snop  }
0x5: {  	_ = 	snop  }
0x6: {  	_ = 	snop  }
0x7: {  	_ = 	snop  }
__scs_overlays_trampoline_lowered:
0x8: {  	[smem:$0x3F9C] =	sst s0  }
0x9: {  	[smem:$0x3F9D] =	sst s1  }
0xa: {  	[smem:$0x3F9E] =	sst s2  }
0xb: {  	[smem:$0x3F9F] =	sst s3  }
0xc: {  	[smem:$0x3FA0] =	sst s4  }
0xd: {  	[smem:$0x3FA1] =	sst s5  }
0xe: {  	[smem:$0x3FA2] =	sst s6  }
0xf: {  	[smem:$0x3FA3] =	sst s7  }
0x10: {  	[smem:$0x3FA4] =	sst s8  }
0x11: {  	[smem:$0x3FA5] =	sst s9;
	s0 =	simm.s32 @!p0 $0x0  }
0x12: {  	s1 =	sld [smem:$0x3F8B];
	s0 =	simm.s32 @p0 $0x1  }
0x13: {  	[smem:$0x3FA6] =	sst s0;
	s0 =	simm.s32 @!p1 $0x0  }
0x14: {  	s2 =	sld [smem:$0x3F8A];
	s0 =	simm.s32 @p1 $0x1  }
0x15: {  	[smem:$0x3FA7] =	sst s0;
	s0 =	simm.s32 @!p2 $0x0  }
0x16: {  	s3 =	sld [smem:$0x3FDB];
	s0 =	simm.s32 @p2 $0x1  }
0x17: {  	s4 =	simm.s32 $0x1BF5;
	[smem:$0x3FA9] =	sst s0  }
0x18: {  	s0 =	sld [smem:$0x3F8C];
	_ =	swait.ge [sflag:s4], $0x0  }
0x19: {  	s7 =	sld [smem:$0x3F8D]  }
0x1a: {  	s8 =	sadd.s32 $0xFFFFE003, lr  }
0x1b: {  	s9 =	sadd.s32 $0xFFFFFEF7, lr;
	s5 =	simm.s32 $0xFFFFFFFF;
	p2 =	slt.u32 s8, $0xFFFFF086  }
0x1c: {  	p1 =	slt.u32 s9, $0xF7A;
	s5 =	simm.s32 @!p2 $0x0  }
0x1d: {  	s5 =	simm.s32 @p1 $0x1;
	p0 =	seq.s32 s7, s2  }
0x1e: {  	s7 =	smul.u32 @!p0 $0xF7A, s2;
	p2 =	seq.s32 @!p0 s5, $0x0  }
0x1f: {  	s9 =	smul.u32 $0xF7A, s1;
	s8 =	simm.s32 @!p0 $0x1BF5;
	p2 =	por !p2, p0  }
0x20: {  	[sflag:s8] =	ssyncset.s32 @!p0 $0xFFFFF086;
	s6 =	sadd.s32 @!p0 s3, s7;
	s7 =	simm.s32 @!p0 $0x108  }
0x21: {  	s3 =	sadd.s32 s3, s9;
	s6 =	sadd.s32 @!p0 $0x88, s6;
	s7 =	simm.s32 @p2 $0x1082  }
0x22: {  	[simem:s7], [sflag:s8] =	dma.local @!p0 [hbm:s6], $0xF7A  }
0x23: {  	s9 =	sor.u32 $0xD0000000, s2;
	s6 =	simm.s32 $0x108;
	_ =	swait.ge @!p0 [sflag:s8], $0x0  }
0x24: {  	s3 =	sadd.s32 $0x88, s3;
	s6 =	simm.s32 @!p1 $0x1082;
	[sflag:s4] =	ssyncset.s32 $0xFFFFF086  }
0x25: {  	[simem:s6], [sflag:s4] =	dma.local [hbm:s3], $0xF7A  }
0x26: {  	[smem:$0x3F8D] =	sst s1;
	(tag) =	ssettag s2;
	_ =	strace s9  }
0x27: {  	s1 =	sld [smem:$0x3F9D]  }
0x28: {  	s2 =	sld [smem:$0x3F9E]  }
0x29: {  	s4 =	sld [smem:$0x3FA0]  }
0x2a: {  	p0 =	seq.s32 s5, $0x0;
	s5 =	sld [smem:$0x3FA1]  }
0x2b: {  	s6 =	sld [smem:$0x3FA2]  }
0x2c: {  	s7 =	sld [smem:$0x3FA3]  }
0x2d: {  	s3 =	simm.s32 $0x108;
	s8 =	sld [smem:$0x3FA4]  }
0x2e: {  	s3 =	simm.s32 @!p0 $0x1082;
	s9 =	sld [smem:$0x3FA5]  }
0x2f: {  	lr =	sadd.s32 s0, s3;
	s0 =	sld [smem:$0x3F9C]  }
0x30: {  	s3 =	sld [smem:$0x3F9F]  }
0x31: {  	[smem:$0x3FA8] =	sst s10  }
0x32: {  	s10 =	sld [smem:$0x3FA6];
	_ =	sdelay $0x3  }
0x33: {  	p0 =	seq.s32 s10, $0x1;
	s10 =	sld [smem:$0x3FA8];
	_ =	sdelay $0x3  }
0x34: {  	[smem:$0x3FA8] =	sst s10  }
0x35: {  	s10 =	sld [smem:$0x3FA7];
	_ =	sdelay $0x3  }
0x36: {  	p1 =	seq.s32 s10, $0x1;
	s10 =	sld [smem:$0x3FA8];
	_ =	sdelay $0x3  }
0x37: {  	[smem:$0x3FA8] =	sst s10  }
0x38: {  	s10 =	sld [smem:$0x3FA9]  }
0x39: {  	_ = 	snop;
	(pc) =	sbr.ind lr, $3  }
0x3a: {  	_ = 	snop  }
0x3b: {  	_ = 	snop  }
0x3c: {  	p2 =	seq.s32 s10, $0x1;
	s10 =	sld [smem:$0x3FA8]  }
0x3d: {  	_ =	shalt  }
0x3e: {  	_ =	shalt  }
0x3f: {  	_ =	shalt  }
0x40: {  	_ =	shalt  }
0x41: {  	_ =	shalt  }
0x42: {  	_ =	shalt  }
0x43: {  	_ =	shalt  }
0x44: {  	_ =	shalt  }
0x45: {  	_ =	shalt  }
0x46: {  	_ =	shalt  }
0x47: {  	_ =	shalt  }
0x48: {  	_ =	shalt  }
0x49: {  	_ =	shalt  }
0x4a: {  	_ =	shalt  }
0x4b: {  	_ =	shalt  }
0x4c: {  	_ =	shalt  }
0x4d: {  	_ =	shalt  }
0x4e: {  	_ =	shalt  }
0x4f: {  	_ =	shalt  }
0x50: {  	_ =	shalt  }
0x51: {  	_ =	shalt  }
0x52: {  	_ =	shalt  }
0x53: {  	_ =	shalt  }
0x54: {  	_ =	shalt  }
0x55: {  	_ =	shalt  }
0x56: {  	_ =	shalt  }
0x57: {  	_ =	shalt  }
0x58: {  	_ =	shalt  }
0x59: {  	_ =	shalt  }
0x5a: {  	_ =	shalt  }
0x5b: {  	_ =	shalt  }
0x5c: {  	_ =	shalt  }
0x5d: {  	_ =	shalt  }
0x5e: {  	_ =	shalt  }
0x5f: {  	_ =	shalt  }
0x60: {  	_ =	shalt  }
0x61: {  	_ =	shalt  }
0x62: {  	_ =	shalt  }
0x63: {  	_ =	shalt  }
0x64: {  	_ =	shalt  }
0x65: {  	_ =	shalt  }
0x66: {  	_ =	shalt  }
0x67: {  	_ =	shalt  }
0x68: {  	_ =	shalt  }
0x69: {  	_ =	shalt  }
0x6a: {  	_ =	shalt  }
0x6b: {  	_ =	shalt  }
0x6c: {  	_ =	shalt  }
0x6d: {  	_ =	shalt  }
0x6e: {  	_ =	shalt  }
0x6f: {  	_ =	shalt  }
0x70: {  	_ =	shalt  }
0x71: {  	_ =	shalt  }
0x72: {  	_ =	shalt  }
0x73: {  	_ =	shalt  }
0x74: {  	_ =	shalt  }
0x75: {  	_ =	shalt  }
0x76: {  	_ =	shalt  }
0x77: {  	_ =	shalt  }
0x78: {  	_ =	shalt  }
0x79: {  	_ =	shalt  }
0x7a: {  	_ =	shalt  }
0x7b: {  	_ =	shalt  }
0x7c: {  	_ =	shalt  }
0x7d: {  	_ =	shalt  }
0x7e: {  	_ =	shalt  }
0x7f: {  	_ =	shalt  }
0x80: {  	_ =	shalt  }
0x81: {  	_ =	shalt  }
0x82: {  	_ =	shalt  }
0x83: {  	_ =	shalt  }
0x84: {  	_ =	shalt  }
0x85: {  	_ =	shalt  }
0x86: {  	_ =	shalt  }
0x87: {  	_ =	shalt  }
.Lfunc_end0:
.L_simem_size_0:
called_computation.1_lowered:
.L_overlay_start_0:
0x88: {  	s2 =	sld [smem:$0x3FD9]  }
0x89: {  	s3 =	sld [smem:$0x3FFE];
	_ =	sdelay $0x1  }
0x8a: {  	s1 =	srdreg.scid  }
0x8b: {  	s0 =	sand.u32 $0x1, s1  }
0x8c: {  	s17 =	sshll.u32 s0, $0xA;
	s2 =	sadd.s32 s3, s2  }
0x8d: {  	s2 =	sadd.s32 s2, s17  }
0x8e: {  	[smem:$0x3FB4] =	sst s2  }
0x8f: {  	_ = 	snop  }
0x90: {  	s18 =	sld [smem:$0x3FC9];
	(tm) =	ssettm $0x1  }
0x91: {  	s19 =	sld [smem:$0x3FFB];
	_ =	sdelay $0x3  }
0x92: {  	_ =	strace s19  }
0x93: {  	s2 =	sld [smem:$0x3FFC];
	_ =	sdelay $0x3  }
0x94: {  	_ =	strace s2  }
0x95: {  	s2 =	sld [smem:$0x3FFD];
	_ =	sdelay $0x3  }
0x96: {  	_ =	strace s2  }
0x97: {  	_ =	strace $0x8FFFFFFF  }
0x98: {  	s20 =	sld [smem:$0x3FDB];
	_ =	sdelay $0x1  }
0x99: {  	s4 =	simm.s32 $_scs_section_size  }
0x9a: {  	s5 =	simm.s32 $_size__tile_overlayer_lowered;
	s6 =	simm.s32 $_tile_overlayer_lowered  }
0x9b: {  	s7 =	simm.s32 $0x1BFF;
	s21 =	sshll.u32 s6, $0x1;
	s4 =	sadd.s32 s4, s20  }
0x9c: {  	s22 =	simm.s32 $0x0;
	s5 =	sshll.u32 s5, $0x1;
	s6 =	sadd.s32 s21, s4  }
0x9d: {  	[timem:s22], [sflag:s7] =	dma.local [hbm:s6], s5  }
0x9e: {  	_ =	swait.ge [sflag:s7], s5  }
0x9f: {  	s5 =	ssub.s32 $0x0, s5;
	[sflag:s7] =	ssyncset.done $0x0  }
0xa0: {  	[sflag:s7] =	ssyncadd.s32 s5;
	_ =	sdelay $0x1  }
0xa1: {  	s23 =	simm.s32 $0x1B8B  }
0xa2: {  	_ =	swait.ge [sflag:s23], $0x1  }
0xa3: {  	[sflag:s23] =	ssyncset.done $0x0  }
0xa4: {  	[sflag:s23] =	ssyncadd.s32 $0xFFFFFFFF  }
0xa5: {  	s5 =	sld [smem:$0x0]  }
0xa6: {  	s6 =	sand.u32 $0xFFFFFFFE, s1  }
0xa7: {  	p0 =	sne.s32 s1, s6  }
0xa8: {  	s6 =	sshll.u32 @p0 s6, $0xE  }
0xa9: {  	s6 =	sadd.s32 @p0 $0x11B8D, s6;
	s7 =	sshll.u32 @p0 s5, $0x11  }
0xaa: {  	s6 =	sor.u32 @p0 s7, s6  }
0xab: {  	[sflag:s6] =	ssyncadd.remote.s32 @p0 $0x1;
	_ =	sdelay $0x1  }
0xac: {  	s6 =	simm.s32 @p0 $0x1B8D  }
0xad: {  	_ =	swait.eq @p0 [sflag:s6], $0x1  }
0xae: {  	[sflag:s6] =	ssyncadd.s32 @p0 $0xFFFFFFFF  }
0xaf: {  	s7 =	sshll.u32 @!p0 s1, $0xE  }
0xb0: {  	s7 =	sor.u32 @!p0 $0x4000, s7;
	s6 =	simm.s32 @!p0 $0x1B8D  }
0xb1: {  	s5 =	sshll.u32 @!p0 s5, $0x11;
	s7 =	sadd.s32 @!p0 $0x11B8D, s7;
	_ =	swait.eq @!p0 [sflag:s6], $0x1  }
0xb2: {  	s5 =	sor.u32 @!p0 s5, s7;
	[sflag:s6] =	ssyncadd.s32 @!p0 $0xFFFFFFFF  }
0xb3: {  	s25 =	simm.s32 $0x1B8E;
	s24 =	sld [smem:$0x3FFE];
	[sflag:s5] =	ssyncadd.remote.s32 @!p0 $0x1  }
0xb4: {  	s26 =	simm.s32 $execute0_lowered;
	[smem:$0x3FD2] =	sst s25  }
0xb5: {  	s6 =	sshll.u32 s26, $0x1;
	_ =	strace $0x80000049;
	[dreg:$0x1] =	wrdreg $0xFFFFFFFF  }
0xb6: {  	s28 =	simm.s32 $_size_execute0_lowered;
	s4 =	sadd.s32 s4, s6;
	[dreg:$0x0] =	wrdreg $0x0  }
0xb7: {  	s6 =	sshll.u32 s28, $0x1;
	[dreg:$0x2] =	wrdreg s4  }
0xb8: {  	[dreg:$0x3] =	wrdreg s6  }
0xb9: {  	[dreg:$0x4] =	wrdreg $0xC0  }
0xba: {  	_ =	task [dreg:s22], $0x5FFFF  }
0xbb: {  	[dreg:$0x1] =	wrdreg $0xFFFFFFFF  }
0xbc: {  	[dreg:$0x0] =	wrdreg $0x60  }
0xbd: {  	[dreg:$0x2] =	wrdreg s18  }
0xbe: {  	[dreg:$0x3] =	wrdreg s24  }
0xbf: {  	[dreg:$0x4] =	wrdreg $0xA  }
0xc0: {  	_ =	task.clear_ibuf [dreg:s22], $0x5FFFF;
	_ =	strace $0x90000049  }
0xc1: {  	s29 =	simm.s32 $0xA;
	_ =	strace $0x8000004B  }
0xc2: {  	_ =	swait.ge [sflag:s29], $0x1  }
0xc3: {  	[sflag:s29] =	ssyncadd.s32 $0xFFFFFFFF  }
0xc4: {  	_ =	strace $0x9000004B  }
0xc5: {  	_ =	sfence  }
0xc6: {  	s30 =	sld [smem:$0x0];
	_ =	sdelay $0x2  }
0xc7: {  	s31 =	sshll.u32 s1, $0xD;
	s1 =	sshrl.u32 s1, $0x2  }
0xc8: {  	s4 =	sand.u32 $0x4000, s31;
	s1 =	sadd.s32 s1, s30  }
0xc9: {  	s0 =	sor.u32 s4, s0;
	s1 =	sshll.u32 s1, $0x11  }
0xca: {  	s0 =	sor.u32 s1, s0  }
0xcb: {  	s0 =	sadd.s32 $0x8F2B, s0  }
0xcc: {  	[sflag:s0] =	ssyncadd.remote.s32 $0x1  }
0xcd: {  	_ =	sfence.sel $0xFFFF  }
0xce: {  	[dreg:$0x0] =	wrdreg $0xFFFFFFFF;
	(pc) =	sbr.abs _section_cstart, $3  }
0xcf: {  	[dreg:$0x1] =	wrdreg $0xFFFFFFFF  }
0xd0: {  	_ =	task.clear_ibuf [dreg:s22], $0x2FFFF;
	_ =	strace $0x9FFFFFFF  }
0xd1: {  	(tm) =	ssettm $0x7FFFFFFF  }
tec
execute0_lowered:
.L_overlay_start_1:
0x0: {  	(tag) =	ssettag $0x1  }
0x1: {  	s1 =	rddreg [dreg:$0x0]  }
0x2: {  	s6 =	rddreg [dreg:$0x1]  }
0x3: {  	s0 =	rddreg [dreg:$0x2];
	s2 =	simm.s32 $0x0;
	s3 =	srdreg.scid  }
0x4: {  	s13 =	simm.s32 $0x80;
	s14 =	simm.s32 $0x4100;
	s15 =	simm.s32 $0x1  }
0x5: {  	s16 =	simm.s32 $0x2;
	s17 =	simm.s32 $0x0;
	[smem:$0x7FF] =	sst s2  }
0x6: {  	s7 =	sand.u32 $0x1, s3;
	s4 =	sadd.s32 $0x6200, s6;
	s3 =	stileid.u32  }
0x7: {  	s5 =	sadd.s32 $0x5200, s6;
	_ =	strace $0x8000004A;
	s8 =	ssub.s32 $0x2, s7  }
0x8: {  	s10 =	sshll.u32 s3, $0x1;
	s11 =	sshll.u32 s3, $0xC;
	s30 =	sshll.u32 s3, $0x8  }
0x9: {  	s31 =	sshll.u32 s7, $0x7;
	s12 =	sshll.u32 s7, $0xB;
	s9 =	sshrl.u32 s8, $0x1  }
0xa: {  	s26 =	sor.u32 s10, s7;
	s28 =	sadd.s32 s11, s6;
	s11 =	simm.s32 $0x3  }
0xb: {  	s8 =	ssub.s32 s8, s9;
	s29 =	ssub.s32 $0x119, s26;
	s10 =	sadd.s32 s12, s28  }
0xc: {  	s12 =	simm.s32 $0x4080;
	s6 =	smax.u32 s8, $0x1;
	s7 =	sshrl.u32 s29, $0x5  }
0xd: {  	s8 =	sor.u32 s31, s30;
	s9 =	sadd.s32 $0x107200, s10;
	s10 =	sadd.s32 $0x184200, s10  }
.LBB2_1:
0xe: {  	p1 =	sne.s32 s7, $0x1  }
.Ltmp0:
0xf: {  	_ = 	snop;
	(pc) =	sbr.rel @!p1 .LBB2_2-.Ltmp0, $2  }
0x10: {  	_ =	sdelay $0x2  }
0x11: {  	s18 =	sadd.s32 $0xFFFFFFFF, s7;
	s22 =	sshrl.u32 s8, $0x3;
	p0 =	por $0x0, $0x0  }
0x12: {  	s19 =	sadd.s32 s4, s22  }
0x13: {  	[tilespmem:s2], [sflag:$0x3] =	stream.linear.gather [hbm4b:s19+s2], $0x80, $0x38;
	[tilespmem:$0x8100] =	vst v63  }
0x14: {  	_ =	swait.ge [sflag:s11], $0x80  }
0x15: {  	[sflag:s11] =	ssyncset.done $0x0  }
0x16: {  	s31 =	sadd.s32 s5, s22;
	[sflag:s11] =	ssyncadd.s32 $0xFFFFFF80  }
0x17: {  	[tilespmem:s12], [sflag:$0x3] =	stream.linear.gather [hbm4b:s31+s2], $0x80, $0x38;
	[tilespmem:$0x8100] =	vst v63  }
0x18: {  	_ =	swait.ge [sflag:s11], $0x80  }
0x19: {  	[sflag:s11] =	ssyncset.done $0x0  }
0x1a: {  	[sflag:s11] =	ssyncadd.s32 $0xFFFFFF80  }
0x1b: {  	[tilespmem:s13], [sflag:$0x1] =	stream.indirect.gather [hbm4b:s1+s13], $0x80, s2, s13, $0xb8;
	[tilespmem:$0x8100] =	vst v63  }
0x1c: {  	_ = 	snop  }
0x1d: {  	[tilespmem:s14], [sflag:$0x2] =	stream.indirect.gather [hbm4b:s1+s13], $0x80, s12, s13, $0xb8;
	[tilespmem:$0x8100] =	vst v63  }
0x1e: {  	_ =	swait.ge [sflag:s15], $0x4000  }
0x1f: {  	[sflag:s15] =	ssyncset.done $0x0  }
0x20: {  	[sflag:s15] =	ssyncadd.s32 $0xFFFFC000  }
0x21: {  	_ =	swait.ge [sflag:s16], $0x4000  }
0x22: {  	[sflag:s16] =	ssyncset.done $0x0  }
0x23: {  	[sflag:s16] =	ssyncadd.s32 $0xFFFFC000  }
0x24: {  	[hbm4b:s9+s2] =	stream.linear.scatter [tilespmem:s13], [sflag:$0x3], $0x4000, $0x38;
	[tilespmem:$0x8100] =	vst v63  }
0x25: {  	p1 =	sne.s32 s18, $0x1;
	_ =	swait.ge [sflag:s11], $0x4000  }
.Ltmp1:
0x26: {  	[sflag:s11] =	ssyncset.done $0x0;
	(pc) =	sbr.rel @!p1 .LBB2_4-.Ltmp1, $4  }
0x27: {  	s20 =	sadd.s32 $0x1000, s8;
	s21 =	sadd.s32 $0xFFFFFFFF, s18;
	[sflag:s11] =	ssyncadd.s32 $0xFFFFC000  }
0x28: {  	[hbm4b:s10+s2] =	stream.linear.scatter [tilespmem:s14], [sflag:$0x3], $0x4000, $0x38;
	[tilespmem:$0x8100] =	vst v63  }
0x29: {  	s18 =	sadd.s32 $0x10000, s10;
	p0 =	por $0x1, $0x1;
	_ =	swait.ge [sflag:s11], $0x4000  }
0x2a: {  	s22 =	sshrl.u32 s20, $0x3;
	s19 =	smov.u32 s9;
	[sflag:s11] =	ssyncset.done $0x0  }
.LBB2_5:
0x2b: {  	s23 =	sadd.s32 s4, s22;
	[sflag:s11] =	ssyncadd.s32 $0xFFFFC000;
	s19 =	sadd.s32 $0x10000, s19  }
0x2c: {  	[tilespmem:s2], [sflag:$0x3] =	stream.linear.gather [hbm4b:s23+s2], $0x80, $0x38;
	[tilespmem:$0x8100] =	vst v63  }
0x2d: {  	p1 =	sne.s32 s21, $0x1;
	s21 =	sadd.s32 $0xFFFFFFFF, s21;
	_ =	swait.ge [sflag:s11], $0x80  }
0x2e: {  	[sflag:s11] =	ssyncset.done $0x0  }
0x2f: {  	s22 =	sadd.s32 s5, s22;
	[sflag:s11] =	ssyncadd.s32 $0xFFFFFF80  }
0x30: {  	[tilespmem:s12], [sflag:$0x3] =	stream.linear.gather [hbm4b:s22+s2], $0x80, $0x38;
	[tilespmem:$0x8100] =	vst v63  }
0x31: {  	_ =	swait.ge [sflag:s11], $0x80  }
0x32: {  	[sflag:s11] =	ssyncset.done $0x0  }
0x33: {  	[sflag:s11] =	ssyncadd.s32 $0xFFFFFF80  }
0x34: {  	[tilespmem:s13], [sflag:$0x1] =	stream.indirect.gather [hbm4b:s1+s13], $0x80, s2, s13, $0xb8;
	[tilespmem:$0x8100] =	vst v63  }
0x35: {  	_ = 	snop  }
0x36: {  	[tilespmem:s14], [sflag:$0x2] =	stream.indirect.gather [hbm4b:s1+s13], $0x80, s12, s13, $0xb8;
	[tilespmem:$0x8100] =	vst v63  }
0x37: {  	_ =	swait.ge [sflag:s15], $0x4000  }
0x38: {  	[sflag:s15] =	ssyncset.done $0x0  }
0x39: {  	[sflag:s15] =	ssyncadd.s32 $0xFFFFC000  }
0x3a: {  	_ =	swait.ge [sflag:s16], $0x4000  }
0x3b: {  	[sflag:s16] =	ssyncset.done $0x0  }
0x3c: {  	[sflag:s16] =	ssyncadd.s32 $0xFFFFC000  }
0x3d: {  	[hbm4b:s19+s2] =	stream.linear.scatter [tilespmem:s13], [sflag:$0x3], $0x4000, $0x38;
	[tilespmem:$0x8100] =	vst v63  }
0x3e: {  	_ =	swait.ge [sflag:s11], $0x4000  }
.Ltmp2:
0x3f: {  	[sflag:s11] =	ssyncset.done $0x0;
	(pc) =	sbr.rel @p1 .LBB2_5-.Ltmp2, $4  }
0x40: {  	[sflag:s11] =	ssyncadd.s32 $0xFFFFC000  }
0x41: {  	[hbm4b:s18+s2] =	stream.linear.scatter [tilespmem:s14], [sflag:$0x3], $0x4000, $0x38;
	[tilespmem:$0x8100] =	vst v63  }
0x42: {  	s20 =	sadd.s32 $0x1000, s20;
	_ =	swait.ge [sflag:s11], $0x4000  }
0x43: {  	s22 =	sshrl.u32 s20, $0x3;
	s18 =	sadd.s32 $0x10000, s18;
	[sflag:s11] =	ssyncset.done $0x0  }
.LBB2_6:
0x44: {  	s20 =	sadd.s32 s4, s22;
	[sflag:s11] =	ssyncadd.s32 @p0 $0xFFFFC000  }
0x45: {  	[tilespmem:s2], [sflag:$0x3] =	stream.linear.gather [hbm4b:s20+s2], $0x80, $0x38;
	[tilespmem:$0x8100] =	vst v63  }
0x46: {  	_ =	swait.ge [sflag:s11], $0x80  }
0x47: {  	[sflag:s11] =	ssyncset.done $0x0  }
0x48: {  	s31 =	sadd.s32 s5, s22;
	[sflag:s11] =	ssyncadd.s32 $0xFFFFFF80  }
0x49: {  	[tilespmem:s12], [sflag:$0x3] =	stream.linear.gather [hbm4b:s31+s2], $0x80, $0x38;
	[tilespmem:$0x8100] =	vst v63  }
0x4a: {  	_ =	swait.ge [sflag:s11], $0x80  }
0x4b: {  	[sflag:s11] =	ssyncset.done $0x0  }
0x4c: {  	[sflag:s11] =	ssyncadd.s32 $0xFFFFFF80  }
0x4d: {  	[tilespmem:s13], [sflag:$0x1] =	stream.indirect.gather [hbm4b:s1+s13], $0x80, s2, s13, $0xb8;
	[tilespmem:$0x8100] =	vst v63  }
0x4e: {  	_ = 	snop  }
0x4f: {  	[tilespmem:s14], [sflag:$0x2] =	stream.indirect.gather [hbm4b:s1+s13], $0x80, s12, s13, $0xb8;
	[tilespmem:$0x8100] =	vst v63  }
0x50: {  	_ =	swait.ge [sflag:s15], $0x4000  }
0x51: {  	[sflag:s15] =	ssyncset.done $0x0  }
0x52: {  	[sflag:s15] =	ssyncadd.s32 $0xFFFFC000  }
0x53: {  	_ =	swait.ge [sflag:s16], $0x4000  }
0x54: {  	s19 =	sadd.s32 @p0 $0x10000, s19;
	s20 =	smov.u32 s9;
	[sflag:s16] =	ssyncset.done $0x0  }
0x55: {  	s20 =	smov.u32 @p0 s19;
	[sflag:s16] =	ssyncadd.s32 $0xFFFFC000  }
0x56: {  	[hbm4b:s20+s2] =	stream.linear.scatter [tilespmem:s13], [sflag:$0x3], $0x4000, $0x38;
	[tilespmem:$0x8100] =	vst v63  }
0x57: {  	_ =	swait.ge [sflag:s11], $0x4000  }
0x58: {  	s17 =	sadd.s32 $0x1, s17;
	[sflag:s11] =	ssyncset.done $0x0  }
0x59: {  	p0 =	sne.s32 s17, s6;
	[sflag:s11] =	ssyncadd.s32 $0xFFFFC000  }
0x5a: {  	[hbm4b:s18+s2] =	stream.linear.scatter [tilespmem:s14], [sflag:$0x3], $0x4000, $0x38;
	[tilespmem:$0x8100] =	vst v63  }
.Ltmp3:
0x5b: {  	_ = 	snop;
	(pc) =	sbr.rel @p0 .LBB2_1-.Ltmp3, $4  }
.Ltmp4:
0x5c: {  	_ = 	snop;
	(pc) =	sbr.rel @!p0 .LBB2_7-.Ltmp4, $4  }
0x5d: {  	_ =	swait.ge [sflag:s11], $0x4000  }
0x5e: {  	[sflag:s11] =	ssyncset.done $0x0  }
0x5f: {  	[sflag:s11] =	ssyncadd.s32 $0xFFFFC000  }
0x60: {  	_ = 	snop  }
.LBB2_2:
.Ltmp5:
0x61: {  	(pc) =	sbr.rel .LBB2_6-.Ltmp5, $2  }
0x62: {  	_ =	sdelay $0x2  }
0x63: {  	s19 =	smov.u32 s9;
	s18 =	smov.u32 s10  }
.LBB2_4:
.Ltmp6:
0x64: {  	(pc) =	sbr.rel .LBB2_6-.Ltmp6, $2  }
0x65: {  	_ =	sdelay $0x2  }
0x66: {  	s19 =	smov.u32 s9  }
.LBB2_7:
0x67: {  	_ =	sfence.sel $0x180000  }
0x68: {  	[bflag:$0x0] =	sbarrier.arrive $0xFFFF  }
0x69: {  	p0 =	sne.s32 s3, $0x0;
	_ =	strace $0x9000004A  }
0x6a: {  	s0 =	sadd.s32 @!p0 $0x100000, s0;
	[bflag:$0x2] =	sbarrier.arrive $0xFFFF  }
0x6b: {  	[sflag:s0] =	ssyncadd.tile.s32 @!p0 $0x1;
	_ =	shalt  }
.Lfunc_end2:
_tile_overlayer_lowered:
.L_overlay_start_2:
0x6c: {  	(tag) =	ssettag $0x2  }
0x6d: {  	s0 =	rddreg [dreg:$0x0];
	s2 =	stileid.u32  }
0x6e: {  	s1 =	rddreg [dreg:$0x1];
	p0 =	sne.s32 s2, $0x0  }
0x6f: {  	s3 =	rddreg [dreg:$0x2];
	[bflag:$0x3] =	sbarrier.arrive $0xFFFF;
	s2 =	simm.s32 @!p0 $0x1C03  }
0x70: {  	[timem:s3], [sflag:s2] =	dma.local @!p0 [hbm:s0], s1  }
0x71: {  	s0 =	simm.s32 @!p0 $0x3  }
0x72: {  	_ =	swait.ge @!p0 [sflag:s0], s1  }
0x73: {  	s1 =	ssub.s32 @!p0 $0x0, s1;
	[sflag:s0] =	ssyncset.done @!p0 $0x0  }
0x74: {  	[sflag:s0] =	ssyncadd.s32 @!p0 s1  }
0x75: {  	[bflag:$0x3] =	sbarrier.arrive $0xFFFF  }
0x76: {  	_ =	shalt  }

// kernel: kernel.19.cloned.1.call-start
scs
__scs_entry_jumppad:
0x0: {  	(pc) =	sbr.rel $0x88, $3  }
0x1: {  	(tag) =	ssettag $0x0;
	lr =	simm.s32 $0x1  }
0x2: {  	[smem:$0x3F8D] =	sst lr;
	_ =	strace $0xD0000000  }
0x3: {  	_ = 	snop  }
0x4: {  	_ = 	snop  }
0x5: {  	_ = 	snop  }
0x6: {  	_ = 	snop  }
0x7: {  	_ = 	snop  }
__scs_overlays_trampoline_lowered:
0x8: {  	[smem:$0x3F9C] =	sst s0  }
0x9: {  	[smem:$0x3F9D] =	sst s1  }
0xa: {  	[smem:$0x3F9E] =	sst s2  }
0xb: {  	[smem:$0x3F9F] =	sst s3  }
0xc: {  	[smem:$0x3FA0] =	sst s4  }
0xd: {  	[smem:$0x3FA1] =	sst s5  }
0xe: {  	[smem:$0x3FA2] =	sst s6  }
0xf: {  	[smem:$0x3FA3] =	sst s7  }
0x10: {  	[smem:$0x3FA4] =	sst s8  }
0x11: {  	[smem:$0x3FA5] =	sst s9;
	s0 =	simm.s32 @!p0 $0x0  }
0x12: {  	s1 =	sld [smem:$0x3F8B];
	s0 =	simm.s32 @p0 $0x1  }
0x13: {  	[smem:$0x3FA6] =	sst s0;
	s0 =	simm.s32 @!p1 $0x0  }
0x14: {  	s2 =	sld [smem:$0x3F8A];
	s0 =	simm.s32 @p1 $0x1  }
0x15: {  	[smem:$0x3FA7] =	sst s0;
	s0 =	simm.s32 @!p2 $0x0  }
0x16: {  	s3 =	sld [smem:$0x3FDB];
	s0 =	simm.s32 @p2 $0x1  }
0x17: {  	s4 =	simm.s32 $0x1BF5;
	[smem:$0x3FA9] =	sst s0  }
0x18: {  	s0 =	sld [smem:$0x3F8C];
	_ =	swait.ge [sflag:s4], $0x0  }
0x19: {  	s7 =	sld [smem:$0x3F8D]  }
0x1a: {  	s8 =	sadd.s32 $0xFFFFE003, lr  }
0x1b: {  	s9 =	sadd.s32 $0xFFFFFEF7, lr;
	s5 =	simm.s32 $0xFFFFFFFF;
	p2 =	slt.u32 s8, $0xFFFFF086  }
0x1c: {  	p1 =	slt.u32 s9, $0xF7A;
	s5 =	simm.s32 @!p2 $0x0  }
0x1d: {  	s5 =	simm.s32 @p1 $0x1;
	p0 =	seq.s32 s7, s2  }
0x1e: {  	s7 =	smul.u32 @!p0 $0xF7A, s2;
	p2 =	seq.s32 @!p0 s5, $0x0  }
0x1f: {  	s9 =	smul.u32 $0xF7A, s1;
	s8 =	simm.s32 @!p0 $0x1BF5;
	p2 =	por !p2, p0  }
0x20: {  	[sflag:s8] =	ssyncset.s32 @!p0 $0xFFFFF086;
	s6 =	sadd.s32 @!p0 s3, s7;
	s7 =	simm.s32 @!p0 $0x108  }
0x21: {  	s3 =	sadd.s32 s3, s9;
	s6 =	sadd.s32 @!p0 $0x88, s6;
	s7 =	simm.s32 @p2 $0x1082  }
0x22: {  	[simem:s7], [sflag:s8] =	dma.local @!p0 [hbm:s6], $0xF7A  }
0x23: {  	s9 =	sor.u32 $0xD0000000, s2;
	s6 =	simm.s32 $0x108;
	_ =	swait.ge @!p0 [sflag:s8], $0x0  }
0x24: {  	s3 =	sadd.s32 $0x88, s3;
	s6 =	simm.s32 @!p1 $0x1082;
	[sflag:s4] =	ssyncset.s32 $0xFFFFF086  }
0x25: {  	[simem:s6], [sflag:s4] =	dma.local [hbm:s3], $0xF7A  }
0x26: {  	[smem:$0x3F8D] =	sst s1;
	(tag) =	ssettag s2;
	_ =	strace s9  }
0x27: {  	s1 =	sld [smem:$0x3F9D]  }
0x28: {  	s2 =	sld [smem:$0x3F9E]  }
0x29: {  	s4 =	sld [smem:$0x3FA0]  }
0x2a: {  	p0 =	seq.s32 s5, $0x0;
	s5 =	sld [smem:$0x3FA1]  }
0x2b: {  	s6 =	sld [smem:$0x3FA2]  }
0x2c: {  	s7 =	sld [smem:$0x3FA3]  }
0x2d: {  	s3 =	simm.s32 $0x108;
	s8 =	sld [smem:$0x3FA4]  }
0x2e: {  	s3 =	simm.s32 @!p0 $0x1082;
	s9 =	sld [smem:$0x3FA5]  }
0x2f: {  	lr =	sadd.s32 s0, s3;
	s0 =	sld [smem:$0x3F9C]  }
0x30: {  	s3 =	sld [smem:$0x3F9F]  }
0x31: {  	[smem:$0x3FA8] =	sst s10  }
0x32: {  	s10 =	sld [smem:$0x3FA6];
	_ =	sdelay $0x3  }
0x33: {  	p0 =	seq.s32 s10, $0x1;
	s10 =	sld [smem:$0x3FA8];
	_ =	sdelay $0x3  }
0x34: {  	[smem:$0x3FA8] =	sst s10  }
0x35: {  	s10 =	sld [smem:$0x3FA7];
	_ =	sdelay $0x3  }
0x36: {  	p1 =	seq.s32 s10, $0x1;
	s10 =	sld [smem:$0x3FA8];
	_ =	sdelay $0x3  }
0x37: {  	[smem:$0x3FA8] =	sst s10  }
0x38: {  	s10 =	sld [smem:$0x3FA9]  }
0x39: {  	_ = 	snop;
	(pc) =	sbr.ind lr, $3  }
0x3a: {  	_ = 	snop  }
0x3b: {  	_ = 	snop  }
0x3c: {  	p2 =	seq.s32 s10, $0x1;
	s10 =	sld [smem:$0x3FA8]  }
0x3d: {  	_ =	shalt  }
0x3e: {  	_ =	shalt  }
0x3f: {  	_ =	shalt  }
0x40: {  	_ =	shalt  }
0x41: {  	_ =	shalt  }
0x42: {  	_ =	shalt  }
0x43: {  	_ =	shalt  }
0x44: {  	_ =	shalt  }
0x45: {  	_ =	shalt  }
0x46: {  	_ =	shalt  }
0x47: {  	_ =	shalt  }
0x48: {  	_ =	shalt  }
0x49: {  	_ =	shalt  }
0x4a: {  	_ =	shalt  }
0x4b: {  	_ =	shalt  }
0x4c: {  	_ =	shalt  }
0x4d: {  	_ =	shalt  }
0x4e: {  	_ =	shalt  }
0x4f: {  	_ =	shalt  }
0x50: {  	_ =	shalt  }
0x51: {  	_ =	shalt  }
0x52: {  	_ =	shalt  }
0x53: {  	_ =	shalt  }
0x54: {  	_ =	shalt  }
0x55: {  	_ =	shalt  }
0x56: {  	_ =	shalt  }
0x57: {  	_ =	shalt  }
0x58: {  	_ =	shalt  }
0x59: {  	_ =	shalt  }
0x5a: {  	_ =	shalt  }
0x5b: {  	_ =	shalt  }
0x5c: {  	_ =	shalt  }
0x5d: {  	_ =	shalt  }
0x5e: {  	_ =	shalt  }
0x5f: {  	_ =	shalt  }
0x60: {  	_ =	shalt  }
0x61: {  	_ =	shalt  }
0x62: {  	_ =	shalt  }
0x63: {  	_ =	shalt  }
0x64: {  	_ =	shalt  }
0x65: {  	_ =	shalt  }
0x66: {  	_ =	shalt  }
0x67: {  	_ =	shalt  }
0x68: {  	_ =	shalt  }
0x69: {  	_ =	shalt  }
0x6a: {  	_ =	shalt  }
0x6b: {  	_ =	shalt  }
0x6c: {  	_ =	shalt  }
0x6d: {  	_ =	shalt  }
0x6e: {  	_ =	shalt  }
0x6f: {  	_ =	shalt  }
0x70: {  	_ =	shalt  }
0x71: {  	_ =	shalt  }
0x72: {  	_ =	shalt  }
0x73: {  	_ =	shalt  }
0x74: {  	_ =	shalt  }
0x75: {  	_ =	shalt  }
0x76: {  	_ =	shalt  }
0x77: {  	_ =	shalt  }
0x78: {  	_ =	shalt  }
0x79: {  	_ =	shalt  }
0x7a: {  	_ =	shalt  }
0x7b: {  	_ =	shalt  }
0x7c: {  	_ =	shalt  }
0x7d: {  	_ =	shalt  }
0x7e: {  	_ =	shalt  }
0x7f: {  	_ =	shalt  }
0x80: {  	_ =	shalt  }
0x81: {  	_ =	shalt  }
0x82: {  	_ =	shalt  }
0x83: {  	_ =	shalt  }
0x84: {  	_ =	shalt  }
0x85: {  	_ =	shalt  }
0x86: {  	_ =	shalt  }
0x87: {  	_ =	shalt  }
.Lfunc_end0:
.L_simem_size_0:
called_computation.2_lowered:
.L_overlay_start_0:
0x88: {  	s2 =	sld [smem:$0x3FD9]  }
0x89: {  	s3 =	sld [smem:$0x3FFE];
	_ =	sdelay $0x1  }
0x8a: {  	s1 =	srdreg.scid  }
0x8b: {  	s0 =	sand.u32 $0x1, s1  }
0x8c: {  	s17 =	sshll.u32 s0, $0xA;
	s2 =	sadd.s32 s3, s2  }
0x8d: {  	s2 =	sadd.s32 s2, s17  }
0x8e: {  	[smem:$0x3FB4] =	sst s2  }
0x8f: {  	_ = 	snop  }
0x90: {  	s18 =	sld [smem:$0x3FC9];
	(tm) =	ssettm $0x1  }
0x91: {  	s19 =	sld [smem:$0x3FFB];
	_ =	sdelay $0x3  }
0x92: {  	_ =	strace s19  }
0x93: {  	s2 =	sld [smem:$0x3FFC];
	_ =	sdelay $0x3  }
0x94: {  	_ =	strace s2  }
0x95: {  	s2 =	sld [smem:$0x3FFD];
	_ =	sdelay $0x3  }
0x96: {  	_ =	strace s2  }
0x97: {  	_ =	strace $0x8FFFFFFF  }
0x98: {  	s20 =	sld [smem:$0x3FDB];
	_ =	sdelay $0x1  }
0x99: {  	s4 =	simm.s32 $_scs_section_size  }
0x9a: {  	s5 =	simm.s32 $_size__tile_overlayer_lowered;
	s6 =	simm.s32 $_tile_overlayer_lowered  }
0x9b: {  	s7 =	simm.s32 $0x1BFF;
	s21 =	sshll.u32 s6, $0x1;
	s4 =	sadd.s32 s4, s20  }
0x9c: {  	s22 =	simm.s32 $0x0;
	s5 =	sshll.u32 s5, $0x1;
	s6 =	sadd.s32 s21, s4  }
0x9d: {  	[timem:s22], [sflag:s7] =	dma.local [hbm:s6], s5  }
0x9e: {  	_ =	swait.ge [sflag:s7], s5  }
0x9f: {  	s5 =	ssub.s32 $0x0, s5;
	[sflag:s7] =	ssyncset.done $0x0  }
0xa0: {  	[sflag:s7] =	ssyncadd.s32 s5;
	_ =	sdelay $0x1  }
0xa1: {  	s23 =	simm.s32 $0x1B8B  }
0xa2: {  	_ =	swait.ge [sflag:s23], $0x1  }
0xa3: {  	[sflag:s23] =	ssyncset.done $0x0  }
0xa4: {  	[sflag:s23] =	ssyncadd.s32 $0xFFFFFFFF  }
0xa5: {  	s5 =	sld [smem:$0x0]  }
0xa6: {  	s6 =	sand.u32 $0xFFFFFFFE, s1  }
0xa7: {  	p0 =	sne.s32 s1, s6  }
0xa8: {  	s6 =	sshll.u32 @p0 s6, $0xE  }
0xa9: {  	s6 =	sadd.s32 @p0 $0x11B8D, s6;
	s7 =	sshll.u32 @p0 s5, $0x11  }
0xaa: {  	s6 =	sor.u32 @p0 s7, s6  }
0xab: {  	[sflag:s6] =	ssyncadd.remote.s32 @p0 $0x1;
	_ =	sdelay $0x1  }
0xac: {  	s6 =	simm.s32 @p0 $0x1B8D  }
0xad: {  	_ =	swait.eq @p0 [sflag:s6], $0x1  }
0xae: {  	[sflag:s6] =	ssyncadd.s32 @p0 $0xFFFFFFFF  }
0xaf: {  	s7 =	sshll.u32 @!p0 s1, $0xE  }
0xb0: {  	s7 =	sor.u32 @!p0 $0x4000, s7;
	s6 =	simm.s32 @!p0 $0x1B8D  }
0xb1: {  	s5 =	sshll.u32 @!p0 s5, $0x11;
	s7 =	sadd.s32 @!p0 $0x11B8D, s7;
	_ =	swait.eq @!p0 [sflag:s6], $0x1  }
0xb2: {  	s5 =	sor.u32 @!p0 s5, s7;
	[sflag:s6] =	ssyncadd.s32 @!p0 $0xFFFFFFFF  }
0xb3: {  	s25 =	simm.s32 $0x1B8E;
	s24 =	sld [smem:$0x3FFE];
	[sflag:s5] =	ssyncadd.remote.s32 @!p0 $0x1  }
0xb4: {  	s26 =	simm.s32 $execute0_lowered;
	[smem:$0x3FD2] =	sst s25  }
0xb5: {  	s6 =	sshll.u32 s26, $0x1;
	_ =	strace $0x8000004C;
	[dreg:$0x1] =	wrdreg $0xFFFFFFFF  }
0xb6: {  	s28 =	simm.s32 $_size_execute0_lowered;
	s4 =	sadd.s32 s4, s6;
	[dreg:$0x0] =	wrdreg $0x0  }
0xb7: {  	s6 =	sshll.u32 s28, $0x1;
	[dreg:$0x2] =	wrdreg s4  }
0xb8: {  	[dreg:$0x3] =	wrdreg s6  }
0xb9: {  	[dreg:$0x4] =	wrdreg $0xC0  }
0xba: {  	_ =	task [dreg:s22], $0x5FFFF  }
0xbb: {  	[dreg:$0x1] =	wrdreg $0xFFFFFFFF  }
0xbc: {  	[dreg:$0x0] =	wrdreg $0x60  }
0xbd: {  	[dreg:$0x2] =	wrdreg s18  }
0xbe: {  	[dreg:$0x3] =	wrdreg s24  }
0xbf: {  	[dreg:$0x4] =	wrdreg $0xB  }
0xc0: {  	_ =	task.clear_ibuf [dreg:s22], $0x5FFFF;
	_ =	strace $0x9000004C  }
0xc1: {  	s29 =	simm.s32 $0xB;
	_ =	strace $0x8000004E  }
0xc2: {  	_ =	swait.ge [sflag:s29], $0x1  }
0xc3: {  	[sflag:s29] =	ssyncadd.s32 $0xFFFFFFFF  }
0xc4: {  	_ =	strace $0x9000004E  }
0xc5: {  	_ =	sfence  }
0xc6: {  	s30 =	sld [smem:$0x0];
	_ =	sdelay $0x2  }
0xc7: {  	s31 =	sshll.u32 s1, $0xD;
	s1 =	sshrl.u32 s1, $0x2  }
0xc8: {  	s4 =	sand.u32 $0x4000, s31;
	s1 =	sadd.s32 s1, s30  }
0xc9: {  	s0 =	sor.u32 s4, s0;
	s1 =	sshll.u32 s1, $0x11  }
0xca: {  	s0 =	sor.u32 s1, s0  }
0xcb: {  	s0 =	sadd.s32 $0x8F2B, s0  }
0xcc: {  	[sflag:s0] =	ssyncadd.remote.s32 $0x1  }
0xcd: {  	_ =	sfence.sel $0xFFFF  }
0xce: {  	[dreg:$0x0] =	wrdreg $0xFFFFFFFF;
	(pc) =	sbr.abs _section_cstart, $3  }
0xcf: {  	[dreg:$0x1] =	wrdreg $0xFFFFFFFF  }
0xd0: {  	_ =	task.clear_ibuf [dreg:s22], $0x2FFFF;
	_ =	strace $0x9FFFFFFF  }
0xd1: {  	(tm) =	ssettm $0x7FFFFFFF  }
tec
execute0_lowered:
.L_overlay_start_1:
0x0: {  	(tag) =	ssettag $0x1  }
0x1: {  	s1 =	rddreg [dreg:$0x0]  }
0x2: {  	s6 =	rddreg [dreg:$0x1]  }
0x3: {  	s0 =	rddreg [dreg:$0x2];
	s2 =	simm.s32 $0x0;
	s3 =	srdreg.scid  }
0x4: {  	s13 =	simm.s32 $0x80;
	s14 =	simm.s32 $0x4100;
	s15 =	simm.s32 $0x1  }
0x5: {  	s16 =	simm.s32 $0x2;
	s17 =	simm.s32 $0x0;
	[smem:$0x7FF] =	sst s2  }
0x6: {  	s7 =	sand.u32 $0x1, s3;
	s4 =	sadd.s32 $0x8200, s6;
	s3 =	stileid.u32  }
0x7: {  	s5 =	sadd.s32 $0x7200, s6;
	_ =	strace $0x8000004D;
	s8 =	ssub.s32 $0x2, s7  }
0x8: {  	s10 =	sshll.u32 s3, $0x1;
	s11 =	sshll.u32 s3, $0xC;
	s30 =	sshll.u32 s3, $0x8  }
0x9: {  	s31 =	sshll.u32 s7, $0x7;
	s12 =	sshll.u32 s7, $0xB;
	s9 =	sshrl.u32 s8, $0x1  }
0xa: {  	s26 =	sor.u32 s10, s7;
	s28 =	sadd.s32 s11, s6;
	s11 =	simm.s32 $0x3  }
0xb: {  	s8 =	ssub.s32 s8, s9;
	s29 =	ssub.s32 $0x119, s26;
	s10 =	sadd.s32 s12, s28  }
0xc: {  	s12 =	simm.s32 $0x4080;
	s6 =	smax.u32 s8, $0x1;
	s7 =	sshrl.u32 s29, $0x5  }
0xd: {  	s8 =	sor.u32 s31, s30;
	s9 =	sadd.s32 $0x201200, s10;
	s10 =	sadd.s32 $0x27E200, s10  }
.LBB2_1:
0xe: {  	p1 =	sne.s32 s7, $0x1  }
.Ltmp0:
0xf: {  	_ = 	snop;
	(pc) =	sbr.rel @!p1 .LBB2_2-.Ltmp0, $2  }
0x10: {  	_ =	sdelay $0x2  }
0x11: {  	s18 =	sadd.s32 $0xFFFFFFFF, s7;
	s22 =	sshrl.u32 s8, $0x3;
	p0 =	por $0x0, $0x0  }
0x12: {  	s19 =	sadd.s32 s4, s22  }
0x13: {  	[tilespmem:s2], [sflag:$0x3] =	stream.linear.gather [hbm4b:s19+s2], $0x80, $0x38;
	[tilespmem:$0x8100] =	vst v63  }
0x14: {  	_ =	swait.ge [sflag:s11], $0x80  }
0x15: {  	[sflag:s11] =	ssyncset.done $0x0  }
0x16: {  	s31 =	sadd.s32 s5, s22;
	[sflag:s11] =	ssyncadd.s32 $0xFFFFFF80  }
0x17: {  	[tilespmem:s12], [sflag:$0x3] =	stream.linear.gather [hbm4b:s31+s2], $0x80, $0x38;
	[tilespmem:$0x8100] =	vst v63  }
0x18: {  	_ =	swait.ge [sflag:s11], $0x80  }
0x19: {  	[sflag:s11] =	ssyncset.done $0x0  }
0x1a: {  	[sflag:s11] =	ssyncadd.s32 $0xFFFFFF80  }
0x1b: {  	[tilespmem:s13], [sflag:$0x1] =	stream.indirect.gather [hbm4b:s1+s13], $0x80, s2, s13, $0xb8;
	[tilespmem:$0x8100] =	vst v63  }
0x1c: {  	_ = 	snop  }
0x1d: {  	[tilespmem:s14], [sflag:$0x2] =	stream.indirect.gather [hbm4b:s1+s13], $0x80, s12, s13, $0xb8;
	[tilespmem:$0x8100] =	vst v63  }
0x1e: {  	_ =	swait.ge [sflag:s15], $0x4000  }
0x1f: {  	[sflag:s15] =	ssyncset.done $0x0  }
0x20: {  	[sflag:s15] =	ssyncadd.s32 $0xFFFFC000  }
0x21: {  	_ =	swait.ge [sflag:s16], $0x4000  }
0x22: {  	[sflag:s16] =	ssyncset.done $0x0  }
0x23: {  	[sflag:s16] =	ssyncadd.s32 $0xFFFFC000  }
0x24: {  	[hbm4b:s9+s2] =	stream.linear.scatter [tilespmem:s13], [sflag:$0x3], $0x4000, $0x38;
	[tilespmem:$0x8100] =	vst v63  }
0x25: {  	p1 =	sne.s32 s18, $0x1;
	_ =	swait.ge [sflag:s11], $0x4000  }
.Ltmp1:
0x26: {  	[sflag:s11] =	ssyncset.done $0x0;
	(pc) =	sbr.rel @!p1 .LBB2_4-.Ltmp1, $4  }
0x27: {  	s20 =	sadd.s32 $0x1000, s8;
	s21 =	sadd.s32 $0xFFFFFFFF, s18;
	[sflag:s11] =	ssyncadd.s32 $0xFFFFC000  }
0x28: {  	[hbm4b:s10+s2] =	stream.linear.scatter [tilespmem:s14], [sflag:$0x3], $0x4000, $0x38;
	[tilespmem:$0x8100] =	vst v63  }
0x29: {  	s18 =	sadd.s32 $0x10000, s10;
	p0 =	por $0x1, $0x1;
	_ =	swait.ge [sflag:s11], $0x4000  }
0x2a: {  	s22 =	sshrl.u32 s20, $0x3;
	s19 =	smov.u32 s9;
	[sflag:s11] =	ssyncset.done $0x0  }
.LBB2_5:
0x2b: {  	s23 =	sadd.s32 s4, s22;
	[sflag:s11] =	ssyncadd.s32 $0xFFFFC000;
	s19 =	sadd.s32 $0x10000, s19  }
0x2c: {  	[tilespmem:s2], [sflag:$0x3] =	stream.linear.gather [hbm4b:s23+s2], $0x80, $0x38;
	[tilespmem:$0x8100] =	vst v63  }
0x2d: {  	p1 =	sne.s32 s21, $0x1;
	s21 =	sadd.s32 $0xFFFFFFFF, s21;
	_ =	swait.ge [sflag:s11], $0x80  }
0x2e: {  	[sflag:s11] =	ssyncset.done $0x0  }
0x2f: {  	s22 =	sadd.s32 s5, s22;
	[sflag:s11] =	ssyncadd.s32 $0xFFFFFF80  }
0x30: {  	[tilespmem:s12], [sflag:$0x3] =	stream.linear.gather [hbm4b:s22+s2], $0x80, $0x38;
	[tilespmem:$0x8100] =	vst v63  }
0x31: {  	_ =	swait.ge [sflag:s11], $0x80  }
0x32: {  	[sflag:s11] =	ssyncset.done $0x0  }
0x33: {  	[sflag:s11] =	ssyncadd.s32 $0xFFFFFF80  }
0x34: {  	[tilespmem:s13], [sflag:$0x1] =	stream.indirect.gather [hbm4b:s1+s13], $0x80, s2, s13, $0xb8;
	[tilespmem:$0x8100] =	vst v63  }
0x35: {  	_ = 	snop  }
0x36: {  	[tilespmem:s14], [sflag:$0x2] =	stream.indirect.gather [hbm4b:s1+s13], $0x80, s12, s13, $0xb8;
	[tilespmem:$0x8100] =	vst v63  }
0x37: {  	_ =	swait.ge [sflag:s15], $0x4000  }
0x38: {  	[sflag:s15] =	ssyncset.done $0x0  }
0x39: {  	[sflag:s15] =	ssyncadd.s32 $0xFFFFC000  }
0x3a: {  	_ =	swait.ge [sflag:s16], $0x4000  }
0x3b: {  	[sflag:s16] =	ssyncset.done $0x0  }
0x3c: {  	[sflag:s16] =	ssyncadd.s32 $0xFFFFC000  }
0x3d: {  	[hbm4b:s19+s2] =	stream.linear.scatter [tilespmem:s13], [sflag:$0x3], $0x4000, $0x38;
	[tilespmem:$0x8100] =	vst v63  }
0x3e: {  	_ =	swait.ge [sflag:s11], $0x4000  }
.Ltmp2:
0x3f: {  	[sflag:s11] =	ssyncset.done $0x0;
	(pc) =	sbr.rel @p1 .LBB2_5-.Ltmp2, $4  }
0x40: {  	[sflag:s11] =	ssyncadd.s32 $0xFFFFC000  }
0x41: {  	[hbm4b:s18+s2] =	stream.linear.scatter [tilespmem:s14], [sflag:$0x3], $0x4000, $0x38;
	[tilespmem:$0x8100] =	vst v63  }
0x42: {  	s20 =	sadd.s32 $0x1000, s20;
	_ =	swait.ge [sflag:s11], $0x4000  }
0x43: {  	s22 =	sshrl.u32 s20, $0x3;
	s18 =	sadd.s32 $0x10000, s18;
	[sflag:s11] =	ssyncset.done $0x0  }
.LBB2_6:
0x44: {  	s20 =	sadd.s32 s4, s22;
	[sflag:s11] =	ssyncadd.s32 @p0 $0xFFFFC000  }
0x45: {  	[tilespmem:s2], [sflag:$0x3] =	stream.linear.gather [hbm4b:s20+s2], $0x80, $0x38;
	[tilespmem:$0x8100] =	vst v63  }
0x46: {  	_ =	swait.ge [sflag:s11], $0x80  }
0x47: {  	[sflag:s11] =	ssyncset.done $0x0  }
0x48: {  	s31 =	sadd.s32 s5, s22;
	[sflag:s11] =	ssyncadd.s32 $0xFFFFFF80  }
0x49: {  	[tilespmem:s12], [sflag:$0x3] =	stream.linear.gather [hbm4b:s31+s2], $0x80, $0x38;
	[tilespmem:$0x8100] =	vst v63  }
0x4a: {  	_ =	swait.ge [sflag:s11], $0x80  }
0x4b: {  	[sflag:s11] =	ssyncset.done $0x0  }
0x4c: {  	[sflag:s11] =	ssyncadd.s32 $0xFFFFFF80  }
0x4d: {  	[tilespmem:s13], [sflag:$0x1] =	stream.indirect.gather [hbm4b:s1+s13], $0x80, s2, s13, $0xb8;
	[tilespmem:$0x8100] =	vst v63  }
0x4e: {  	_ = 	snop  }
0x4f: {  	[tilespmem:s14], [sflag:$0x2] =	stream.indirect.gather [hbm4b:s1+s13], $0x80, s12, s13, $0xb8;
	[tilespmem:$0x8100] =	vst v63  }
0x50: {  	_ =	swait.ge [sflag:s15], $0x4000  }
0x51: {  	[sflag:s15] =	ssyncset.done $0x0  }
0x52: {  	[sflag:s15] =	ssyncadd.s32 $0xFFFFC000  }
0x53: {  	_ =	swait.ge [sflag:s16], $0x4000  }
0x54: {  	s19 =	sadd.s32 @p0 $0x10000, s19;
	s20 =	smov.u32 s9;
	[sflag:s16] =	ssyncset.done $0x0  }
0x55: {  	s20 =	smov.u32 @p0 s19;
	[sflag:s16] =	ssyncadd.s32 $0xFFFFC000  }
0x56: {  	[hbm4b:s20+s2] =	stream.linear.scatter [tilespmem:s13], [sflag:$0x3], $0x4000, $0x38;
	[tilespmem:$0x8100] =	vst v63  }
0x57: {  	_ =	swait.ge [sflag:s11], $0x4000  }
0x58: {  	s17 =	sadd.s32 $0x1, s17;
	[sflag:s11] =	ssyncset.done $0x0  }
0x59: {  	p0 =	sne.s32 s17, s6;
	[sflag:s11] =	ssyncadd.s32 $0xFFFFC000  }
0x5a: {  	[hbm4b:s18+s2] =	stream.linear.scatter [tilespmem:s14], [sflag:$0x3], $0x4000, $0x38;
	[tilespmem:$0x8100] =	vst v63  }
.Ltmp3:
0x5b: {  	_ = 	snop;
	(pc) =	sbr.rel @p0 .LBB2_1-.Ltmp3, $4  }
.Ltmp4:
0x5c: {  	_ = 	snop;
	(pc) =	sbr.rel @!p0 .LBB2_7-.Ltmp4, $4  }
0x5d: {  	_ =	swait.ge [sflag:s11], $0x4000  }
0x5e: {  	[sflag:s11] =	ssyncset.done $0x0  }
0x5f: {  	[sflag:s11] =	ssyncadd.s32 $0xFFFFC000  }
0x60: {  	_ = 	snop  }
.LBB2_2:
.Ltmp5:
0x61: {  	(pc) =	sbr.rel .LBB2_6-.Ltmp5, $2  }
0x62: {  	_ =	sdelay $0x2  }
0x63: {  	s19 =	smov.u32 s9;
	s18 =	smov.u32 s10  }
.LBB2_4:
.Ltmp6:
0x64: {  	(pc) =	sbr.rel .LBB2_6-.Ltmp6, $2  }
0x65: {  	_ =	sdelay $0x2  }
0x66: {  	s19 =	smov.u32 s9  }
.LBB2_7:
0x67: {  	_ =	sfence.sel $0x180000  }
0x68: {  	[bflag:$0x0] =	sbarrier.arrive $0xFFFF  }
0x69: {  	p0 =	sne.s32 s3, $0x0;
	_ =	strace $0x9000004D  }
0x6a: {  	s0 =	sadd.s32 @!p0 $0x100000, s0;
	[bflag:$0x2] =	sbarrier.arrive $0xFFFF  }
0x6b: {  	[sflag:s0] =	ssyncadd.tile.s32 @!p0 $0x1;
	_ =	shalt  }
.Lfunc_end2:
_tile_overlayer_lowered:
.L_overlay_start_2:
0x6c: {  	(tag) =	ssettag $0x2  }
0x6d: {  	s0 =	rddreg [dreg:$0x0];
	s2 =	stileid.u32  }
0x6e: {  	s1 =	rddreg [dreg:$0x1];
	p0 =	sne.s32 s2, $0x0  }
0x6f: {  	s3 =	rddreg [dreg:$0x2];
	[bflag:$0x3] =	sbarrier.arrive $0xFFFF;
	s2 =	simm.s32 @!p0 $0x1C03  }
0x70: {  	[timem:s3], [sflag:s2] =	dma.local @!p0 [hbm:s0], s1  }
0x71: {  	s0 =	simm.s32 @!p0 $0x3  }
0x72: {  	_ =	swait.ge @!p0 [sflag:s0], s1  }
0x73: {  	s1 =	ssub.s32 @!p0 $0x0, s1;
	[sflag:s0] =	ssyncset.done @!p0 $0x0  }
0x74: {  	[sflag:s0] =	ssyncadd.s32 @!p0 s1  }
0x75: {  	[bflag:$0x3] =	sbarrier.arrive $0xFFFF  }
0x76: {  	_ =	shalt  }

// kernel: kernel.22.cloned.1.call-start
scs
__scs_entry_jumppad:
0x0: {  	(pc) =	sbr.rel $0x88, $3  }
0x1: {  	(tag) =	ssettag $0x0;
	lr =	simm.s32 $0x1  }
0x2: {  	[smem:$0x3F8D] =	sst lr;
	_ =	strace $0xD0000000  }
0x3: {  	_ = 	snop  }
0x4: {  	_ = 	snop  }
0x5: {  	_ = 	snop  }
0x6: {  	_ = 	snop  }
0x7: {  	_ = 	snop  }
__scs_overlays_trampoline_lowered:
0x8: {  	[smem:$0x3F9C] =	sst s0  }
0x9: {  	[smem:$0x3F9D] =	sst s1  }
0xa: {  	[smem:$0x3F9E] =	sst s2  }
0xb: {  	[smem:$0x3F9F] =	sst s3  }
0xc: {  	[smem:$0x3FA0] =	sst s4  }
0xd: {  	[smem:$0x3FA1] =	sst s5  }
0xe: {  	[smem:$0x3FA2] =	sst s6  }
0xf: {  	[smem:$0x3FA3] =	sst s7  }
0x10: {  	[smem:$0x3FA4] =	sst s8  }
0x11: {  	[smem:$0x3FA5] =	sst s9;
	s0 =	simm.s32 @!p0 $0x0  }
0x12: {  	s1 =	sld [smem:$0x3F8B];
	s0 =	simm.s32 @p0 $0x1  }
0x13: {  	[smem:$0x3FA6] =	sst s0;
	s0 =	simm.s32 @!p1 $0x0  }
0x14: {  	s2 =	sld [smem:$0x3F8A];
	s0 =	simm.s32 @p1 $0x1  }
0x15: {  	[smem:$0x3FA7] =	sst s0;
	s0 =	simm.s32 @!p2 $0x0  }
0x16: {  	s3 =	sld [smem:$0x3FDB];
	s0 =	simm.s32 @p2 $0x1  }
0x17: {  	s4 =	simm.s32 $0x1BF5;
	[smem:$0x3FA9] =	sst s0  }
0x18: {  	s0 =	sld [smem:$0x3F8C];
	_ =	swait.ge [sflag:s4], $0x0  }
0x19: {  	s7 =	sld [smem:$0x3F8D]  }
0x1a: {  	s8 =	sadd.s32 $0xFFFFE003, lr  }
0x1b: {  	s9 =	sadd.s32 $0xFFFFFEF7, lr;
	s5 =	simm.s32 $0xFFFFFFFF;
	p2 =	slt.u32 s8, $0xFFFFF086  }
0x1c: {  	p1 =	slt.u32 s9, $0xF7A;
	s5 =	simm.s32 @!p2 $0x0  }
0x1d: {  	s5 =	simm.s32 @p1 $0x1;
	p0 =	seq.s32 s7, s2  }
0x1e: {  	s7 =	smul.u32 @!p0 $0xF7A, s2;
	p2 =	seq.s32 @!p0 s5, $0x0  }
0x1f: {  	s9 =	smul.u32 $0xF7A, s1;
	s8 =	simm.s32 @!p0 $0x1BF5;
	p2 =	por !p2, p0  }
0x20: {  	[sflag:s8] =	ssyncset.s32 @!p0 $0xFFFFF086;
	s6 =	sadd.s32 @!p0 s3, s7;
	s7 =	simm.s32 @!p0 $0x108  }
0x21: {  	s3 =	sadd.s32 s3, s9;
	s6 =	sadd.s32 @!p0 $0x88, s6;
	s7 =	simm.s32 @p2 $0x1082  }
0x22: {  	[simem:s7], [sflag:s8] =	dma.local @!p0 [hbm:s6], $0xF7A  }
0x23: {  	s9 =	sor.u32 $0xD0000000, s2;
	s6 =	simm.s32 $0x108;
	_ =	swait.ge @!p0 [sflag:s8], $0x0  }
0x24: {  	s3 =	sadd.s32 $0x88, s3;
	s6 =	simm.s32 @!p1 $0x1082;
	[sflag:s4] =	ssyncset.s32 $0xFFFFF086  }
0x25: {  	[simem:s6], [sflag:s4] =	dma.local [hbm:s3], $0xF7A  }
0x26: {  	[smem:$0x3F8D] =	sst s1;
	(tag) =	ssettag s2;
	_ =	strace s9  }
0x27: {  	s1 =	sld [smem:$0x3F9D]  }
0x28: {  	s2 =	sld [smem:$0x3F9E]  }
0x29: {  	s4 =	sld [smem:$0x3FA0]  }
0x2a: {  	p0 =	seq.s32 s5, $0x0;
	s5 =	sld [smem:$0x3FA1]  }
0x2b: {  	s6 =	sld [smem:$0x3FA2]  }
0x2c: {  	s7 =	sld [smem:$0x3FA3]  }
0x2d: {  	s3 =	simm.s32 $0x108;
	s8 =	sld [smem:$0x3FA4]  }
0x2e: {  	s3 =	simm.s32 @!p0 $0x1082;
	s9 =	sld [smem:$0x3FA5]  }
0x2f: {  	lr =	sadd.s32 s0, s3;
	s0 =	sld [smem:$0x3F9C]  }
0x30: {  	s3 =	sld [smem:$0x3F9F]  }
0x31: {  	[smem:$0x3FA8] =	sst s10  }
0x32: {  	s10 =	sld [smem:$0x3FA6];
	_ =	sdelay $0x3  }
0x33: {  	p0 =	seq.s32 s10, $0x1;
	s10 =	sld [smem:$0x3FA8];
	_ =	sdelay $0x3  }
0x34: {  	[smem:$0x3FA8] =	sst s10  }
0x35: {  	s10 =	sld [smem:$0x3FA7];
	_ =	sdelay $0x3  }
0x36: {  	p1 =	seq.s32 s10, $0x1;
	s10 =	sld [smem:$0x3FA8];
	_ =	sdelay $0x3  }
0x37: {  	[smem:$0x3FA8] =	sst s10  }
0x38: {  	s10 =	sld [smem:$0x3FA9]  }
0x39: {  	_ = 	snop;
	(pc) =	sbr.ind lr, $3  }
0x3a: {  	_ = 	snop  }
0x3b: {  	_ = 	snop  }
0x3c: {  	p2 =	seq.s32 s10, $0x1;
	s10 =	sld [smem:$0x3FA8]  }
0x3d: {  	_ =	shalt  }
0x3e: {  	_ =	shalt  }
0x3f: {  	_ =	shalt  }
0x40: {  	_ =	shalt  }
0x41: {  	_ =	shalt  }
0x42: {  	_ =	shalt  }
0x43: {  	_ =	shalt  }
0x44: {  	_ =	shalt  }
0x45: {  	_ =	shalt  }
0x46: {  	_ =	shalt  }
0x47: {  	_ =	shalt  }
0x48: {  	_ =	shalt  }
0x49: {  	_ =	shalt  }
0x4a: {  	_ =	shalt  }
0x4b: {  	_ =	shalt  }
0x4c: {  	_ =	shalt  }
0x4d: {  	_ =	shalt  }
0x4e: {  	_ =	shalt  }
0x4f: {  	_ =	shalt  }
0x50: {  	_ =	shalt  }
0x51: {  	_ =	shalt  }
0x52: {  	_ =	shalt  }
0x53: {  	_ =	shalt  }
0x54: {  	_ =	shalt  }
0x55: {  	_ =	shalt  }
0x56: {  	_ =	shalt  }
0x57: {  	_ =	shalt  }
0x58: {  	_ =	shalt  }
0x59: {  	_ =	shalt  }
0x5a: {  	_ =	shalt  }
0x5b: {  	_ =	shalt  }
0x5c: {  	_ =	shalt  }
0x5d: {  	_ =	shalt  }
0x5e: {  	_ =	shalt  }
0x5f: {  	_ =	shalt  }
0x60: {  	_ =	shalt  }
0x61: {  	_ =	shalt  }
0x62: {  	_ =	shalt  }
0x63: {  	_ =	shalt  }
0x64: {  	_ =	shalt  }
0x65: {  	_ =	shalt  }
0x66: {  	_ =	shalt  }
0x67: {  	_ =	shalt  }
0x68: {  	_ =	shalt  }
0x69: {  	_ =	shalt  }
0x6a: {  	_ =	shalt  }
0x6b: {  	_ =	shalt  }
0x6c: {  	_ =	shalt  }
0x6d: {  	_ =	shalt  }
0x6e: {  	_ =	shalt  }
0x6f: {  	_ =	shalt  }
0x70: {  	_ =	shalt  }
0x71: {  	_ =	shalt  }
0x72: {  	_ =	shalt  }
0x73: {  	_ =	shalt  }
0x74: {  	_ =	shalt  }
0x75: {  	_ =	shalt  }
0x76: {  	_ =	shalt  }
0x77: {  	_ =	shalt  }
0x78: {  	_ =	shalt  }
0x79: {  	_ =	shalt  }
0x7a: {  	_ =	shalt  }
0x7b: {  	_ =	shalt  }
0x7c: {  	_ =	shalt  }
0x7d: {  	_ =	shalt  }
0x7e: {  	_ =	shalt  }
0x7f: {  	_ =	shalt  }
0x80: {  	_ =	shalt  }
0x81: {  	_ =	shalt  }
0x82: {  	_ =	shalt  }
0x83: {  	_ =	shalt  }
0x84: {  	_ =	shalt  }
0x85: {  	_ =	shalt  }
0x86: {  	_ =	shalt  }
0x87: {  	_ =	shalt  }
.Lfunc_end0:
.L_simem_size_0:
called_computation.3_lowered:
.L_overlay_start_0:
0x88: {  	s2 =	sld [smem:$0x3FD9]  }
0x89: {  	s3 =	sld [smem:$0x3FFE];
	_ =	sdelay $0x1  }
0x8a: {  	s1 =	srdreg.scid  }
0x8b: {  	s0 =	sand.u32 $0x1, s1  }
0x8c: {  	s17 =	sshll.u32 s0, $0xA;
	s2 =	sadd.s32 s3, s2  }
0x8d: {  	s2 =	sadd.s32 s2, s17  }
0x8e: {  	[smem:$0x3FB4] =	sst s2  }
0x8f: {  	_ = 	snop  }
0x90: {  	s18 =	sld [smem:$0x3FC9];
	(tm) =	ssettm $0x1  }
0x91: {  	s19 =	sld [smem:$0x3FFB];
	_ =	sdelay $0x3  }
0x92: {  	_ =	strace s19  }
0x93: {  	s2 =	sld [smem:$0x3FFC];
	_ =	sdelay $0x3  }
0x94: {  	_ =	strace s2  }
0x95: {  	s2 =	sld [smem:$0x3FFD];
	_ =	sdelay $0x3  }
0x96: {  	_ =	strace s2  }
0x97: {  	_ =	strace $0x8FFFFFFF  }
0x98: {  	s20 =	sld [smem:$0x3FDB];
	_ =	sdelay $0x1  }
0x99: {  	s4 =	simm.s32 $_scs_section_size  }
0x9a: {  	s5 =	simm.s32 $_size__tile_overlayer_lowered;
	s6 =	simm.s32 $_tile_overlayer_lowered  }
0x9b: {  	s7 =	simm.s32 $0x1BFF;
	s21 =	sshll.u32 s6, $0x1;
	s4 =	sadd.s32 s4, s20  }
0x9c: {  	s22 =	simm.s32 $0x0;
	s5 =	sshll.u32 s5, $0x1;
	s6 =	sadd.s32 s21, s4  }
0x9d: {  	[timem:s22], [sflag:s7] =	dma.local [hbm:s6], s5  }
0x9e: {  	_ =	swait.ge [sflag:s7], s5  }
0x9f: {  	s5 =	ssub.s32 $0x0, s5;
	[sflag:s7] =	ssyncset.done $0x0  }
0xa0: {  	[sflag:s7] =	ssyncadd.s32 s5;
	_ =	sdelay $0x1  }
0xa1: {  	s23 =	simm.s32 $0x1B8B  }
0xa2: {  	_ =	swait.ge [sflag:s23], $0x1  }
0xa3: {  	[sflag:s23] =	ssyncset.done $0x0  }
0xa4: {  	[sflag:s23] =	ssyncadd.s32 $0xFFFFFFFF  }
0xa5: {  	s5 =	sld [smem:$0x0]  }
0xa6: {  	s6 =	sand.u32 $0xFFFFFFFE, s1  }
0xa7: {  	p0 =	sne.s32 s1, s6  }
0xa8: {  	s6 =	sshll.u32 @p0 s6, $0xE  }
0xa9: {  	s6 =	sadd.s32 @p0 $0x11B8D, s6;
	s7 =	sshll.u32 @p0 s5, $0x11  }
0xaa: {  	s6 =	sor.u32 @p0 s7, s6  }
0xab: {  	[sflag:s6] =	ssyncadd.remote.s32 @p0 $0x1;
	_ =	sdelay $0x1  }
0xac: {  	s6 =	simm.s32 @p0 $0x1B8D  }
0xad: {  	_ =	swait.eq @p0 [sflag:s6], $0x1  }
0xae: {  	[sflag:s6] =	ssyncadd.s32 @p0 $0xFFFFFFFF  }
0xaf: {  	s7 =	sshll.u32 @!p0 s1, $0xE  }
0xb0: {  	s7 =	sor.u32 @!p0 $0x4000, s7;
	s6 =	simm.s32 @!p0 $0x1B8D  }
0xb1: {  	s5 =	sshll.u32 @!p0 s5, $0x11;
	s7 =	sadd.s32 @!p0 $0x11B8D, s7;
	_ =	swait.eq @!p0 [sflag:s6], $0x1  }
0xb2: {  	s5 =	sor.u32 @!p0 s5, s7;
	[sflag:s6] =	ssyncadd.s32 @!p0 $0xFFFFFFFF  }
0xb3: {  	s25 =	simm.s32 $0x1B8E;
	s24 =	sld [smem:$0x3FFE];
	[sflag:s5] =	ssyncadd.remote.s32 @!p0 $0x1  }
0xb4: {  	s26 =	simm.s32 $execute0_lowered;
	[smem:$0x3FD2] =	sst s25  }
0xb5: {  	s6 =	sshll.u32 s26, $0x1;
	_ =	strace $0x8000004F;
	[dreg:$0x1] =	wrdreg $0xFFFFFFFF  }
0xb6: {  	s28 =	simm.s32 $_size_execute0_lowered;
	s4 =	sadd.s32 s4, s6;
	[dreg:$0x0] =	wrdreg $0x0  }
0xb7: {  	s6 =	sshll.u32 s28, $0x1;
	[dreg:$0x2] =	wrdreg s4  }
0xb8: {  	[dreg:$0x3] =	wrdreg s6  }
0xb9: {  	[dreg:$0x4] =	wrdreg $0xC0  }
0xba: {  	_ =	task [dreg:s22], $0x5FFFF  }
0xbb: {  	[dreg:$0x1] =	wrdreg $0xFFFFFFFF  }
0xbc: {  	[dreg:$0x0] =	wrdreg $0x60  }
0xbd: {  	[dreg:$0x2] =	wrdreg s18  }
0xbe: {  	[dreg:$0x3] =	wrdreg s24  }
0xbf: {  	[dreg:$0x4] =	wrdreg $0xC  }
0xc0: {  	_ =	task.clear_ibuf [dreg:s22], $0x5FFFF;
	_ =	strace $0x9000004F  }
0xc1: {  	s29 =	simm.s32 $0xC;
	_ =	strace $0x80000051  }
0xc2: {  	_ =	swait.ge [sflag:s29], $0x1  }
0xc3: {  	[sflag:s29] =	ssyncadd.s32 $0xFFFFFFFF  }
0xc4: {  	_ =	strace $0x90000051  }
0xc5: {  	_ =	sfence  }
0xc6: {  	s30 =	sld [smem:$0x0];
	_ =	sdelay $0x2  }
0xc7: {  	s31 =	sshll.u32 s1, $0xD;
	s1 =	sshrl.u32 s1, $0x2  }
0xc8: {  	s4 =	sand.u32 $0x4000, s31;
	s1 =	sadd.s32 s1, s30  }
0xc9: {  	s0 =	sor.u32 s4, s0;
	s1 =	sshll.u32 s1, $0x11  }
0xca: {  	s0 =	sor.u32 s1, s0  }
0xcb: {  	s0 =	sadd.s32 $0x8F2B, s0  }
0xcc: {  	[sflag:s0] =	ssyncadd.remote.s32 $0x1  }
0xcd: {  	_ =	sfence.sel $0xFFFF  }
0xce: {  	[dreg:$0x0] =	wrdreg $0xFFFFFFFF;
	(pc) =	sbr.abs _section_cstart, $3  }
0xcf: {  	[dreg:$0x1] =	wrdreg $0xFFFFFFFF  }
0xd0: {  	_ =	task.clear_ibuf [dreg:s22], $0x2FFFF;
	_ =	strace $0x9FFFFFFF  }
0xd1: {  	(tm) =	ssettm $0x7FFFFFFF  }
tec
execute0_lowered:
.L_overlay_start_1:
0x0: {  	(tag) =	ssettag $0x1  }
0x1: {  	s1 =	rddreg [dreg:$0x0]  }
0x2: {  	s6 =	rddreg [dreg:$0x1]  }
0x3: {  	s0 =	rddreg [dreg:$0x2];
	s2 =	simm.s32 $0x0;
	s3 =	srdreg.scid  }
0x4: {  	s13 =	simm.s32 $0x80;
	s14 =	simm.s32 $0x4100;
	s15 =	simm.s32 $0x1  }
0x5: {  	s16 =	simm.s32 $0x2;
	s17 =	simm.s32 $0x0;
	[smem:$0x7FF] =	sst s2  }
0x6: {  	s7 =	sand.u32 $0x1, s3;
	s4 =	sadd.s32 $0xA200, s6;
	s3 =	stileid.u32  }
0x7: {  	s5 =	sadd.s32 $0x9200, s6;
	_ =	strace $0x80000050;
	s8 =	ssub.s32 $0x2, s7  }
0x8: {  	s10 =	sshll.u32 s3, $0x1;
	s11 =	sshll.u32 s3, $0xC;
	s30 =	sshll.u32 s3, $0x8  }
0x9: {  	s31 =	sshll.u32 s7, $0x7;
	s12 =	sshll.u32 s7, $0xB;
	s9 =	sshrl.u32 s8, $0x1  }
0xa: {  	s26 =	sor.u32 s10, s7;
	s28 =	sadd.s32 s11, s6;
	s11 =	simm.s32 $0x3  }
0xb: {  	s8 =	ssub.s32 s8, s9;
	s29 =	ssub.s32 $0x119, s26;
	s10 =	sadd.s32 s12, s28  }
0xc: {  	s12 =	simm.s32 $0x4080;
	s6 =	smax.u32 s8, $0x1;
	s7 =	sshrl.u32 s29, $0x5  }
0xd: {  	s8 =	sor.u32 s31, s30;
	s9 =	sadd.s32 $0x2FB200, s10;
	s10 =	sadd.s32 $0x378200, s10  }
.LBB2_1:
0xe: {  	p1 =	sne.s32 s7, $0x1  }
.Ltmp0:
0xf: {  	_ = 	snop;
	(pc) =	sbr.rel @!p1 .LBB2_2-.Ltmp0, $2  }
0x10: {  	_ =	sdelay $0x2  }
0x11: {  	s18 =	sadd.s32 $0xFFFFFFFF, s7;
	s22 =	sshrl.u32 s8, $0x3;
	p0 =	por $0x0, $0x0  }
0x12: {  	s19 =	sadd.s32 s4, s22  }
0x13: {  	[tilespmem:s2], [sflag:$0x3] =	stream.linear.gather [hbm4b:s19+s2], $0x80, $0x38;
	[tilespmem:$0x8100] =	vst v63  }
0x14: {  	_ =	swait.ge [sflag:s11], $0x80  }
0x15: {  	[sflag:s11] =	ssyncset.done $0x0  }
0x16: {  	s31 =	sadd.s32 s5, s22;
	[sflag:s11] =	ssyncadd.s32 $0xFFFFFF80  }
0x17: {  	[tilespmem:s12], [sflag:$0x3] =	stream.linear.gather [hbm4b:s31+s2], $0x80, $0x38;
	[tilespmem:$0x8100] =	vst v63  }
0x18: {  	_ =	swait.ge [sflag:s11], $0x80  }
0x19: {  	[sflag:s11] =	ssyncset.done $0x0  }
0x1a: {  	[sflag:s11] =	ssyncadd.s32 $0xFFFFFF80  }
0x1b: {  	[tilespmem:s13], [sflag:$0x1] =	stream.indirect.gather [hbm4b:s1+s13], $0x80, s2, s13, $0xb8;
	[tilespmem:$0x8100] =	vst v63  }
0x1c: {  	_ = 	snop  }
0x1d: {  	[tilespmem:s14], [sflag:$0x2] =	stream.indirect.gather [hbm4b:s1+s13], $0x80, s12, s13, $0xb8;
	[tilespmem:$0x8100] =	vst v63  }
0x1e: {  	_ =	swait.ge [sflag:s15], $0x4000  }
0x1f: {  	[sflag:s15] =	ssyncset.done $0x0  }
0x20: {  	[sflag:s15] =	ssyncadd.s32 $0xFFFFC000  }
0x21: {  	_ =	swait.ge [sflag:s16], $0x4000  }
0x22: {  	[sflag:s16] =	ssyncset.done $0x0  }
0x23: {  	[sflag:s16] =	ssyncadd.s32 $0xFFFFC000  }
0x24: {  	[hbm4b:s9+s2] =	stream.linear.scatter [tilespmem:s13], [sflag:$0x3], $0x4000, $0x38;
	[tilespmem:$0x8100] =	vst v63  }
0x25: {  	p1 =	sne.s32 s18, $0x1;
	_ =	swait.ge [sflag:s11], $0x4000  }
.Ltmp1:
0x26: {  	[sflag:s11] =	ssyncset.done $0x0;
	(pc) =	sbr.rel @!p1 .LBB2_4-.Ltmp1, $4  }
0x27: {  	s20 =	sadd.s32 $0x1000, s8;
	s21 =	sadd.s32 $0xFFFFFFFF, s18;
	[sflag:s11] =	ssyncadd.s32 $0xFFFFC000  }
0x28: {  	[hbm4b:s10+s2] =	stream.linear.scatter [tilespmem:s14], [sflag:$0x3], $0x4000, $0x38;
	[tilespmem:$0x8100] =	vst v63  }
0x29: {  	s18 =	sadd.s32 $0x10000, s10;
	p0 =	por $0x1, $0x1;
	_ =	swait.ge [sflag:s11], $0x4000  }
0x2a: {  	s22 =	sshrl.u32 s20, $0x3;
	s19 =	smov.u32 s9;
	[sflag:s11] =	ssyncset.done $0x0  }
.LBB2_5:
0x2b: {  	s23 =	sadd.s32 s4, s22;
	[sflag:s11] =	ssyncadd.s32 $0xFFFFC000;
	s19 =	sadd.s32 $0x10000, s19  }
0x2c: {  	[tilespmem:s2], [sflag:$0x3] =	stream.linear.gather [hbm4b:s23+s2], $0x80, $0x38;
	[tilespmem:$0x8100] =	vst v63  }
0x2d: {  	p1 =	sne.s32 s21, $0x1;
	s21 =	sadd.s32 $0xFFFFFFFF, s21;
	_ =	swait.ge [sflag:s11], $0x80  }
0x2e: {  	[sflag:s11] =	ssyncset.done $0x0  }
0x2f: {  	s22 =	sadd.s32 s5, s22;
	[sflag:s11] =	ssyncadd.s32 $0xFFFFFF80  }
0x30: {  	[tilespmem:s12], [sflag:$0x3] =	stream.linear.gather [hbm4b:s22+s2], $0x80, $0x38;
	[tilespmem:$0x8100] =	vst v63  }
0x31: {  	_ =	swait.ge [sflag:s11], $0x80  }
0x32: {  	[sflag:s11] =	ssyncset.done $0x0  }
0x33: {  	[sflag:s11] =	ssyncadd.s32 $0xFFFFFF80  }
0x34: {  	[tilespmem:s13], [sflag:$0x1] =	stream.indirect.gather [hbm4b:s1+s13], $0x80, s2, s13, $0xb8;
	[tilespmem:$0x8100] =	vst v63  }
0x35: {  	_ = 	snop  }
0x36: {  	[tilespmem:s14], [sflag:$0x2] =	stream.indirect.gather [hbm4b:s1+s13], $0x80, s12, s13, $0xb8;
	[tilespmem:$0x8100] =	vst v63  }
0x37: {  	_ =	swait.ge [sflag:s15], $0x4000  }
0x38: {  	[sflag:s15] =	ssyncset.done $0x0  }
0x39: {  	[sflag:s15] =	ssyncadd.s32 $0xFFFFC000  }
0x3a: {  	_ =	swait.ge [sflag:s16], $0x4000  }
0x3b: {  	[sflag:s16] =	ssyncset.done $0x0  }
0x3c: {  	[sflag:s16] =	ssyncadd.s32 $0xFFFFC000  }
0x3d: {  	[hbm4b:s19+s2] =	stream.linear.scatter [tilespmem:s13], [sflag:$0x3], $0x4000, $0x38;
	[tilespmem:$0x8100] =	vst v63  }
0x3e: {  	_ =	swait.ge [sflag:s11], $0x4000  }
.Ltmp2:
0x3f: {  	[sflag:s11] =	ssyncset.done $0x0;
	(pc) =	sbr.rel @p1 .LBB2_5-.Ltmp2, $4  }
0x40: {  	[sflag:s11] =	ssyncadd.s32 $0xFFFFC000  }
0x41: {  	[hbm4b:s18+s2] =	stream.linear.scatter [tilespmem:s14], [sflag:$0x3], $0x4000, $0x38;
	[tilespmem:$0x8100] =	vst v63  }
0x42: {  	s20 =	sadd.s32 $0x1000, s20;
	_ =	swait.ge [sflag:s11], $0x4000  }
0x43: {  	s22 =	sshrl.u32 s20, $0x3;
	s18 =	sadd.s32 $0x10000, s18;
	[sflag:s11] =	ssyncset.done $0x0  }
.LBB2_6:
0x44: {  	s20 =	sadd.s32 s4, s22;
	[sflag:s11] =	ssyncadd.s32 @p0 $0xFFFFC000  }
0x45: {  	[tilespmem:s2], [sflag:$0x3] =	stream.linear.gather [hbm4b:s20+s2], $0x80, $0x38;
	[tilespmem:$0x8100] =	vst v63  }
0x46: {  	_ =	swait.ge [sflag:s11], $0x80  }
0x47: {  	[sflag:s11] =	ssyncset.done $0x0  }
0x48: {  	s31 =	sadd.s32 s5, s22;
	[sflag:s11] =	ssyncadd.s32 $0xFFFFFF80  }
0x49: {  	[tilespmem:s12], [sflag:$0x3] =	stream.linear.gather [hbm4b:s31+s2], $0x80, $0x38;
	[tilespmem:$0x8100] =	vst v63  }
0x4a: {  	_ =	swait.ge [sflag:s11], $0x80  }
0x4b: {  	[sflag:s11] =	ssyncset.done $0x0  }
0x4c: {  	[sflag:s11] =	ssyncadd.s32 $0xFFFFFF80  }
0x4d: {  	[tilespmem:s13], [sflag:$0x1] =	stream.indirect.gather [hbm4b:s1+s13], $0x80, s2, s13, $0xb8;
	[tilespmem:$0x8100] =	vst v63  }
0x4e: {  	_ = 	snop  }
0x4f: {  	[tilespmem:s14], [sflag:$0x2] =	stream.indirect.gather [hbm4b:s1+s13], $0x80, s12, s13, $0xb8;
	[tilespmem:$0x8100] =	vst v63  }
0x50: {  	_ =	swait.ge [sflag:s15], $0x4000  }
0x51: {  	[sflag:s15] =	ssyncset.done $0x0  }
0x52: {  	[sflag:s15] =	ssyncadd.s32 $0xFFFFC000  }
0x53: {  	_ =	swait.ge [sflag:s16], $0x4000  }
0x54: {  	s19 =	sadd.s32 @p0 $0x10000, s19;
	s20 =	smov.u32 s9;
	[sflag:s16] =	ssyncset.done $0x0  }
0x55: {  	s20 =	smov.u32 @p0 s19;
	[sflag:s16] =	ssyncadd.s32 $0xFFFFC000  }
0x56: {  	[hbm4b:s20+s2] =	stream.linear.scatter [tilespmem:s13], [sflag:$0x3], $0x4000, $0x38;
	[tilespmem:$0x8100] =	vst v63  }
0x57: {  	_ =	swait.ge [sflag:s11], $0x4000  }
0x58: {  	s17 =	sadd.s32 $0x1, s17;
	[sflag:s11] =	ssyncset.done $0x0  }
0x59: {  	p0 =	sne.s32 s17, s6;
	[sflag:s11] =	ssyncadd.s32 $0xFFFFC000  }
0x5a: {  	[hbm4b:s18+s2] =	stream.linear.scatter [tilespmem:s14], [sflag:$0x3], $0x4000, $0x38;
	[tilespmem:$0x8100] =	vst v63  }
.Ltmp3:
0x5b: {  	_ = 	snop;
	(pc) =	sbr.rel @p0 .LBB2_1-.Ltmp3, $4  }
.Ltmp4:
0x5c: {  	_ = 	snop;
	(pc) =	sbr.rel @!p0 .LBB2_7-.Ltmp4, $4  }
0x5d: {  	_ =	swait.ge [sflag:s11], $0x4000  }
0x5e: {  	[sflag:s11] =	ssyncset.done $0x0  }
0x5f: {  	[sflag:s11] =	ssyncadd.s32 $0xFFFFC000  }
0x60: {  	_ = 	snop  }
.LBB2_2:
.Ltmp5:
0x61: {  	(pc) =	sbr.rel .LBB2_6-.Ltmp5, $2  }
0x62: {  	_ =	sdelay $0x2  }
0x63: {  	s19 =	smov.u32 s9;
	s18 =	smov.u32 s10  }
.LBB2_4:
.Ltmp6:
0x64: {  	(pc) =	sbr.rel .LBB2_6-.Ltmp6, $2  }
0x65: {  	_ =	sdelay $0x2  }
0x66: {  	s19 =	smov.u32 s9  }
.LBB2_7:
0x67: {  	_ =	sfence.sel $0x180000  }
0x68: {  	[bflag:$0x0] =	sbarrier.arrive $0xFFFF  }
0x69: {  	p0 =	sne.s32 s3, $0x0;
	_ =	strace $0x90000050  }
0x6a: {  	s0 =	sadd.s32 @!p0 $0x100000, s0;
	[bflag:$0x2] =	sbarrier.arrive $0xFFFF  }
0x6b: {  	[sflag:s0] =	ssyncadd.tile.s32 @!p0 $0x1;
	_ =	shalt  }
.Lfunc_end2:
_tile_overlayer_lowered:
.L_overlay_start_2:
0x6c: {  	(tag) =	ssettag $0x2  }
0x6d: {  	s0 =	rddreg [dreg:$0x0];
	s2 =	stileid.u32  }
0x6e: {  	s1 =	rddreg [dreg:$0x1];
	p0 =	sne.s32 s2, $0x0  }
0x6f: {  	s3 =	rddreg [dreg:$0x2];
	[bflag:$0x3] =	sbarrier.arrive $0xFFFF;
	s2 =	simm.s32 @!p0 $0x1C03  }
0x70: {  	[timem:s3], [sflag:s2] =	dma.local @!p0 [hbm:s0], s1  }
0x71: {  	s0 =	simm.s32 @!p0 $0x3  }
0x72: {  	_ =	swait.ge @!p0 [sflag:s0], s1  }
0x73: {  	s1 =	ssub.s32 @!p0 $0x0, s1;
	[sflag:s0] =	ssyncset.done @!p0 $0x0  }
0x74: {  	[sflag:s0] =	ssyncadd.s32 @!p0 s1  }
0x75: {  	[bflag:$0x3] =	sbarrier.arrive $0xFFFF  }
0x76: {  	_ =	shalt  }

// kernel: kernel.25.cloned.1.call-start
scs
__scs_entry_jumppad:
0x0: {  	(pc) =	sbr.rel $0x88, $3  }
0x1: {  	(tag) =	ssettag $0x0;
	lr =	simm.s32 $0x1  }
0x2: {  	[smem:$0x3F8D] =	sst lr;
	_ =	strace $0xD0000000  }
0x3: {  	_ = 	snop  }
0x4: {  	_ = 	snop  }
0x5: {  	_ = 	snop  }
0x6: {  	_ = 	snop  }
0x7: {  	_ = 	snop  }
__scs_overlays_trampoline_lowered:
0x8: {  	[smem:$0x3F9C] =	sst s0  }
0x9: {  	[smem:$0x3F9D] =	sst s1  }
0xa: {  	[smem:$0x3F9E] =	sst s2  }
0xb: {  	[smem:$0x3F9F] =	sst s3  }
0xc: {  	[smem:$0x3FA0] =	sst s4  }
0xd: {  	[smem:$0x3FA1] =	sst s5  }
0xe: {  	[smem:$0x3FA2] =	sst s6  }
0xf: {  	[smem:$0x3FA3] =	sst s7  }
0x10: {  	[smem:$0x3FA4] =	sst s8  }
0x11: {  	[smem:$0x3FA5] =	sst s9;
	s0 =	simm.s32 @!p0 $0x0  }
0x12: {  	s1 =	sld [smem:$0x3F8B];
	s0 =	simm.s32 @p0 $0x1  }
0x13: {  	[smem:$0x3FA6] =	sst s0;
	s0 =	simm.s32 @!p1 $0x0  }
0x14: {  	s2 =	sld [smem:$0x3F8A];
	s0 =	simm.s32 @p1 $0x1  }
0x15: {  	[smem:$0x3FA7] =	sst s0;
	s0 =	simm.s32 @!p2 $0x0  }
0x16: {  	s3 =	sld [smem:$0x3FDB];
	s0 =	simm.s32 @p2 $0x1  }
0x17: {  	s4 =	simm.s32 $0x1BF5;
	[smem:$0x3FA9] =	sst s0  }
0x18: {  	s0 =	sld [smem:$0x3F8C];
	_ =	swait.ge [sflag:s4], $0x0  }
0x19: {  	s7 =	sld [smem:$0x3F8D]  }
0x1a: {  	s8 =	sadd.s32 $0xFFFFE003, lr  }
0x1b: {  	s9 =	sadd.s32 $0xFFFFFEF7, lr;
	s5 =	simm.s32 $0xFFFFFFFF;
	p2 =	slt.u32 s8, $0xFFFFF086  }
0x1c: {  	p1 =	slt.u32 s9, $0xF7A;
	s5 =	simm.s32 @!p2 $0x0  }
0x1d: {  	s5 =	simm.s32 @p1 $0x1;
	p0 =	seq.s32 s7, s2  }
0x1e: {  	s7 =	smul.u32 @!p0 $0xF7A, s2;
	p2 =	seq.s32 @!p0 s5, $0x0  }
0x1f: {  	s9 =	smul.u32 $0xF7A, s1;
	s8 =	simm.s32 @!p0 $0x1BF5;
	p2 =	por !p2, p0  }
0x20: {  	[sflag:s8] =	ssyncset.s32 @!p0 $0xFFFFF086;
	s6 =	sadd.s32 @!p0 s3, s7;
	s7 =	simm.s32 @!p0 $0x108  }
0x21: {  	s3 =	sadd.s32 s3, s9;
	s6 =	sadd.s32 @!p0 $0x88, s6;
	s7 =	simm.s32 @p2 $0x1082  }
0x22: {  	[simem:s7], [sflag:s8] =	dma.local @!p0 [hbm:s6], $0xF7A  }
0x23: {  	s9 =	sor.u32 $0xD0000000, s2;
	s6 =	simm.s32 $0x108;
	_ =	swait.ge @!p0 [sflag:s8], $0x0  }
0x24: {  	s3 =	sadd.s32 $0x88, s3;
	s6 =	simm.s32 @!p1 $0x1082;
	[sflag:s4] =	ssyncset.s32 $0xFFFFF086  }
0x25: {  	[simem:s6], [sflag:s4] =	dma.local [hbm:s3], $0xF7A  }
0x26: {  	[smem:$0x3F8D] =	sst s1;
	(tag) =	ssettag s2;
	_ =	strace s9  }
0x27: {  	s1 =	sld [smem:$0x3F9D]  }
0x28: {  	s2 =	sld [smem:$0x3F9E]  }
0x29: {  	s4 =	sld [smem:$0x3FA0]  }
0x2a: {  	p0 =	seq.s32 s5, $0x0;
	s5 =	sld [smem:$0x3FA1]  }
0x2b: {  	s6 =	sld [smem:$0x3FA2]  }
0x2c: {  	s7 =	sld [smem:$0x3FA3]  }
0x2d: {  	s3 =	simm.s32 $0x108;
	s8 =	sld [smem:$0x3FA4]  }
0x2e: {  	s3 =	simm.s32 @!p0 $0x1082;
	s9 =	sld [smem:$0x3FA5]  }
0x2f: {  	lr =	sadd.s32 s0, s3;
	s0 =	sld [smem:$0x3F9C]  }
0x30: {  	s3 =	sld [smem:$0x3F9F]  }
0x31: {  	[smem:$0x3FA8] =	sst s10  }
0x32: {  	s10 =	sld [smem:$0x3FA6];
	_ =	sdelay $0x3  }
0x33: {  	p0 =	seq.s32 s10, $0x1;
	s10 =	sld [smem:$0x3FA8];
	_ =	sdelay $0x3  }
0x34: {  	[smem:$0x3FA8] =	sst s10  }
0x35: {  	s10 =	sld [smem:$0x3FA7];
	_ =	sdelay $0x3  }
0x36: {  	p1 =	seq.s32 s10, $0x1;
	s10 =	sld [smem:$0x3FA8];
	_ =	sdelay $0x3  }
0x37: {  	[smem:$0x3FA8] =	sst s10  }
0x38: {  	s10 =	sld [smem:$0x3FA9]  }
0x39: {  	_ = 	snop;
	(pc) =	sbr.ind lr, $3  }
0x3a: {  	_ = 	snop  }
0x3b: {  	_ = 	snop  }
0x3c: {  	p2 =	seq.s32 s10, $0x1;
	s10 =	sld [smem:$0x3FA8]  }
0x3d: {  	_ =	shalt  }
0x3e: {  	_ =	shalt  }
0x3f: {  	_ =	shalt  }
0x40: {  	_ =	shalt  }
0x41: {  	_ =	shalt  }
0x42: {  	_ =	shalt  }
0x43: {  	_ =	shalt  }
0x44: {  	_ =	shalt  }
0x45: {  	_ =	shalt  }
0x46: {  	_ =	shalt  }
0x47: {  	_ =	shalt  }
0x48: {  	_ =	shalt  }
0x49: {  	_ =	shalt  }
0x4a: {  	_ =	shalt  }
0x4b: {  	_ =	shalt  }
0x4c: {  	_ =	shalt  }
0x4d: {  	_ =	shalt  }
0x4e: {  	_ =	shalt  }
0x4f: {  	_ =	shalt  }
0x50: {  	_ =	shalt  }
0x51: {  	_ =	shalt  }
0x52: {  	_ =	shalt  }
0x53: {  	_ =	shalt  }
0x54: {  	_ =	shalt  }
0x55: {  	_ =	shalt  }
0x56: {  	_ =	shalt  }
0x57: {  	_ =	shalt  }
0x58: {  	_ =	shalt  }
0x59: {  	_ =	shalt  }
0x5a: {  	_ =	shalt  }
0x5b: {  	_ =	shalt  }
0x5c: {  	_ =	shalt  }
0x5d: {  	_ =	shalt  }
0x5e: {  	_ =	shalt  }
0x5f: {  	_ =	shalt  }
0x60: {  	_ =	shalt  }
0x61: {  	_ =	shalt  }
0x62: {  	_ =	shalt  }
0x63: {  	_ =	shalt  }
0x64: {  	_ =	shalt  }
0x65: {  	_ =	shalt  }
0x66: {  	_ =	shalt  }
0x67: {  	_ =	shalt  }
0x68: {  	_ =	shalt  }
0x69: {  	_ =	shalt  }
0x6a: {  	_ =	shalt  }
0x6b: {  	_ =	shalt  }
0x6c: {  	_ =	shalt  }
0x6d: {  	_ =	shalt  }
0x6e: {  	_ =	shalt  }
0x6f: {  	_ =	shalt  }
0x70: {  	_ =	shalt  }
0x71: {  	_ =	shalt  }
0x72: {  	_ =	shalt  }
0x73: {  	_ =	shalt  }
0x74: {  	_ =	shalt  }
0x75: {  	_ =	shalt  }
0x76: {  	_ =	shalt  }
0x77: {  	_ =	shalt  }
0x78: {  	_ =	shalt  }
0x79: {  	_ =	shalt  }
0x7a: {  	_ =	shalt  }
0x7b: {  	_ =	shalt  }
0x7c: {  	_ =	shalt  }
0x7d: {  	_ =	shalt  }
0x7e: {  	_ =	shalt  }
0x7f: {  	_ =	shalt  }
0x80: {  	_ =	shalt  }
0x81: {  	_ =	shalt  }
0x82: {  	_ =	shalt  }
0x83: {  	_ =	shalt  }
0x84: {  	_ =	shalt  }
0x85: {  	_ =	shalt  }
0x86: {  	_ =	shalt  }
0x87: {  	_ =	shalt  }
.Lfunc_end0:
.L_simem_size_0:
called_computation.4_lowered:
.L_overlay_start_0:
0x88: {  	s2 =	sld [smem:$0x3FD9]  }
0x89: {  	s3 =	sld [smem:$0x3FFE];
	_ =	sdelay $0x1  }
0x8a: {  	s1 =	srdreg.scid  }
0x8b: {  	s0 =	sand.u32 $0x1, s1  }
0x8c: {  	s17 =	sshll.u32 s0, $0xA;
	s2 =	sadd.s32 s3, s2  }
0x8d: {  	s2 =	sadd.s32 s2, s17  }
0x8e: {  	[smem:$0x3FB4] =	sst s2  }
0x8f: {  	_ = 	snop  }
0x90: {  	s18 =	sld [smem:$0x3FC9];
	(tm) =	ssettm $0x1  }
0x91: {  	s19 =	sld [smem:$0x3FFB];
	_ =	sdelay $0x3  }
0x92: {  	_ =	strace s19  }
0x93: {  	s2 =	sld [smem:$0x3FFC];
	_ =	sdelay $0x3  }
0x94: {  	_ =	strace s2  }
0x95: {  	s2 =	sld [smem:$0x3FFD];
	_ =	sdelay $0x3  }
0x96: {  	_ =	strace s2  }
0x97: {  	_ =	strace $0x8FFFFFFF  }
0x98: {  	s20 =	sld [smem:$0x3FDB];
	_ =	sdelay $0x1  }
0x99: {  	s4 =	simm.s32 $_scs_section_size  }
0x9a: {  	s5 =	simm.s32 $_size__tile_overlayer_lowered;
	s6 =	simm.s32 $_tile_overlayer_lowered  }
0x9b: {  	s7 =	simm.s32 $0x1BFF;
	s21 =	sshll.u32 s6, $0x1;
	s4 =	sadd.s32 s4, s20  }
0x9c: {  	s22 =	simm.s32 $0x0;
	s5 =	sshll.u32 s5, $0x1;
	s6 =	sadd.s32 s21, s4  }
0x9d: {  	[timem:s22], [sflag:s7] =	dma.local [hbm:s6], s5  }
0x9e: {  	_ =	swait.ge [sflag:s7], s5  }
0x9f: {  	s5 =	ssub.s32 $0x0, s5;
	[sflag:s7] =	ssyncset.done $0x0  }
0xa0: {  	[sflag:s7] =	ssyncadd.s32 s5;
	_ =	sdelay $0x1  }
0xa1: {  	s23 =	simm.s32 $0x1B8B  }
0xa2: {  	_ =	swait.ge [sflag:s23], $0x1  }
0xa3: {  	[sflag:s23] =	ssyncset.done $0x0  }
0xa4: {  	[sflag:s23] =	ssyncadd.s32 $0xFFFFFFFF  }
0xa5: {  	s5 =	sld [smem:$0x0]  }
0xa6: {  	s6 =	sand.u32 $0xFFFFFFFE, s1  }
0xa7: {  	p0 =	sne.s32 s1, s6  }
0xa8: {  	s6 =	sshll.u32 @p0 s6, $0xE  }
0xa9: {  	s6 =	sadd.s32 @p0 $0x11B8D, s6;
	s7 =	sshll.u32 @p0 s5, $0x11  }
0xaa: {  	s6 =	sor.u32 @p0 s7, s6  }
0xab: {  	[sflag:s6] =	ssyncadd.remote.s32 @p0 $0x1;
	_ =	sdelay $0x1  }
0xac: {  	s6 =	simm.s32 @p0 $0x1B8D  }
0xad: {  	_ =	swait.eq @p0 [sflag:s6], $0x1  }
0xae: {  	[sflag:s6] =	ssyncadd.s32 @p0 $0xFFFFFFFF  }
0xaf: {  	s7 =	sshll.u32 @!p0 s1, $0xE  }
0xb0: {  	s7 =	sor.u32 @!p0 $0x4000, s7;
	s6 =	simm.s32 @!p0 $0x1B8D  }
0xb1: {  	s5 =	sshll.u32 @!p0 s5, $0x11;
	s7 =	sadd.s32 @!p0 $0x11B8D, s7;
	_ =	swait.eq @!p0 [sflag:s6], $0x1  }
0xb2: {  	s5 =	sor.u32 @!p0 s5, s7;
	[sflag:s6] =	ssyncadd.s32 @!p0 $0xFFFFFFFF  }
0xb3: {  	s25 =	simm.s32 $0x1B8E;
	s24 =	sld [smem:$0x3FFE];
	[sflag:s5] =	ssyncadd.remote.s32 @!p0 $0x1  }
0xb4: {  	s26 =	simm.s32 $execute0_lowered;
	[smem:$0x3FD2] =	sst s25  }
0xb5: {  	s6 =	sshll.u32 s26, $0x1;
	_ =	strace $0x80000052;
	[dreg:$0x1] =	wrdreg $0xFFFFFFFF  }
0xb6: {  	s28 =	simm.s32 $_size_execute0_lowered;
	s4 =	sadd.s32 s4, s6;
	[dreg:$0x0] =	wrdreg $0x0  }
0xb7: {  	s6 =	sshll.u32 s28, $0x1;
	[dreg:$0x2] =	wrdreg s4  }
0xb8: {  	[dreg:$0x3] =	wrdreg s6  }
0xb9: {  	[dreg:$0x4] =	wrdreg $0xC0  }
0xba: {  	_ =	task [dreg:s22], $0x5FFFF  }
0xbb: {  	[dreg:$0x1] =	wrdreg $0xFFFFFFFF  }
0xbc: {  	[dreg:$0x0] =	wrdreg $0x60  }
0xbd: {  	[dreg:$0x2] =	wrdreg s18  }
0xbe: {  	[dreg:$0x3] =	wrdreg s24  }
0xbf: {  	[dreg:$0x4] =	wrdreg $0xD  }
0xc0: {  	_ =	task.clear_ibuf [dreg:s22], $0x5FFFF;
	_ =	strace $0x90000052  }
0xc1: {  	s29 =	simm.s32 $0xD;
	_ =	strace $0x80000054  }
0xc2: {  	_ =	swait.ge [sflag:s29], $0x1  }
0xc3: {  	[sflag:s29] =	ssyncadd.s32 $0xFFFFFFFF  }
0xc4: {  	_ =	strace $0x90000054  }
0xc5: {  	_ =	sfence  }
0xc6: {  	s30 =	sld [smem:$0x0];
	_ =	sdelay $0x2  }
0xc7: {  	s31 =	sshll.u32 s1, $0xD;
	s1 =	sshrl.u32 s1, $0x2  }
0xc8: {  	s4 =	sand.u32 $0x4000, s31;
	s1 =	sadd.s32 s1, s30  }
0xc9: {  	s0 =	sor.u32 s4, s0;
	s1 =	sshll.u32 s1, $0x11  }
0xca: {  	s0 =	sor.u32 s1, s0  }
0xcb: {  	s0 =	sadd.s32 $0x8F2B, s0  }
0xcc: {  	[sflag:s0] =	ssyncadd.remote.s32 $0x1  }
0xcd: {  	_ =	sfence.sel $0xFFFF  }
0xce: {  	[dreg:$0x0] =	wrdreg $0xFFFFFFFF;
	(pc) =	sbr.abs _section_cstart, $3  }
0xcf: {  	[dreg:$0x1] =	wrdreg $0xFFFFFFFF  }
0xd0: {  	_ =	task.clear_ibuf [dreg:s22], $0x2FFFF;
	_ =	strace $0x9FFFFFFF  }
0xd1: {  	(tm) =	ssettm $0x7FFFFFFF  }
tec
execute0_lowered:
.L_overlay_start_1:
0x0: {  	(tag) =	ssettag $0x1  }
0x1: {  	s1 =	rddreg [dreg:$0x0]  }
0x2: {  	s6 =	rddreg [dreg:$0x1]  }
0x3: {  	s0 =	rddreg [dreg:$0x2];
	s2 =	simm.s32 $0x0;
	s3 =	srdreg.scid  }
0x4: {  	s13 =	simm.s32 $0x80;
	s14 =	simm.s32 $0x4100;
	s15 =	simm.s32 $0x1  }
0x5: {  	s16 =	simm.s32 $0x2;
	s17 =	simm.s32 $0x0;
	[smem:$0x7FF] =	sst s2  }
0x6: {  	s7 =	sand.u32 $0x1, s3;
	s4 =	sadd.s32 $0xC200, s6;
	s3 =	stileid.u32  }
0x7: {  	s5 =	sadd.s32 $0xB200, s6;
	_ =	strace $0x80000053;
	s8 =	ssub.s32 $0x2, s7  }
0x8: {  	s10 =	sshll.u32 s3, $0x1;
	s11 =	sshll.u32 s3, $0xC;
	s30 =	sshll.u32 s3, $0x8  }
0x9: {  	s31 =	sshll.u32 s7, $0x7;
	s12 =	sshll.u32 s7, $0xB;
	s9 =	sshrl.u32 s8, $0x1  }
0xa: {  	s26 =	sor.u32 s10, s7;
	s28 =	sadd.s32 s11, s6;
	s11 =	simm.s32 $0x3  }
0xb: {  	s8 =	ssub.s32 s8, s9;
	s29 =	ssub.s32 $0x119, s26;
	s10 =	sadd.s32 s12, s28  }
0xc: {  	s12 =	simm.s32 $0x4080;
	s6 =	smax.u32 s8, $0x1;
	s7 =	sshrl.u32 s29, $0x5  }
0xd: {  	s8 =	sor.u32 s31, s30;
	s9 =	sadd.s32 $0x3F5200, s10;
	s10 =	sadd.s32 $0x472200, s10  }
.LBB2_1:
0xe: {  	p1 =	sne.s32 s7, $0x1  }
.Ltmp0:
0xf: {  	_ = 	snop;
	(pc) =	sbr.rel @!p1 .LBB2_2-.Ltmp0, $2  }
0x10: {  	_ =	sdelay $0x2  }
0x11: {  	s18 =	sadd.s32 $0xFFFFFFFF, s7;
	s22 =	sshrl.u32 s8, $0x3;
	p0 =	por $0x0, $0x0  }
0x12: {  	s19 =	sadd.s32 s4, s22  }
0x13: {  	[tilespmem:s2], [sflag:$0x3] =	stream.linear.gather [hbm4b:s19+s2], $0x80, $0x38;
	[tilespmem:$0x8100] =	vst v63  }
0x14: {  	_ =	swait.ge [sflag:s11], $0x80  }
0x15: {  	[sflag:s11] =	ssyncset.done $0x0  }
0x16: {  	s31 =	sadd.s32 s5, s22;
	[sflag:s11] =	ssyncadd.s32 $0xFFFFFF80  }
0x17: {  	[tilespmem:s12], [sflag:$0x3] =	stream.linear.gather [hbm4b:s31+s2], $0x80, $0x38;
	[tilespmem:$0x8100] =	vst v63  }
0x18: {  	_ =	swait.ge [sflag:s11], $0x80  }
0x19: {  	[sflag:s11] =	ssyncset.done $0x0  }
0x1a: {  	[sflag:s11] =	ssyncadd.s32 $0xFFFFFF80  }
0x1b: {  	[tilespmem:s13], [sflag:$0x1] =	stream.indirect.gather [hbm4b:s1+s13], $0x80, s2, s13, $0xb8;
	[tilespmem:$0x8100] =	vst v63  }
0x1c: {  	_ = 	snop  }
0x1d: {  	[tilespmem:s14], [sflag:$0x2] =	stream.indirect.gather [hbm4b:s1+s13], $0x80, s12, s13, $0xb8;
	[tilespmem:$0x8100] =	vst v63  }
0x1e: {  	_ =	swait.ge [sflag:s15], $0x4000  }
0x1f: {  	[sflag:s15] =	ssyncset.done $0x0  }
0x20: {  	[sflag:s15] =	ssyncadd.s32 $0xFFFFC000  }
0x21: {  	_ =	swait.ge [sflag:s16], $0x4000  }
0x22: {  	[sflag:s16] =	ssyncset.done $0x0  }
0x23: {  	[sflag:s16] =	ssyncadd.s32 $0xFFFFC000  }
0x24: {  	[hbm4b:s9+s2] =	stream.linear.scatter [tilespmem:s13], [sflag:$0x3], $0x4000, $0x38;
	[tilespmem:$0x8100] =	vst v63  }
0x25: {  	p1 =	sne.s32 s18, $0x1;
	_ =	swait.ge [sflag:s11], $0x4000  }
.Ltmp1:
0x26: {  	[sflag:s11] =	ssyncset.done $0x0;
	(pc) =	sbr.rel @!p1 .LBB2_4-.Ltmp1, $4  }
0x27: {  	s20 =	sadd.s32 $0x1000, s8;
	s21 =	sadd.s32 $0xFFFFFFFF, s18;
	[sflag:s11] =	ssyncadd.s32 $0xFFFFC000  }
0x28: {  	[hbm4b:s10+s2] =	stream.linear.scatter [tilespmem:s14], [sflag:$0x3], $0x4000, $0x38;
	[tilespmem:$0x8100] =	vst v63  }
0x29: {  	s18 =	sadd.s32 $0x10000, s10;
	p0 =	por $0x1, $0x1;
	_ =	swait.ge [sflag:s11], $0x4000  }
0x2a: {  	s22 =	sshrl.u32 s20, $0x3;
	s19 =	smov.u32 s9;
	[sflag:s11] =	ssyncset.done $0x0  }
.LBB2_5:
0x2b: {  	s23 =	sadd.s32 s4, s22;
	[sflag:s11] =	ssyncadd.s32 $0xFFFFC000;
	s19 =	sadd.s32 $0x10000, s19  }
0x2c: {  	[tilespmem:s2], [sflag:$0x3] =	stream.linear.gather [hbm4b:s23+s2], $0x80, $0x38;
	[tilespmem:$0x8100] =	vst v63  }
0x2d: {  	p1 =	sne.s32 s21, $0x1;
	s21 =	sadd.s32 $0xFFFFFFFF, s21;
	_ =	swait.ge [sflag:s11], $0x80  }
0x2e: {  	[sflag:s11] =	ssyncset.done $0x0  }
0x2f: {  	s22 =	sadd.s32 s5, s22;
	[sflag:s11] =	ssyncadd.s32 $0xFFFFFF80  }
0x30: {  	[tilespmem:s12], [sflag:$0x3] =	stream.linear.gather [hbm4b:s22+s2], $0x80, $0x38;
	[tilespmem:$0x8100] =	vst v63  }
0x31: {  	_ =	swait.ge [sflag:s11], $0x80  }
0x32: {  	[sflag:s11] =	ssyncset.done $0x0  }
0x33: {  	[sflag:s11] =	ssyncadd.s32 $0xFFFFFF80  }
0x34: {  	[tilespmem:s13], [sflag:$0x1] =	stream.indirect.gather [hbm4b:s1+s13], $0x80, s2, s13, $0xb8;
	[tilespmem:$0x8100] =	vst v63  }
0x35: {  	_ = 	snop  }
0x36: {  	[tilespmem:s14], [sflag:$0x2] =	stream.indirect.gather [hbm4b:s1+s13], $0x80, s12, s13, $0xb8;
	[tilespmem:$0x8100] =	vst v63  }
0x37: {  	_ =	swait.ge [sflag:s15], $0x4000  }
0x38: {  	[sflag:s15] =	ssyncset.done $0x0  }
0x39: {  	[sflag:s15] =	ssyncadd.s32 $0xFFFFC000  }
0x3a: {  	_ =	swait.ge [sflag:s16], $0x4000  }
0x3b: {  	[sflag:s16] =	ssyncset.done $0x0  }
0x3c: {  	[sflag:s16] =	ssyncadd.s32 $0xFFFFC000  }
0x3d: {  	[hbm4b:s19+s2] =	stream.linear.scatter [tilespmem:s13], [sflag:$0x3], $0x4000, $0x38;
	[tilespmem:$0x8100] =	vst v63  }
0x3e: {  	_ =	swait.ge [sflag:s11], $0x4000  }
.Ltmp2:
0x3f: {  	[sflag:s11] =	ssyncset.done $0x0;
	(pc) =	sbr.rel @p1 .LBB2_5-.Ltmp2, $4  }
0x40: {  	[sflag:s11] =	ssyncadd.s32 $0xFFFFC000  }
0x41: {  	[hbm4b:s18+s2] =	stream.linear.scatter [tilespmem:s14], [sflag:$0x3], $0x4000, $0x38;
	[tilespmem:$0x8100] =	vst v63  }
0x42: {  	s20 =	sadd.s32 $0x1000, s20;
	_ =	swait.ge [sflag:s11], $0x4000  }
0x43: {  	s22 =	sshrl.u32 s20, $0x3;
	s18 =	sadd.s32 $0x10000, s18;
	[sflag:s11] =	ssyncset.done $0x0  }
.LBB2_6:
0x44: {  	s20 =	sadd.s32 s4, s22;
	[sflag:s11] =	ssyncadd.s32 @p0 $0xFFFFC000  }
0x45: {  	[tilespmem:s2], [sflag:$0x3] =	stream.linear.gather [hbm4b:s20+s2], $0x80, $0x38;
	[tilespmem:$0x8100] =	vst v63  }
0x46: {  	_ =	swait.ge [sflag:s11], $0x80  }
0x47: {  	[sflag:s11] =	ssyncset.done $0x0  }
0x48: {  	s31 =	sadd.s32 s5, s22;
	[sflag:s11] =	ssyncadd.s32 $0xFFFFFF80  }
0x49: {  	[tilespmem:s12], [sflag:$0x3] =	stream.linear.gather [hbm4b:s31+s2], $0x80, $0x38;
	[tilespmem:$0x8100] =	vst v63  }
0x4a: {  	_ =	swait.ge [sflag:s11], $0x80  }
0x4b: {  	[sflag:s11] =	ssyncset.done $0x0  }
0x4c: {  	[sflag:s11] =	ssyncadd.s32 $0xFFFFFF80  }
0x4d: {  	[tilespmem:s13], [sflag:$0x1] =	stream.indirect.gather [hbm4b:s1+s13], $0x80, s2, s13, $0xb8;
	[tilespmem:$0x8100] =	vst v63  }
0x4e: {  	_ = 	snop  }
0x4f: {  	[tilespmem:s14], [sflag:$0x2] =	stream.indirect.gather [hbm4b:s1+s13], $0x80, s12, s13, $0xb8;
	[tilespmem:$0x8100] =	vst v63  }
0x50: {  	_ =	swait.ge [sflag:s15], $0x4000  }
0x51: {  	[sflag:s15] =	ssyncset.done $0x0  }
0x52: {  	[sflag:s15] =	ssyncadd.s32 $0xFFFFC000  }
0x53: {  	_ =	swait.ge [sflag:s16], $0x4000  }
0x54: {  	s19 =	sadd.s32 @p0 $0x10000, s19;
	s20 =	smov.u32 s9;
	[sflag:s16] =	ssyncset.done $0x0  }
0x55: {  	s20 =	smov.u32 @p0 s19;
	[sflag:s16] =	ssyncadd.s32 $0xFFFFC000  }
0x56: {  	[hbm4b:s20+s2] =	stream.linear.scatter [tilespmem:s13], [sflag:$0x3], $0x4000, $0x38;
	[tilespmem:$0x8100] =	vst v63  }
0x57: {  	_ =	swait.ge [sflag:s11], $0x4000  }
0x58: {  	s17 =	sadd.s32 $0x1, s17;
	[sflag:s11] =	ssyncset.done $0x0  }
0x59: {  	p0 =	sne.s32 s17, s6;
	[sflag:s11] =	ssyncadd.s32 $0xFFFFC000  }
0x5a: {  	[hbm4b:s18+s2] =	stream.linear.scatter [tilespmem:s14], [sflag:$0x3], $0x4000, $0x38;
	[tilespmem:$0x8100] =	vst v63  }
.Ltmp3:
0x5b: {  	_ = 	snop;
	(pc) =	sbr.rel @p0 .LBB2_1-.Ltmp3, $4  }
.Ltmp4:
0x5c: {  	_ = 	snop;
	(pc) =	sbr.rel @!p0 .LBB2_7-.Ltmp4, $4  }
0x5d: {  	_ =	swait.ge [sflag:s11], $0x4000  }
0x5e: {  	[sflag:s11] =	ssyncset.done $0x0  }
0x5f: {  	[sflag:s11] =	ssyncadd.s32 $0xFFFFC000  }
0x60: {  	_ = 	snop  }
.LBB2_2:
.Ltmp5:
0x61: {  	(pc) =	sbr.rel .LBB2_6-.Ltmp5, $2  }
0x62: {  	_ =	sdelay $0x2  }
0x63: {  	s19 =	smov.u32 s9;
	s18 =	smov.u32 s10  }
.LBB2_4:
.Ltmp6:
0x64: {  	(pc) =	sbr.rel .LBB2_6-.Ltmp6, $2  }
0x65: {  	_ =	sdelay $0x2  }
0x66: {  	s19 =	smov.u32 s9  }
.LBB2_7:
0x67: {  	_ =	sfence.sel $0x180000  }
0x68: {  	[bflag:$0x0] =	sbarrier.arrive $0xFFFF  }
0x69: {  	p0 =	sne.s32 s3, $0x0;
	_ =	strace $0x90000053  }
0x6a: {  	s0 =	sadd.s32 @!p0 $0x100000, s0;
	[bflag:$0x2] =	sbarrier.arrive $0xFFFF  }
0x6b: {  	[sflag:s0] =	ssyncadd.tile.s32 @!p0 $0x1;
	_ =	shalt  }
.Lfunc_end2:
_tile_overlayer_lowered:
.L_overlay_start_2:
0x6c: {  	(tag) =	ssettag $0x2  }
0x6d: {  	s0 =	rddreg [dreg:$0x0];
	s2 =	stileid.u32  }
0x6e: {  	s1 =	rddreg [dreg:$0x1];
	p0 =	sne.s32 s2, $0x0  }
0x6f: {  	s3 =	rddreg [dreg:$0x2];
	[bflag:$0x3] =	sbarrier.arrive $0xFFFF;
	s2 =	simm.s32 @!p0 $0x1C03  }
0x70: {  	[timem:s3], [sflag:s2] =	dma.local @!p0 [hbm:s0], s1  }
0x71: {  	s0 =	simm.s32 @!p0 $0x3  }
0x72: {  	_ =	swait.ge @!p0 [sflag:s0], s1  }
0x73: {  	s1 =	ssub.s32 @!p0 $0x0, s1;
	[sflag:s0] =	ssyncset.done @!p0 $0x0  }
0x74: {  	[sflag:s0] =	ssyncadd.s32 @!p0 s1  }
0x75: {  	[bflag:$0x3] =	sbarrier.arrive $0xFFFF  }
0x76: {  	_ =	shalt  }

</sc_bundles>
